<compile_context>
chip_gen: v7x
topology: tpu7x:2x2x1
jax: 0.10.2.dev20260603
libtpu: 0.0.44.dev20260713+nightly
codegen_flags: <defaults>
</compile_context>

<pallas_src>
import jax
import jax.numpy as jnp
from jax import lax
from jax.experimental import pallas as pl
from jax.experimental.pallas import tpu as pltpu
from jax.experimental.pallas import tpu_sc as plsc

_N = 100000
_D = 768
_A = 64
_H = 256
_K = 16
_BLK = 4096
_GRID = 25
_NPAD = _GRID * _BLK
_NTILE = 16
_CHUNK = _NPAD // _NTILE
_NCH = _CHUNK // 16


def _scores_body(x_ref, w1_ref, b1_ref, w2_ref, out_ref):
    i = pl.program_id(0)
    xb = x_ref[...].astype(jnp.bfloat16)
    w1 = w1_ref[...].astype(jnp.bfloat16)
    h = jnp.tanh(
        lax.dot_general(xb, w1, (((1,), (0,)), ((), ())),
                        preferred_element_type=jnp.float32)
        + b1_ref[...]
    )
    hb = h.astype(jnp.bfloat16).astype(jnp.float32)
    w2 = w2_ref[...].astype(jnp.bfloat16).astype(jnp.float32)
    s = jnp.sum(hb * w2, axis=1)
    row = i * _BLK + lax.broadcasted_iota(jnp.int32, (_BLK,), 0)
    out_ref[0, 0, :] = jnp.where(row < _N, s, -jnp.inf)


def _scores(x, w1, b1_2d, w2_2d):
    return pl.pallas_call(
        _scores_body,
        grid=(_GRID,),
        in_specs=[
            pl.BlockSpec((_BLK, _D), lambda i: (i, 0)),
            pl.BlockSpec((_D, _A), lambda i: (0, 0)),
            pl.BlockSpec((1, _A), lambda i: (0, 0)),
            pl.BlockSpec((1, _A), lambda i: (0, 0)),
        ],
        out_specs=pl.BlockSpec((1, 1, _BLK), lambda i: (i, 0, 0)),
        out_shape=jax.ShapeDtypeStruct((_GRID, 1, _BLK), jnp.float32),
    )(x, w1, b1_2d, w2_2d)


def _merge16(rv, ri, cv, ci):
    cv, ci = plsc.sort_key_val(cv, ci, descending=True)
    take = cv > rv
    nv = jnp.where(take, cv, rv)
    ni = jnp.where(take, ci, ri)
    nv, ni = plsc.sort_key_val(nv, ni, descending=False)
    return nv, ni


def _mil_sc_body(scores_hbm, x_hbm, wc1t_hbm, bc1_hbm, wc2_hbm, bc2_hbm,
                 fw_hbm, idx_hbm, emb_hbm, lg_hbm, exv_hbm, exi_hbm, exh_hbm,
                 sc_v, zb_v, rows_v, wrow_v, emb_vv, hall_v,
                 allv_v, alli_v, stgf, stgi, stge, wc2_v, bc1_v, bc2_v, sem):
    sid = lax.axis_index("s")
    base = sid * _CHUNK
    lane = lax.iota(jnp.int32, 16)
    ninf = jnp.full((16,), -jnp.inf, jnp.float32)
    zi = jnp.zeros((16,), jnp.int32)

    pltpu.sync_copy(scores_hbm.at[pl.ds(base, _CHUNK)], sc_v)

    def scan_body(c, carry):
        rv, ri = carry
        cv = sc_v[pl.ds(c * 16, 16)]
        ci = base + c * 16 + lane
        return _merge16(rv, ri, cv, ci)

    rv, ri = lax.fori_loop(0, _NCH, scan_body, (ninf, zi))

    stgf[...] = rv
    stgi[...] = ri
    pltpu.sync_copy(stgf, exv_hbm.at[sid])
    pltpu.sync_copy(stgi, exi_hbm.at[sid])
    plsc.subcore_barrier()

    pltpu.sync_copy(exv_hbm, allv_v)
    pltpu.sync_copy(exi_hbm, alli_v)
    rv, ri = ninf, zi
    for t in range(_NTILE):
        rv, ri = _merge16(rv, ri, allv_v[t, :], alli_v[t, :])
    top_v = lax.rev(rv, (0,))
    top_i = lax.rev(ri, (0,))

    mx = jnp.max(top_v)
    e = jnp.exp(top_v - mx)
    w = e / jnp.sum(e)

    stgi[...] = top_i

    @pl.when(sid == 0)
    def _():
        pltpu.sync_copy(stgi, idx_hbm)

    def zb_body(c, carry):
        zb_v[pl.ds(c * 16, 16)] = jnp.zeros((16,), jnp.float32)
        return carry

    lax.fori_loop(0, _NCH, zb_body, 0)
    li = top_i - base
    msk = (li >= 0) & (li < _CHUNK)
    plsc.store_scatter(zb_v, [jnp.where(msk, li, 0)], w, mask=msk)
    pltpu.sync_copy(zb_v, fw_hbm.at[pl.ds(base, _CHUNK)])

    pltpu.async_copy(x_hbm.at[stgi], rows_v, sem).wait()

    wk = []
    for k in range(_K):
        wk.append(jnp.sum(jnp.where(lane == k, w, 0.0)))
    for jj in range(3):
        j = sid * 3 + jj
        acc = jnp.zeros((16,), jnp.float32)
        for k in range(_K):
            acc = acc + wk[k] * rows_v[k, pl.ds(j * 16, 16)]
        stge[pl.ds(jj * 16, 16)] = acc
    pltpu.sync_copy(stge, emb_hbm.at[pl.ds(sid * 48, 48)])
    plsc.subcore_barrier()

    pltpu.sync_copy(emb_hbm, emb_vv)
    pltpu.sync_copy(wc1t_hbm.at[pl.ds(sid * 16, 16), :], wrow_v)
    pltpu.sync_copy(bc1_hbm.at[pl.ds(sid * 16, 16)], bc1_v)
    hvec = jnp.zeros((16,), jnp.float32)
    for cc in range(16):
        def hb(jj, acc, _cc=cc):
            return acc + emb_vv[pl.ds(jj * 16, 16)] * wrow_v[_cc, pl.ds(jj * 16, 16)]
        acc = lax.fori_loop(0, _D // 16, hb, jnp.zeros((16,), jnp.float32))
        hvec = hvec + jnp.where(lane == cc, jnp.sum(acc), 0.0)
    hvec = jnp.maximum(hvec + bc1_v[...], 0.0)
    stgf[...] = hvec
    pltpu.sync_copy(stgf, exh_hbm.at[sid])
    plsc.subcore_barrier()

    @pl.when(sid == 0)
    def _():
        pltpu.sync_copy(exh_hbm, hall_v)
        pltpu.sync_copy(wc2_hbm, wc2_v)
        pltpu.sync_copy(bc2_hbm, bc2_v)
        acc = jnp.zeros((16,), jnp.float32)
        for jj in range(16):
            acc = acc + hall_v[jj, :] * wc2_v[pl.ds(jj * 16, 16)]
        stgf[...] = jnp.full((16,), jnp.sum(acc), jnp.float32) + bc2_v[...]
        pltpu.sync_copy(stgf, lg_hbm)


def _mil_sc(scores, x, wc1t, bc1, wc2, bc2v):
    mesh = plsc.VectorSubcoreMesh(core_axis_name="c", subcore_axis_name="s")
    fn = pl.kernel(
        _mil_sc_body,
        out_type=(
            jax.ShapeDtypeStruct((_NPAD,), jnp.float32),
            jax.ShapeDtypeStruct((_K,), jnp.int32),
            jax.ShapeDtypeStruct((_D,), jnp.float32),
            jax.ShapeDtypeStruct((16,), jnp.float32),
            jax.ShapeDtypeStruct((_NTILE, 16), jnp.float32),
            jax.ShapeDtypeStruct((_NTILE, 16), jnp.int32),
            jax.ShapeDtypeStruct((_NTILE, 16), jnp.float32),
        ),
        mesh=mesh,
        compiler_params=pltpu.CompilerParams(needs_layout_passes=False),
        scratch_types=[
            pltpu.VMEM((_CHUNK,), jnp.float32),
            pltpu.VMEM((_CHUNK,), jnp.float32),
            pltpu.VMEM((_K, _D), jnp.float32),
            pltpu.VMEM((16, _D), jnp.float32),
            pltpu.VMEM((_D,), jnp.float32),
            pltpu.VMEM((16, 16), jnp.float32),
            pltpu.VMEM((16, 16), jnp.float32),
            pltpu.VMEM((16, 16), jnp.int32),
            pltpu.VMEM((16,), jnp.float32),
            pltpu.VMEM((16,), jnp.int32),
            pltpu.VMEM((48,), jnp.float32),
            pltpu.VMEM((_H,), jnp.float32),
            pltpu.VMEM((16,), jnp.float32),
            pltpu.VMEM((16,), jnp.float32),
            pltpu.SemaphoreType.DMA,
        ],
    )
    return fn(scores, x, wc1t, bc1, wc2, bc2v)


def kernel(x, W1, b1, W2, b2, Wc1, bc1, Wc2, bc2):
    del b2
    scores = _scores(x, W1, b1.reshape(1, _A), W2.reshape(1, _A)).reshape(_NPAD)
    wc1t = Wc1.T
    fw_pad, topk_idx, emb, lg = _mil_sc(
        scores, x, wc1t, bc1, Wc2.reshape(_H), jnp.broadcast_to(bc2, (16,))
    )[:4]
    return (lg[0], emb, fw_pad[:_N], topk_idx)

# --- scband reference (transcript-rebuilt; emitter-appended) ---
"""Pipeline reference for scband-top-kattention-mil-16329465660223 (READ-ONLY COPY).

The authoritative reference and input builder live on the scoring server;
editing this copy changes nothing except your own understanding.
"""

import jax, jax.numpy as jnp
import numpy as np

N = 100000
D = 768
A = 64
H = 256
K = 16


def _uniform(key, shape, fan_in):
    bound = 1.0 / np.sqrt(fan_in)
    return jax.random.uniform(key, shape, jnp.float32, -bound, bound)


def setup_inputs(seed: int = 0) -> dict:
    key = jax.random.key(seed)
    ks = jax.random.split(key, 9)
    x = jax.random.normal(ks[0], (N, D), dtype=jnp.float32)
    W1 = _uniform(ks[1], (D, A), D)
    b1 = _uniform(ks[2], (A,), D)
    W2 = _uniform(ks[3], (A, 1), A)
    b2 = _uniform(ks[4], (1,), A)
    Wc1 = _uniform(ks[5], (D, H), D)
    bc1 = _uniform(ks[6], (H,), D)
    Wc2 = _uniform(ks[7], (H, 1), H)
    bc2 = _uniform(ks[8], (1,), H)
    return {"x": x, "W1": W1, "b1": b1, "W2": W2, "b2": b2,
            "Wc1": Wc1, "bc1": bc1, "Wc2": Wc2, "bc2": bc2}


def reference(x, W1, b1, W2, b2, Wc1, bc1, Wc2, bc2):
    # attention logits for all patches: Linear -> Tanh -> Linear
    attn_logits = jnp.tanh(x @ W1 + b1) @ W2 + b2  # [N, 1]
    n = x.shape[0]
    k = min(K, n)
    scores = attn_logits[:, 0]
    _, topk_idx = jax.lax.top_k(scores, k)  # [k]
    x_k = x[topk_idx]              # gather: [k, D]
    logits_k = attn_logits[topk_idx]  # [k, 1]
    attn_weights = jax.nn.softmax(logits_k, axis=0)  # [k, 1]
    slide_embedding = jnp.sum(attn_weights * x_k, axis=0)  # [D]
    # classifier: Linear -> ReLU -> (Dropout eval = identity) -> Linear
    h = jnp.maximum(slide_embedding @ Wc1 + bc1, 0.0)
    logit = (h @ Wc2 + bc2)[0]  # scalar
    full_weights = jnp.zeros((n,), jnp.float32).at[topk_idx].set(attn_weights[:, 0])
    return (logit, slide_embedding, full_weights, topk_idx)

if __name__ == "__main__":
    import jax
    _d = setup_inputs()
    print(jax.jit(kernel)(*tuple(_d.values())))

</pallas_src>

<mosaic_0001>
#map = affine_map<(d0, d1) -> (0)>
#map1 = affine_map<(d0, d1) -> (0, 0)>
module attributes {stable_mosaic.version = 14 : i64} {
  func.func @_mil_sc_body(%arg0: i32, %arg1: i32, %arg2: memref<102400xf32, #tpu.memory_space<hbm>>, %arg3: memref<100000x768xf32, #tpu.memory_space<hbm>>, %arg4: memref<256x768xf32, #tpu.memory_space<hbm>>, %arg5: memref<256xf32, #tpu.memory_space<hbm>>, %arg6: memref<256xf32, #tpu.memory_space<hbm>>, %arg7: memref<16xf32, #tpu.memory_space<hbm>>, %arg8: memref<102400xf32, #tpu.memory_space<hbm>>, %arg9: memref<16xi32, #tpu.memory_space<hbm>>, %arg10: memref<768xf32, #tpu.memory_space<hbm>>, %arg11: memref<16xf32, #tpu.memory_space<hbm>>, %arg12: memref<16x16xf32, #tpu.memory_space<hbm>>, %arg13: memref<16x16xi32, #tpu.memory_space<hbm>>, %arg14: memref<16x16xf32, #tpu.memory_space<hbm>>, %arg15: memref<6400xf32, #tpu.memory_space<vmem>>, %arg16: memref<6400xf32, #tpu.memory_space<vmem>>, %arg17: memref<16x768xf32, #tpu.memory_space<vmem>>, %arg18: memref<16x768xf32, #tpu.memory_space<vmem>>, %arg19: memref<768xf32, #tpu.memory_space<vmem>>, %arg20: memref<16x16xf32, #tpu.memory_space<vmem>>, %arg21: memref<16x16xf32, #tpu.memory_space<vmem>>, %arg22: memref<16x16xi32, #tpu.memory_space<vmem>>, %arg23: memref<16xf32, #tpu.memory_space<vmem>>, %arg24: memref<16xi32, #tpu.memory_space<vmem>>, %arg25: memref<48xf32, #tpu.memory_space<vmem>>, %arg26: memref<256xf32, #tpu.memory_space<vmem>>, %arg27: memref<16xf32, #tpu.memory_space<vmem>>, %arg28: memref<16xf32, #tpu.memory_space<vmem>>, %arg29: memref<!tpu.dma_semaphore, #tpu.memory_space<semaphore_mem>>) attributes {dimension_semantics = [#tpu.dimension_semantics<core_parallel>, #tpu.dimension_semantics<subcore_parallel>], iteration_bounds = array<i64: 2, 16>, scalar_prefetch = 0 : i64, scratch_operands = 15 : i64, tpu.core_type = #tpu.core_type<sc_vector_subcore>, window_params = [{transform_indices = #map}, {transform_indices = #map1}, {transform_indices = #map1}, {transform_indices = #map}, {transform_indices = #map}, {transform_indices = #map}, {transform_indices = #map}, {transform_indices = #map}, {transform_indices = #map}, {transform_indices = #map}, {transform_indices = #map1}, {transform_indices = #map1}, {transform_indices = #map1}]} {
    %mul3A = arith.constant 6400 : i32
    %mul3A_0 = arith.muli %arg1, %mul3A : i32
    %iota3A = tpu.iota {dimensions = array<i32: 0>} : vector<16xi32>
    %broadcast_in_dim3A = arith.constant 0xFF800000 : f32
    %broadcast_in_dim3A_1 = vector.broadcast %broadcast_in_dim3A : f32 to vector<16xf32>
    %broadcast_in_dim3A_2 = arith.constant 0 : i32
    %broadcast_in_dim3A_3 = vector.broadcast %broadcast_in_dim3A_2 : i32 to vector<16xi32>
    "tpu.region"() ({
      %run_scoped3A = tpu.sem_alloc : memref<!tpu.dma_semaphore, #tpu.memory_space<semaphore_mem>>
      %dma_start3A_1308 = tpu.memref_slice %arg2[%mul3A_0] : memref<102400xf32, #tpu.memory_space<hbm>> -> memref<6400xf32, #tpu.memory_space<hbm>>
      %dma_start3A_1309 = tpu.memref_slice %arg2[%mul3A_0] : memref<102400xf32, #tpu.memory_space<hbm>> -> memref<6400xf32, #tpu.memory_space<hbm>>
      tpu.enqueue_dma source(%dma_start3A_1309 : memref<6400xf32, #tpu.memory_space<hbm>>) target(%arg15 : memref<6400xf32, #tpu.memory_space<vmem>>) target_semaphore(%run_scoped3A : memref<!tpu.dma_semaphore, #tpu.memory_space<semaphore_mem>>)
      %dma_wait3A_1310 = tpu.memref_slice %arg2[%mul3A_0] : memref<102400xf32, #tpu.memory_space<hbm>> -> memref<6400xf32, #tpu.memory_space<hbm>>
      %dma_wait3A_1311 = tpu.memref_slice %arg2[%mul3A_0] : memref<102400xf32, #tpu.memory_space<hbm>> -> memref<6400xf32, #tpu.memory_space<hbm>>
      tpu.wait_dma2 semaphore(%run_scoped3A : memref<!tpu.dma_semaphore, #tpu.memory_space<semaphore_mem>>) src(%dma_wait3A_1311 : memref<6400xf32, #tpu.memory_space<hbm>>) dst(%arg15 : memref<6400xf32, #tpu.memory_space<vmem>>)
      tpu.yield
    }) : () -> ()
    %scan3A = arith.constant 0 : i32
    %scan3A_4 = arith.constant 400 : i32
    %scan3A_5 = arith.addi %scan3A, %scan3A_4 : i32
    %scan3A_6 = arith.constant 1 : i32
    %scan3A_7:2 = scf.for %scan3A_1308 = %scan3A to %scan3A_5 step %scan3A_6 iter_args(%scan3A_1309 = %broadcast_in_dim3A_1, %scan3A_1310 = %broadcast_in_dim3A_3) -> (vector<16xf32>, vector<16xi32>)  : i32 {
      %mul3A_1311 = arith.constant 16 : i32
      %mul3A_1312 = arith.muli %scan3A_1308, %mul3A_1311 : i32
      %get3A_1313 = arith.index_cast %mul3A_1312 : i32 to index
      %get3A_1314 = tpu.vector_load %arg15[%get3A_1313] {strides = array<i32>} : memref<6400xf32, #tpu.memory_space<vmem>>, vector<16xf32>,
      %mul3A_1315 = arith.constant 16 : i32
      %mul3A_1316 = arith.muli %scan3A_1308, %mul3A_1315 : i32
      %add3A_1317 = arith.addi %mul3A_0, %mul3A_1316 : i32
      %add3A_1318 = vector.broadcast %add3A_1317 : i32 to vector<16xi32>
      %add3A_1319 = arith.addi %add3A_1318, %iota3A : vector<16xi32>
      %masked_sort3A_1320 = arith.constant dense<true> : vector<16xi1>
      %masked_sort3A_1321, %masked_sort3A_1322, %masked_sort3A_1323 = tpu.sort %get3A_1314, %add3A_1319 masked %masked_sort3A_1320 {descending = true} : (vector<16xf32>, vector<16xi32>, vector<16xi1>) -> (vector<16xi1>, vector<16xf32>, vector<16xi32>)
      %gt3A_1324 = arith.cmpf ogt, %masked_sort3A_1322, %scan3A_1309 : vector<16xf32>
      %select_n3A_1325 = arith.select %gt3A_1324, %masked_sort3A_1322, %scan3A_1309 : vector<16xi1>, vector<16xf32>
      %select_n3A_1326 = arith.select %gt3A_1324, %masked_sort3A_1323, %scan3A_1310 : vector<16xi1>, vector<16xi32>
      %masked_sort3A_1327 = arith.constant dense<true> : vector<16xi1>
      %masked_sort3A_1328, %masked_sort3A_1329, %masked_sort3A_1330 = tpu.sort %select_n3A_1325, %select_n3A_1326 masked %masked_sort3A_1327 : (vector<16xf32>, vector<16xi32>, vector<16xi1>) -> (vector<16xi1>, vector<16xf32>, vector<16xi32>)
      scf.yield %masked_sort3A_1329, %masked_sort3A_1330 : vector<16xf32>, vector<16xi32>
    }
    %scan3A_8 = arith.constant 400 : i32
    %swap3A = arith.constant 0 : index
    %swap3A_9 = tpu.vector_load %arg23[%swap3A] {strides = array<i32>} : memref<16xf32, #tpu.memory_space<vmem>>, vector<16xf32>,
    tpu.vector_store %arg23[%swap3A], %scan3A_7#0 {strides = array<i32>} : memref<16xf32, #tpu.memory_space<vmem>>, vector<16xf32>,
    %swap3A_10 = arith.constant 0 : index
    %swap3A_11 = tpu.vector_load %arg24[%swap3A_10] {strides = array<i32>} : memref<16xi32, #tpu.memory_space<vmem>>, vector<16xi32>,
    tpu.vector_store %arg24[%swap3A_10], %scan3A_7#1 {strides = array<i32>} : memref<16xi32, #tpu.memory_space<vmem>>, vector<16xi32>,
    "tpu.region"() ({
      %run_scoped3A = tpu.sem_alloc : memref<!tpu.dma_semaphore, #tpu.memory_space<semaphore_mem>>
      %dma_start3A_1308 = arith.constant 0 : i32
      %dma_start3A_1309 = tpu.memref_slice %arg12[%arg1, %dma_start3A_1308] : memref<16x16xf32, #tpu.memory_space<hbm>> -> memref<1x16xf32, #tpu.memory_space<hbm>>
      %dma_start3A_1310 = tpu.memref_squeeze %dma_start3A_1309 : memref<1x16xf32, #tpu.memory_space<hbm>> -> memref<16xf32, #tpu.memory_space<hbm>>
      %dma_start3A_1311 = arith.constant 0 : i32
      %dma_start3A_1312 = tpu.memref_slice %arg12[%arg1, %dma_start3A_1311] : memref<16x16xf32, #tpu.memory_space<hbm>> -> memref<1x16xf32, #tpu.memory_space<hbm>>
      %dma_start3A_1313 = tpu.memref_squeeze %dma_start3A_1312 : memref<1x16xf32, #tpu.memory_space<hbm>> -> memref<16xf32, #tpu.memory_space<hbm>>
      tpu.enqueue_dma source(%arg23 : memref<16xf32, #tpu.memory_space<vmem>>) target(%dma_start3A_1313 : memref<16xf32, #tpu.memory_space<hbm>>) target_semaphore(%run_scoped3A : memref<!tpu.dma_semaphore, #tpu.memory_space<semaphore_mem>>)
      %dma_wait3A_1314 = arith.constant 0 : i32
      %dma_wait3A_1315 = tpu.memref_slice %arg12[%arg1, %dma_wait3A_1314] : memref<16x16xf32, #tpu.memory_space<hbm>> -> memref<1x16xf32, #tpu.memory_space<hbm>>
      %dma_wait3A_1316 = tpu.memref_squeeze %dma_wait3A_1315 : memref<1x16xf32, #tpu.memory_space<hbm>> -> memref<16xf32, #tpu.memory_space<hbm>>
      %dma_wait3A_1317 = arith.constant 0 : i32
      %dma_wait3A_1318 = tpu.memref_slice %arg12[%arg1, %dma_wait3A_1317] : memref<16x16xf32, #tpu.memory_space<hbm>> -> memref<1x16xf32, #tpu.memory_space<hbm>>
      %dma_wait3A_1319 = tpu.memref_squeeze %dma_wait3A_1318 : memref<1x16xf32, #tpu.memory_space<hbm>> -> memref<16xf32, #tpu.memory_space<hbm>>
      tpu.wait_dma2 semaphore(%run_scoped3A : memref<!tpu.dma_semaphore, #tpu.memory_space<semaphore_mem>>) src(%arg23 : memref<16xf32, #tpu.memory_space<vmem>>) dst(%dma_wait3A_1319 : memref<16xf32, #tpu.memory_space<hbm>>)
      tpu.yield
    }) : () -> ()
    "tpu.region"() ({
      %run_scoped3A = tpu.sem_alloc : memref<!tpu.dma_semaphore, #tpu.memory_space<semaphore_mem>>
      %dma_start3A_1308 = arith.constant 0 : i32
      %dma_start3A_1309 = tpu.memref_slice %arg13[%arg1, %dma_start3A_1308] : memref<16x16xi32, #tpu.memory_space<hbm>> -> memref<1x16xi32, #tpu.memory_space<hbm>>
      %dma_start3A_1310 = tpu.memref_squeeze %dma_start3A_1309 : memref<1x16xi32, #tpu.memory_space<hbm>> -> memref<16xi32, #tpu.memory_space<hbm>>
      %dma_start3A_1311 = arith.constant 0 : i32
      %dma_start3A_1312 = tpu.memref_slice %arg13[%arg1, %dma_start3A_1311] : memref<16x16xi32, #tpu.memory_space<hbm>> -> memref<1x16xi32, #tpu.memory_space<hbm>>
      %dma_start3A_1313 = tpu.memref_squeeze %dma_start3A_1312 : memref<1x16xi32, #tpu.memory_space<hbm>> -> memref<16xi32, #tpu.memory_space<hbm>>
      tpu.enqueue_dma source(%arg24 : memref<16xi32, #tpu.memory_space<vmem>>) target(%dma_start3A_1313 : memref<16xi32, #tpu.memory_space<hbm>>) target_semaphore(%run_scoped3A : memref<!tpu.dma_semaphore, #tpu.memory_space<semaphore_mem>>)
      %dma_wait3A_1314 = arith.constant 0 : i32
      %dma_wait3A_1315 = tpu.memref_slice %arg13[%arg1, %dma_wait3A_1314] : memref<16x16xi32, #tpu.memory_space<hbm>> -> memref<1x16xi32, #tpu.memory_space<hbm>>
      %dma_wait3A_1316 = tpu.memref_squeeze %dma_wait3A_1315 : memref<1x16xi32, #tpu.memory_space<hbm>> -> memref<16xi32, #tpu.memory_space<hbm>>
      %dma_wait3A_1317 = arith.constant 0 : i32
      %dma_wait3A_1318 = tpu.memref_slice %arg13[%arg1, %dma_wait3A_1317] : memref<16x16xi32, #tpu.memory_space<hbm>> -> memref<1x16xi32, #tpu.memory_space<hbm>>
      %dma_wait3A_1319 = tpu.memref_squeeze %dma_wait3A_1318 : memref<1x16xi32, #tpu.memory_space<hbm>> -> memref<16xi32, #tpu.memory_space<hbm>>
      tpu.wait_dma2 semaphore(%run_scoped3A : memref<!tpu.dma_semaphore, #tpu.memory_space<semaphore_mem>>) src(%arg24 : memref<16xi32, #tpu.memory_space<vmem>>) dst(%dma_wait3A_1319 : memref<16xi32, #tpu.memory_space<hbm>>)
      tpu.yield
    }) : () -> ()
    %barrier3A = arith.constant 0 : index
    tpu.barrier barrier_id(%barrier3A)
    "tpu.region"() ({
      %run_scoped3A = tpu.sem_alloc : memref<!tpu.dma_semaphore, #tpu.memory_space<semaphore_mem>>
      tpu.enqueue_dma source(%arg12 : memref<16x16xf32, #tpu.memory_space<hbm>>) target(%arg21 : memref<16x16xf32, #tpu.memory_space<vmem>>) target_semaphore(%run_scoped3A : memref<!tpu.dma_semaphore, #tpu.memory_space<semaphore_mem>>)
      tpu.wait_dma2 semaphore(%run_scoped3A : memref<!tpu.dma_semaphore, #tpu.memory_space<semaphore_mem>>) src(%arg12 : memref<16x16xf32, #tpu.memory_space<hbm>>) dst(%arg21 : memref<16x16xf32, #tpu.memory_space<vmem>>)
      tpu.yield
    }) : () -> ()
    "tpu.region"() ({
      %run_scoped3A = tpu.sem_alloc : memref<!tpu.dma_semaphore, #tpu.memory_space<semaphore_mem>>
      tpu.enqueue_dma source(%arg13 : memref<16x16xi32, #tpu.memory_space<hbm>>) target(%arg22 : memref<16x16xi32, #tpu.memory_space<vmem>>) target_semaphore(%run_scoped3A : memref<!tpu.dma_semaphore, #tpu.memory_space<semaphore_mem>>)
      tpu.wait_dma2 semaphore(%run_scoped3A : memref<!tpu.dma_semaphore, #tpu.memory_space<semaphore_mem>>) src(%arg13 : memref<16x16xi32, #tpu.memory_space<hbm>>) dst(%arg22 : memref<16x16xi32, #tpu.memory_space<vmem>>)
      tpu.yield
    }) : () -> ()
    %get3A = arith.constant 0 : i32
    %get3A_12 = arith.index_cast %get3A : i32 to index
    %get3A_13 = arith.constant 0 : index
    %get3A_14 = tpu.vector_load %arg21[%get3A_12, %get3A_13] {strides = array<i32>} : memref<16x16xf32, #tpu.memory_space<vmem>>, vector<16xf32>,
    %get3A_15 = arith.constant 0 : i32
    %get3A_16 = arith.index_cast %get3A_15 : i32 to index
    %get3A_17 = arith.constant 0 : index
    %get3A_18 = tpu.vector_load %arg22[%get3A_16, %get3A_17] {strides = array<i32>} : memref<16x16xi32, #tpu.memory_space<vmem>>, vector<16xi32>,
    %masked_sort3A = arith.constant dense<true> : vector<16xi1>
    %masked_sort3A_19, %masked_sort3A_20, %masked_sort3A_21 = tpu.sort %get3A_14, %get3A_18 masked %masked_sort3A {descending = true} : (vector<16xf32>, vector<16xi32>, vector<16xi1>) -> (vector<16xi1>, vector<16xf32>, vector<16xi32>)
    %gt3A = arith.cmpf ogt, %masked_sort3A_20, %broadcast_in_dim3A_1 : vector<16xf32>
    %select_n3A = arith.select %gt3A, %masked_sort3A_20, %broadcast_in_dim3A_1 : vector<16xi1>, vector<16xf32>
    %select_n3A_22 = arith.select %gt3A, %masked_sort3A_21, %broadcast_in_dim3A_3 : vector<16xi1>, vector<16xi32>
    %masked_sort3A_23 = arith.constant dense<true> : vector<16xi1>
    %masked_sort3A_24, %masked_sort3A_25, %masked_sort3A_26 = tpu.sort %select_n3A, %select_n3A_22 masked %masked_sort3A_23 : (vector<16xf32>, vector<16xi32>, vector<16xi1>) -> (vector<16xi1>, vector<16xf32>, vector<16xi32>)
    %get3A_27 = arith.constant 1 : i32
    %get3A_28 = arith.index_cast %get3A_27 : i32 to index
    %get3A_29 = arith.constant 0 : index
    %get3A_30 = tpu.vector_load %arg21[%get3A_28, %get3A_29] {strides = array<i32>} : memref<16x16xf32, #tpu.memory_space<vmem>>, vector<16xf32>,
    %get3A_31 = arith.constant 1 : i32
    %get3A_32 = arith.index_cast %get3A_31 : i32 to index
    %get3A_33 = arith.constant 0 : index
    %get3A_34 = tpu.vector_load %arg22[%get3A_32, %get3A_33] {strides = array<i32>} : memref<16x16xi32, #tpu.memory_space<vmem>>, vector<16xi32>,
    %masked_sort3A_35 = arith.constant dense<true> : vector<16xi1>
    %masked_sort3A_36, %masked_sort3A_37, %masked_sort3A_38 = tpu.sort %get3A_30, %get3A_34 masked %masked_sort3A_35 {descending = true} : (vector<16xf32>, vector<16xi32>, vector<16xi1>) -> (vector<16xi1>, vector<16xf32>, vector<16xi32>)
    %gt3A_39 = arith.cmpf ogt, %masked_sort3A_37, %masked_sort3A_25 : vector<16xf32>
    %select_n3A_40 = arith.select %gt3A_39, %masked_sort3A_37, %masked_sort3A_25 : vector<16xi1>, vector<16xf32>
    %select_n3A_41 = arith.select %gt3A_39, %masked_sort3A_38, %masked_sort3A_26 : vector<16xi1>, vector<16xi32>
    %masked_sort3A_42 = arith.constant dense<true> : vector<16xi1>
    %masked_sort3A_43, %masked_sort3A_44, %masked_sort3A_45 = tpu.sort %select_n3A_40, %select_n3A_41 masked %masked_sort3A_42 : (vector<16xf32>, vector<16xi32>, vector<16xi1>) -> (vector<16xi1>, vector<16xf32>, vector<16xi32>)
    %get3A_46 = arith.constant 2 : i32
    %get3A_47 = arith.index_cast %get3A_46 : i32 to index
    %get3A_48 = arith.constant 0 : index
    %get3A_49 = tpu.vector_load %arg21[%get3A_47, %get3A_48] {strides = array<i32>} : memref<16x16xf32, #tpu.memory_space<vmem>>, vector<16xf32>,
    %get3A_50 = arith.constant 2 : i32
    %get3A_51 = arith.index_cast %get3A_50 : i32 to index
    %get3A_52 = arith.constant 0 : index
    %get3A_53 = tpu.vector_load %arg22[%get3A_51, %get3A_52] {strides = array<i32>} : memref<16x16xi32, #tpu.memory_space<vmem>>, vector<16xi32>,
    %masked_sort3A_54 = arith.constant dense<true> : vector<16xi1>
    %masked_sort3A_55, %masked_sort3A_56, %masked_sort3A_57 = tpu.sort %get3A_49, %get3A_53 masked %masked_sort3A_54 {descending = true} : (vector<16xf32>, vector<16xi32>, vector<16xi1>) -> (vector<16xi1>, vector<16xf32>, vector<16xi32>)
    %gt3A_58 = arith.cmpf ogt, %masked_sort3A_56, %masked_sort3A_44 : vector<16xf32>
    %select_n3A_59 = arith.select %gt3A_58, %masked_sort3A_56, %masked_sort3A_44 : vector<16xi1>, vector<16xf32>
    %select_n3A_60 = arith.select %gt3A_58, %masked_sort3A_57, %masked_sort3A_45 : vector<16xi1>, vector<16xi32>
    %masked_sort3A_61 = arith.constant dense<true> : vector<16xi1>
    %masked_sort3A_62, %masked_sort3A_63, %masked_sort3A_64 = tpu.sort %select_n3A_59, %select_n3A_60 masked %masked_sort3A_61 : (vector<16xf32>, vector<16xi32>, vector<16xi1>) -> (vector<16xi1>, vector<16xf32>, vector<16xi32>)
    %get3A_65 = arith.constant 3 : i32
    %get3A_66 = arith.index_cast %get3A_65 : i32 to index
    %get3A_67 = arith.constant 0 : index
    %get3A_68 = tpu.vector_load %arg21[%get3A_66, %get3A_67] {strides = array<i32>} : memref<16x16xf32, #tpu.memory_space<vmem>>, vector<16xf32>,
    %get3A_69 = arith.constant 3 : i32
    %get3A_70 = arith.index_cast %get3A_69 : i32 to index
    %get3A_71 = arith.constant 0 : index
    %get3A_72 = tpu.vector_load %arg22[%get3A_70, %get3A_71] {strides = array<i32>} : memref<16x16xi32, #tpu.memory_space<vmem>>, vector<16xi32>,
    %masked_sort3A_73 = arith.constant dense<true> : vector<16xi1>
    %masked_sort3A_74, %masked_sort3A_75, %masked_sort3A_76 = tpu.sort %get3A_68, %get3A_72 masked %masked_sort3A_73 {descending = true} : (vector<16xf32>, vector<16xi32>, vector<16xi1>) -> (vector<16xi1>, vector<16xf32>, vector<16xi32>)
    %gt3A_77 = arith.cmpf ogt, %masked_sort3A_75, %masked_sort3A_63 : vector<16xf32>
    %select_n3A_78 = arith.select %gt3A_77, %masked_sort3A_75, %masked_sort3A_63 : vector<16xi1>, vector<16xf32>
    %select_n3A_79 = arith.select %gt3A_77, %masked_sort3A_76, %masked_sort3A_64 : vector<16xi1>, vector<16xi32>
    %masked_sort3A_80 = arith.constant dense<true> : vector<16xi1>
    %masked_sort3A_81, %masked_sort3A_82, %masked_sort3A_83 = tpu.sort %select_n3A_78, %select_n3A_79 masked %masked_sort3A_80 : (vector<16xf32>, vector<16xi32>, vector<16xi1>) -> (vector<16xi1>, vector<16xf32>, vector<16xi32>)
    %get3A_84 = arith.constant 4 : i32
    %get3A_85 = arith.index_cast %get3A_84 : i32 to index
    %get3A_86 = arith.constant 0 : index
    %get3A_87 = tpu.vector_load %arg21[%get3A_85, %get3A_86] {strides = array<i32>} : memref<16x16xf32, #tpu.memory_space<vmem>>, vector<16xf32>,
    %get3A_88 = arith.constant 4 : i32
    %get3A_89 = arith.index_cast %get3A_88 : i32 to index
    %get3A_90 = arith.constant 0 : index
    %get3A_91 = tpu.vector_load %arg22[%get3A_89, %get3A_90] {strides = array<i32>} : memref<16x16xi32, #tpu.memory_space<vmem>>, vector<16xi32>,
    %masked_sort3A_92 = arith.constant dense<true> : vector<16xi1>
    %masked_sort3A_93, %masked_sort3A_94, %masked_sort3A_95 = tpu.sort %get3A_87, %get3A_91 masked %masked_sort3A_92 {descending = true} : (vector<16xf32>, vector<16xi32>, vector<16xi1>) -> (vector<16xi1>, vector<16xf32>, vector<16xi32>)
    %gt3A_96 = arith.cmpf ogt, %masked_sort3A_94, %masked_sort3A_82 : vector<16xf32>
    %select_n3A_97 = arith.select %gt3A_96, %masked_sort3A_94, %masked_sort3A_82 : vector<16xi1>, vector<16xf32>
    %select_n3A_98 = arith.select %gt3A_96, %masked_sort3A_95, %masked_sort3A_83 : vector<16xi1>, vector<16xi32>
    %masked_sort3A_99 = arith.constant dense<true> : vector<16xi1>
    %masked_sort3A_100, %masked_sort3A_101, %masked_sort3A_102 = tpu.sort %select_n3A_97, %select_n3A_98 masked %masked_sort3A_99 : (vector<16xf32>, vector<16xi32>, vector<16xi1>) -> (vector<16xi1>, vector<16xf32>, vector<16xi32>)
    %get3A_103 = arith.constant 5 : i32
    %get3A_104 = arith.index_cast %get3A_103 : i32 to index
    %get3A_105 = arith.constant 0 : index
    %get3A_106 = tpu.vector_load %arg21[%get3A_104, %get3A_105] {strides = array<i32>} : memref<16x16xf32, #tpu.memory_space<vmem>>, vector<16xf32>,
    %get3A_107 = arith.constant 5 : i32
    %get3A_108 = arith.index_cast %get3A_107 : i32 to index
    %get3A_109 = arith.constant 0 : index
    %get3A_110 = tpu.vector_load %arg22[%get3A_108, %get3A_109] {strides = array<i32>} : memref<16x16xi32, #tpu.memory_space<vmem>>, vector<16xi32>,
    %masked_sort3A_111 = arith.constant dense<true> : vector<16xi1>
    %masked_sort3A_112, %masked_sort3A_113, %masked_sort3A_114 = tpu.sort %get3A_106, %get3A_110 masked %masked_sort3A_111 {descending = true} : (vector<16xf32>, vector<16xi32>, vector<16xi1>) -> (vector<16xi1>, vector<16xf32>, vector<16xi32>)
    %gt3A_115 = arith.cmpf ogt, %masked_sort3A_113, %masked_sort3A_101 : vector<16xf32>
    %select_n3A_116 = arith.select %gt3A_115, %masked_sort3A_113, %masked_sort3A_101 : vector<16xi1>, vector<16xf32>
    %select_n3A_117 = arith.select %gt3A_115, %masked_sort3A_114, %masked_sort3A_102 : vector<16xi1>, vector<16xi32>
    %masked_sort3A_118 = arith.constant dense<true> : vector<16xi1>
    %masked_sort3A_119, %masked_sort3A_120, %masked_sort3A_121 = tpu.sort %select_n3A_116, %select_n3A_117 masked %masked_sort3A_118 : (vector<16xf32>, vector<16xi32>, vector<16xi1>) -> (vector<16xi1>, vector<16xf32>, vector<16xi32>)
    %get3A_122 = arith.constant 6 : i32
    %get3A_123 = arith.index_cast %get3A_122 : i32 to index
    %get3A_124 = arith.constant 0 : index
    %get3A_125 = tpu.vector_load %arg21[%get3A_123, %get3A_124] {strides = array<i32>} : memref<16x16xf32, #tpu.memory_space<vmem>>, vector<16xf32>,
    %get3A_126 = arith.constant 6 : i32
    %get3A_127 = arith.index_cast %get3A_126 : i32 to index
    %get3A_128 = arith.constant 0 : index
    %get3A_129 = tpu.vector_load %arg22[%get3A_127, %get3A_128] {strides = array<i32>} : memref<16x16xi32, #tpu.memory_space<vmem>>, vector<16xi32>,
    %masked_sort3A_130 = arith.constant dense<true> : vector<16xi1>
    %masked_sort3A_131, %masked_sort3A_132, %masked_sort3A_133 = tpu.sort %get3A_125, %get3A_129 masked %masked_sort3A_130 {descending = true} : (vector<16xf32>, vector<16xi32>, vector<16xi1>) -> (vector<16xi1>, vector<16xf32>, vector<16xi32>)
    %gt3A_134 = arith.cmpf ogt, %masked_sort3A_132, %masked_sort3A_120 : vector<16xf32>
    %select_n3A_135 = arith.select %gt3A_134, %masked_sort3A_132, %masked_sort3A_120 : vector<16xi1>, vector<16xf32>
    %select_n3A_136 = arith.select %gt3A_134, %masked_sort3A_133, %masked_sort3A_121 : vector<16xi1>, vector<16xi32>
    %masked_sort3A_137 = arith.constant dense<true> : vector<16xi1>
    %masked_sort3A_138, %masked_sort3A_139, %masked_sort3A_140 = tpu.sort %select_n3A_135, %select_n3A_136 masked %masked_sort3A_137 : (vector<16xf32>, vector<16xi32>, vector<16xi1>) -> (vector<16xi1>, vector<16xf32>, vector<16xi32>)
    %get3A_141 = arith.constant 7 : i32
    %get3A_142 = arith.index_cast %get3A_141 : i32 to index
    %get3A_143 = arith.constant 0 : index
    %get3A_144 = tpu.vector_load %arg21[%get3A_142, %get3A_143] {strides = array<i32>} : memref<16x16xf32, #tpu.memory_space<vmem>>, vector<16xf32>,
    %get3A_145 = arith.constant 7 : i32
    %get3A_146 = arith.index_cast %get3A_145 : i32 to index
    %get3A_147 = arith.constant 0 : index
    %get3A_148 = tpu.vector_load %arg22[%get3A_146, %get3A_147] {strides = array<i32>} : memref<16x16xi32, #tpu.memory_space<vmem>>, vector<16xi32>,
    %masked_sort3A_149 = arith.constant dense<true> : vector<16xi1>
    %masked_sort3A_150, %masked_sort3A_151, %masked_sort3A_152 = tpu.sort %get3A_144, %get3A_148 masked %masked_sort3A_149 {descending = true} : (vector<16xf32>, vector<16xi32>, vector<16xi1>) -> (vector<16xi1>, vector<16xf32>, vector<16xi32>)
    %gt3A_153 = arith.cmpf ogt, %masked_sort3A_151, %masked_sort3A_139 : vector<16xf32>
    %select_n3A_154 = arith.select %gt3A_153, %masked_sort3A_151, %masked_sort3A_139 : vector<16xi1>, vector<16xf32>
    %select_n3A_155 = arith.select %gt3A_153, %masked_sort3A_152, %masked_sort3A_140 : vector<16xi1>, vector<16xi32>
    %masked_sort3A_156 = arith.constant dense<true> : vector<16xi1>
    %masked_sort3A_157, %masked_sort3A_158, %masked_sort3A_159 = tpu.sort %select_n3A_154, %select_n3A_155 masked %masked_sort3A_156 : (vector<16xf32>, vector<16xi32>, vector<16xi1>) -> (vector<16xi1>, vector<16xf32>, vector<16xi32>)
    %get3A_160 = arith.constant 8 : i32
    %get3A_161 = arith.index_cast %get3A_160 : i32 to index
    %get3A_162 = arith.constant 0 : index
    %get3A_163 = tpu.vector_load %arg21[%get3A_161, %get3A_162] {strides = array<i32>} : memref<16x16xf32, #tpu.memory_space<vmem>>, vector<16xf32>,
    %get3A_164 = arith.constant 8 : i32
    %get3A_165 = arith.index_cast %get3A_164 : i32 to index
    %get3A_166 = arith.constant 0 : index
    %get3A_167 = tpu.vector_load %arg22[%get3A_165, %get3A_166] {strides = array<i32>} : memref<16x16xi32, #tpu.memory_space<vmem>>, vector<16xi32>,
    %masked_sort3A_168 = arith.constant dense<true> : vector<16xi1>
    %masked_sort3A_169, %masked_sort3A_170, %masked_sort3A_171 = tpu.sort %get3A_163, %get3A_167 masked %masked_sort3A_168 {descending = true} : (vector<16xf32>, vector<16xi32>, vector<16xi1>) -> (vector<16xi1>, vector<16xf32>, vector<16xi32>)
    %gt3A_172 = arith.cmpf ogt, %masked_sort3A_170, %masked_sort3A_158 : vector<16xf32>
    %select_n3A_173 = arith.select %gt3A_172, %masked_sort3A_170, %masked_sort3A_158 : vector<16xi1>, vector<16xf32>
    %select_n3A_174 = arith.select %gt3A_172, %masked_sort3A_171, %masked_sort3A_159 : vector<16xi1>, vector<16xi32>
    %masked_sort3A_175 = arith.constant dense<true> : vector<16xi1>
    %masked_sort3A_176, %masked_sort3A_177, %masked_sort3A_178 = tpu.sort %select_n3A_173, %select_n3A_174 masked %masked_sort3A_175 : (vector<16xf32>, vector<16xi32>, vector<16xi1>) -> (vector<16xi1>, vector<16xf32>, vector<16xi32>)
    %get3A_179 = arith.constant 9 : i32
    %get3A_180 = arith.index_cast %get3A_179 : i32 to index
    %get3A_181 = arith.constant 0 : index
    %get3A_182 = tpu.vector_load %arg21[%get3A_180, %get3A_181] {strides = array<i32>} : memref<16x16xf32, #tpu.memory_space<vmem>>, vector<16xf32>,
    %get3A_183 = arith.constant 9 : i32
    %get3A_184 = arith.index_cast %get3A_183 : i32 to index
    %get3A_185 = arith.constant 0 : index
    %get3A_186 = tpu.vector_load %arg22[%get3A_184, %get3A_185] {strides = array<i32>} : memref<16x16xi32, #tpu.memory_space<vmem>>, vector<16xi32>,
    %masked_sort3A_187 = arith.constant dense<true> : vector<16xi1>
    %masked_sort3A_188, %masked_sort3A_189, %masked_sort3A_190 = tpu.sort %get3A_182, %get3A_186 masked %masked_sort3A_187 {descending = true} : (vector<16xf32>, vector<16xi32>, vector<16xi1>) -> (vector<16xi1>, vector<16xf32>, vector<16xi32>)
    %gt3A_191 = arith.cmpf ogt, %masked_sort3A_189, %masked_sort3A_177 : vector<16xf32>
    %select_n3A_192 = arith.select %gt3A_191, %masked_sort3A_189, %masked_sort3A_177 : vector<16xi1>, vector<16xf32>
    %select_n3A_193 = arith.select %gt3A_191, %masked_sort3A_190, %masked_sort3A_178 : vector<16xi1>, vector<16xi32>
    %masked_sort3A_194 = arith.constant dense<true> : vector<16xi1>
    %masked_sort3A_195, %masked_sort3A_196, %masked_sort3A_197 = tpu.sort %select_n3A_192, %select_n3A_193 masked %masked_sort3A_194 : (vector<16xf32>, vector<16xi32>, vector<16xi1>) -> (vector<16xi1>, vector<16xf32>, vector<16xi32>)
    %get3A_198 = arith.constant 10 : i32
    %get3A_199 = arith.index_cast %get3A_198 : i32 to index
    %get3A_200 = arith.constant 0 : index
    %get3A_201 = tpu.vector_load %arg21[%get3A_199, %get3A_200] {strides = array<i32>} : memref<16x16xf32, #tpu.memory_space<vmem>>, vector<16xf32>,
    %get3A_202 = arith.constant 10 : i32
    %get3A_203 = arith.index_cast %get3A_202 : i32 to index
    %get3A_204 = arith.constant 0 : index
    %get3A_205 = tpu.vector_load %arg22[%get3A_203, %get3A_204] {strides = array<i32>} : memref<16x16xi32, #tpu.memory_space<vmem>>, vector<16xi32>,
    %masked_sort3A_206 = arith.constant dense<true> : vector<16xi1>
    %masked_sort3A_207, %masked_sort3A_208, %masked_sort3A_209 = tpu.sort %get3A_201, %get3A_205 masked %masked_sort3A_206 {descending = true} : (vector<16xf32>, vector<16xi32>, vector<16xi1>) -> (vector<16xi1>, vector<16xf32>, vector<16xi32>)
    %gt3A_210 = arith.cmpf ogt, %masked_sort3A_208, %masked_sort3A_196 : vector<16xf32>
    %select_n3A_211 = arith.select %gt3A_210, %masked_sort3A_208, %masked_sort3A_196 : vector<16xi1>, vector<16xf32>
    %select_n3A_212 = arith.select %gt3A_210, %masked_sort3A_209, %masked_sort3A_197 : vector<16xi1>, vector<16xi32>
    %masked_sort3A_213 = arith.constant dense<true> : vector<16xi1>
    %masked_sort3A_214, %masked_sort3A_215, %masked_sort3A_216 = tpu.sort %select_n3A_211, %select_n3A_212 masked %masked_sort3A_213 : (vector<16xf32>, vector<16xi32>, vector<16xi1>) -> (vector<16xi1>, vector<16xf32>, vector<16xi32>)
    %get3A_217 = arith.constant 11 : i32
    %get3A_218 = arith.index_cast %get3A_217 : i32 to index
    %get3A_219 = arith.constant 0 : index
    %get3A_220 = tpu.vector_load %arg21[%get3A_218, %get3A_219] {strides = array<i32>} : memref<16x16xf32, #tpu.memory_space<vmem>>, vector<16xf32>,
    %get3A_221 = arith.constant 11 : i32
    %get3A_222 = arith.index_cast %get3A_221 : i32 to index
    %get3A_223 = arith.constant 0 : index
    %get3A_224 = tpu.vector_load %arg22[%get3A_222, %get3A_223] {strides = array<i32>} : memref<16x16xi32, #tpu.memory_space<vmem>>, vector<16xi32>,
    %masked_sort3A_225 = arith.constant dense<true> : vector<16xi1>
    %masked_sort3A_226, %masked_sort3A_227, %masked_sort3A_228 = tpu.sort %get3A_220, %get3A_224 masked %masked_sort3A_225 {descending = true} : (vector<16xf32>, vector<16xi32>, vector<16xi1>) -> (vector<16xi1>, vector<16xf32>, vector<16xi32>)
    %gt3A_229 = arith.cmpf ogt, %masked_sort3A_227, %masked_sort3A_215 : vector<16xf32>
    %select_n3A_230 = arith.select %gt3A_229, %masked_sort3A_227, %masked_sort3A_215 : vector<16xi1>, vector<16xf32>
    %select_n3A_231 = arith.select %gt3A_229, %masked_sort3A_228, %masked_sort3A_216 : vector<16xi1>, vector<16xi32>
    %masked_sort3A_232 = arith.constant dense<true> : vector<16xi1>
    %masked_sort3A_233, %masked_sort3A_234, %masked_sort3A_235 = tpu.sort %select_n3A_230, %select_n3A_231 masked %masked_sort3A_232 : (vector<16xf32>, vector<16xi32>, vector<16xi1>) -> (vector<16xi1>, vector<16xf32>, vector<16xi32>)
    %get3A_236 = arith.constant 12 : i32
    %get3A_237 = arith.index_cast %get3A_236 : i32 to index
    %get3A_238 = arith.constant 0 : index
    %get3A_239 = tpu.vector_load %arg21[%get3A_237, %get3A_238] {strides = array<i32>} : memref<16x16xf32, #tpu.memory_space<vmem>>, vector<16xf32>,
    %get3A_240 = arith.constant 12 : i32
    %get3A_241 = arith.index_cast %get3A_240 : i32 to index
    %get3A_242 = arith.constant 0 : index
    %get3A_243 = tpu.vector_load %arg22[%get3A_241, %get3A_242] {strides = array<i32>} : memref<16x16xi32, #tpu.memory_space<vmem>>, vector<16xi32>,
    %masked_sort3A_244 = arith.constant dense<true> : vector<16xi1>
    %masked_sort3A_245, %masked_sort3A_246, %masked_sort3A_247 = tpu.sort %get3A_239, %get3A_243 masked %masked_sort3A_244 {descending = true} : (vector<16xf32>, vector<16xi32>, vector<16xi1>) -> (vector<16xi1>, vector<16xf32>, vector<16xi32>)
    %gt3A_248 = arith.cmpf ogt, %masked_sort3A_246, %masked_sort3A_234 : vector<16xf32>
    %select_n3A_249 = arith.select %gt3A_248, %masked_sort3A_246, %masked_sort3A_234 : vector<16xi1>, vector<16xf32>
    %select_n3A_250 = arith.select %gt3A_248, %masked_sort3A_247, %masked_sort3A_235 : vector<16xi1>, vector<16xi32>
    %masked_sort3A_251 = arith.constant dense<true> : vector<16xi1>
    %masked_sort3A_252, %masked_sort3A_253, %masked_sort3A_254 = tpu.sort %select_n3A_249, %select_n3A_250 masked %masked_sort3A_251 : (vector<16xf32>, vector<16xi32>, vector<16xi1>) -> (vector<16xi1>, vector<16xf32>, vector<16xi32>)
    %get3A_255 = arith.constant 13 : i32
    %get3A_256 = arith.index_cast %get3A_255 : i32 to index
    %get3A_257 = arith.constant 0 : index
    %get3A_258 = tpu.vector_load %arg21[%get3A_256, %get3A_257] {strides = array<i32>} : memref<16x16xf32, #tpu.memory_space<vmem>>, vector<16xf32>,
    %get3A_259 = arith.constant 13 : i32
    %get3A_260 = arith.index_cast %get3A_259 : i32 to index
    %get3A_261 = arith.constant 0 : index
    %get3A_262 = tpu.vector_load %arg22[%get3A_260, %get3A_261] {strides = array<i32>} : memref<16x16xi32, #tpu.memory_space<vmem>>, vector<16xi32>,
    %masked_sort3A_263 = arith.constant dense<true> : vector<16xi1>
    %masked_sort3A_264, %masked_sort3A_265, %masked_sort3A_266 = tpu.sort %get3A_258, %get3A_262 masked %masked_sort3A_263 {descending = true} : (vector<16xf32>, vector<16xi32>, vector<16xi1>) -> (vector<16xi1>, vector<16xf32>, vector<16xi32>)
    %gt3A_267 = arith.cmpf ogt, %masked_sort3A_265, %masked_sort3A_253 : vector<16xf32>
    %select_n3A_268 = arith.select %gt3A_267, %masked_sort3A_265, %masked_sort3A_253 : vector<16xi1>, vector<16xf32>
    %select_n3A_269 = arith.select %gt3A_267, %masked_sort3A_266, %masked_sort3A_254 : vector<16xi1>, vector<16xi32>
    %masked_sort3A_270 = arith.constant dense<true> : vector<16xi1>
    %masked_sort3A_271, %masked_sort3A_272, %masked_sort3A_273 = tpu.sort %select_n3A_268, %select_n3A_269 masked %masked_sort3A_270 : (vector<16xf32>, vector<16xi32>, vector<16xi1>) -> (vector<16xi1>, vector<16xf32>, vector<16xi32>)
    %get3A_274 = arith.constant 14 : i32
    %get3A_275 = arith.index_cast %get3A_274 : i32 to index
    %get3A_276 = arith.constant 0 : index
    %get3A_277 = tpu.vector_load %arg21[%get3A_275, %get3A_276] {strides = array<i32>} : memref<16x16xf32, #tpu.memory_space<vmem>>, vector<16xf32>,
    %get3A_278 = arith.constant 14 : i32
    %get3A_279 = arith.index_cast %get3A_278 : i32 to index
    %get3A_280 = arith.constant 0 : index
    %get3A_281 = tpu.vector_load %arg22[%get3A_279, %get3A_280] {strides = array<i32>} : memref<16x16xi32, #tpu.memory_space<vmem>>, vector<16xi32>,
    %masked_sort3A_282 = arith.constant dense<true> : vector<16xi1>
    %masked_sort3A_283, %masked_sort3A_284, %masked_sort3A_285 = tpu.sort %get3A_277, %get3A_281 masked %masked_sort3A_282 {descending = true} : (vector<16xf32>, vector<16xi32>, vector<16xi1>) -> (vector<16xi1>, vector<16xf32>, vector<16xi32>)
    %gt3A_286 = arith.cmpf ogt, %masked_sort3A_284, %masked_sort3A_272 : vector<16xf32>
    %select_n3A_287 = arith.select %gt3A_286, %masked_sort3A_284, %masked_sort3A_272 : vector<16xi1>, vector<16xf32>
    %select_n3A_288 = arith.select %gt3A_286, %masked_sort3A_285, %masked_sort3A_273 : vector<16xi1>, vector<16xi32>
    %masked_sort3A_289 = arith.constant dense<true> : vector<16xi1>
    %masked_sort3A_290, %masked_sort3A_291, %masked_sort3A_292 = tpu.sort %select_n3A_287, %select_n3A_288 masked %masked_sort3A_289 : (vector<16xf32>, vector<16xi32>, vector<16xi1>) -> (vector<16xi1>, vector<16xf32>, vector<16xi32>)
    %get3A_293 = arith.constant 15 : i32
    %get3A_294 = arith.index_cast %get3A_293 : i32 to index
    %get3A_295 = arith.constant 0 : index
    %get3A_296 = tpu.vector_load %arg21[%get3A_294, %get3A_295] {strides = array<i32>} : memref<16x16xf32, #tpu.memory_space<vmem>>, vector<16xf32>,
    %get3A_297 = arith.constant 15 : i32
    %get3A_298 = arith.index_cast %get3A_297 : i32 to index
    %get3A_299 = arith.constant 0 : index
    %get3A_300 = tpu.vector_load %arg22[%get3A_298, %get3A_299] {strides = array<i32>} : memref<16x16xi32, #tpu.memory_space<vmem>>, vector<16xi32>,
    %masked_sort3A_301 = arith.constant dense<true> : vector<16xi1>
    %masked_sort3A_302, %masked_sort3A_303, %masked_sort3A_304 = tpu.sort %get3A_296, %get3A_300 masked %masked_sort3A_301 {descending = true} : (vector<16xf32>, vector<16xi32>, vector<16xi1>) -> (vector<16xi1>, vector<16xf32>, vector<16xi32>)
    %gt3A_305 = arith.cmpf ogt, %masked_sort3A_303, %masked_sort3A_291 : vector<16xf32>
    %select_n3A_306 = arith.select %gt3A_305, %masked_sort3A_303, %masked_sort3A_291 : vector<16xi1>, vector<16xf32>
    %select_n3A_307 = arith.select %gt3A_305, %masked_sort3A_304, %masked_sort3A_292 : vector<16xi1>, vector<16xi32>
    %masked_sort3A_308 = arith.constant dense<true> : vector<16xi1>
    %masked_sort3A_309, %masked_sort3A_310, %masked_sort3A_311 = tpu.sort %select_n3A_306, %select_n3A_307 masked %masked_sort3A_308 : (vector<16xf32>, vector<16xi32>, vector<16xi1>) -> (vector<16xi1>, vector<16xf32>, vector<16xi32>)
    %rev3A = arith.constant 15 : i32
    %rev3A_312 = vector.broadcast %rev3A : i32 to vector<16xi32>
    %rev3A_313 = tpu.iota {dimensions = array<i32: 0>} : vector<16xi32>
    %rev3A_314 = arith.subi %rev3A_312, %rev3A_313 : vector<16xi32>
    %rev3A_315 = tpu.dynamic_gather %masked_sort3A_310[%rev3A_314] in [0] : vector<16xf32>, vector<16xi32> -> vector<16xf32>
    %rev3A_316 = arith.constant 15 : i32
    %rev3A_317 = vector.broadcast %rev3A_316 : i32 to vector<16xi32>
    %rev3A_318 = tpu.iota {dimensions = array<i32: 0>} : vector<16xi32>
    %rev3A_319 = arith.subi %rev3A_317, %rev3A_318 : vector<16xi32>
    %rev3A_320 = tpu.dynamic_gather %masked_sort3A_311[%rev3A_319] in [0] : vector<16xi32>, vector<16xi32> -> vector<16xi32>
    %reduce_max3A = arith.constant true
    %reduce_max3A_321 = vector.broadcast %reduce_max3A : i1 to vector<16xi1>
    %reduce_max3A_322 = tpu.scan <max>, %rev3A_315 masked %reduce_max3A_321 : vector<16xf32>, vector<16xi1> -> vector<16xf32>
    %reduce_max3A_323 = vector.extract %reduce_max3A_322[15] : f32 from vector<16xf32>
    %sub3A = vector.broadcast %reduce_max3A_323 : f32 to vector<16xf32>
    %sub3A_324 = arith.subf %rev3A_315, %sub3A : vector<16xf32>
    %exp3A = math.exp %sub3A_324 : vector<16xf32>
    %reduce_sum3A = arith.constant true
    %reduce_sum3A_325 = vector.broadcast %reduce_sum3A : i1 to vector<16xi1>
    %reduce_sum3A_326 = tpu.scan <sum>, %exp3A masked %reduce_sum3A_325 : vector<16xf32>, vector<16xi1> -> vector<16xf32>
    %reduce_sum3A_327 = vector.extract %reduce_sum3A_326[15] : f32 from vector<16xf32>
    %div3A = vector.broadcast %reduce_sum3A_327 : f32 to vector<16xf32>
    %div3A_328 = arith.divf %exp3A, %div3A : vector<16xf32>
    %swap3A_329 = arith.constant 0 : index
    %swap3A_330 = tpu.vector_load %arg24[%swap3A_329] {strides = array<i32>} : memref<16xi32, #tpu.memory_space<vmem>>, vector<16xi32>,
    tpu.vector_store %arg24[%swap3A_329], %rev3A_320 {strides = array<i32>} : memref<16xi32, #tpu.memory_space<vmem>>, vector<16xi32>,
    %eq3A = arith.constant 0 : i32
    %eq3A_331 = arith.cmpi eq, %arg1, %eq3A : i32
    %convert_element_type3A = arith.extui %eq3A_331 : i1 to i32
    %cond3A = arith.constant 0 : i32
    %cond3A_332 = arith.cmpi ne, %convert_element_type3A, %cond3A : i32
    scf.if %cond3A_332 {
      "tpu.region"() ({
        %run_scoped3A = tpu.sem_alloc : memref<!tpu.dma_semaphore, #tpu.memory_space<semaphore_mem>>
        tpu.enqueue_dma source(%arg24 : memref<16xi32, #tpu.memory_space<vmem>>) target(%arg9 : memref<16xi32, #tpu.memory_space<hbm>>) target_semaphore(%run_scoped3A : memref<!tpu.dma_semaphore, #tpu.memory_space<semaphore_mem>>)
        tpu.wait_dma2 semaphore(%run_scoped3A : memref<!tpu.dma_semaphore, #tpu.memory_space<semaphore_mem>>) src(%arg24 : memref<16xi32, #tpu.memory_space<vmem>>) dst(%arg9 : memref<16xi32, #tpu.memory_space<hbm>>)
        tpu.yield
      }) : () -> ()
    } else {
    }
    %scan3A_333 = arith.constant 0 : i32
    %scan3A_334 = arith.constant 0 : i32
    %scan3A_335 = arith.constant 400 : i32
    %scan3A_336 = arith.addi %scan3A_334, %scan3A_335 : i32
    %scan3A_337 = arith.constant 1 : i32
    scf.for %scan3A_1308 = %scan3A_334 to %scan3A_336 step %scan3A_337  : i32 {
      %broadcast_in_dim3A_1309 = arith.constant 0.000000e+00 : f32
      %broadcast_in_dim3A_1310 = vector.broadcast %broadcast_in_dim3A_1309 : f32 to vector<16xf32>
      %mul3A_1311 = arith.constant 16 : i32
      %mul3A_1312 = arith.muli %scan3A_1308, %mul3A_1311 : i32
      %swap3A_1313 = arith.index_cast %mul3A_1312 : i32 to index
      %swap3A_1314 = tpu.vector_load %arg16[%swap3A_1313] {strides = array<i32>} : memref<6400xf32, #tpu.memory_space<vmem>>, vector<16xf32>,
      tpu.vector_store %arg16[%swap3A_1313], %broadcast_in_dim3A_1310 {strides = array<i32>} : memref<6400xf32, #tpu.memory_space<vmem>>, vector<16xf32>,
    }
    %scan3A_338 = arith.constant 400 : i32
    %sub3A_339 = vector.broadcast %mul3A_0 : i32 to vector<16xi32>
    %sub3A_340 = arith.subi %rev3A_320, %sub3A_339 : vector<16xi32>
    %ge3A = arith.constant 0 : i32
    %ge3A_341 = vector.broadcast %ge3A : i32 to vector<16xi32>
    %ge3A_342 = arith.cmpi sge, %sub3A_340, %ge3A_341 : vector<16xi32>
    %lt3A = arith.constant 6400 : i32
    %lt3A_343 = vector.broadcast %lt3A : i32 to vector<16xi32>
    %lt3A_344 = arith.cmpi slt, %sub3A_340, %lt3A_343 : vector<16xi32>
    %and3A = arith.andi %ge3A_342, %lt3A_344 : vector<16xi1>
    %jit3A = arith.constant 0 : i32
    %broadcast_in_dim3A_345 = vector.broadcast %jit3A : i32 to vector<16xi32>
    %select_n3A_346 = arith.select %and3A, %sub3A_340, %broadcast_in_dim3A_345 : vector<16xi1>, vector<16xi32>
    tpu.vector_store_idx %arg16[%select_n3A_346], %div3A_328 masked %and3A : memref<6400xf32, #tpu.memory_space<vmem>>[vector<16xi32>], vector<16xf32>, vector<16xi1>
    "tpu.region"() ({
      %run_scoped3A = tpu.sem_alloc : memref<!tpu.dma_semaphore, #tpu.memory_space<semaphore_mem>>
      %dma_start3A_1308 = tpu.memref_slice %arg8[%mul3A_0] : memref<102400xf32, #tpu.memory_space<hbm>> -> memref<6400xf32, #tpu.memory_space<hbm>>
      %dma_start3A_1309 = tpu.memref_slice %arg8[%mul3A_0] : memref<102400xf32, #tpu.memory_space<hbm>> -> memref<6400xf32, #tpu.memory_space<hbm>>
      tpu.enqueue_dma source(%arg16 : memref<6400xf32, #tpu.memory_space<vmem>>) target(%dma_start3A_1309 : memref<6400xf32, #tpu.memory_space<hbm>>) target_semaphore(%run_scoped3A : memref<!tpu.dma_semaphore, #tpu.memory_space<semaphore_mem>>)
      %dma_wait3A_1310 = tpu.memref_slice %arg8[%mul3A_0] : memref<102400xf32, #tpu.memory_space<hbm>> -> memref<6400xf32, #tpu.memory_space<hbm>>
      %dma_wait3A_1311 = tpu.memref_slice %arg8[%mul3A_0] : memref<102400xf32, #tpu.memory_space<hbm>> -> memref<6400xf32, #tpu.memory_space<hbm>>
      tpu.wait_dma2 semaphore(%run_scoped3A : memref<!tpu.dma_semaphore, #tpu.memory_space<semaphore_mem>>) src(%arg16 : memref<6400xf32, #tpu.memory_space<vmem>>) dst(%dma_wait3A_1311 : memref<6400xf32, #tpu.memory_space<hbm>>)
      tpu.yield
    }) : () -> ()
    %dma_start3A = arith.constant 0 : i32
    %dma_start3A_347 = arith.constant 0 : i32
    %dma_start3A_348 = tpu.memref_slice %arg3[%dma_start3A, %dma_start3A_347] : memref<100000x768xf32, #tpu.memory_space<hbm>> -> memref<100000x768xf32, #tpu.memory_space<hbm>>
    tpu.enqueue_indirect_dma source(%dma_start3A_348 : memref<100000x768xf32, #tpu.memory_space<hbm>>) target(%arg17 : memref<16x768xf32, #tpu.memory_space<vmem>>) offsets(%arg24 : memref<16xi32, #tpu.memory_space<vmem>>) semaphore(%arg29 : memref<!tpu.dma_semaphore, #tpu.memory_space<semaphore_mem>>)
    %dma_wait3A = arith.constant 0 : i32
    %dma_wait3A_349 = arith.constant 0 : i32
    %dma_wait3A_350 = tpu.memref_slice %arg3[%dma_wait3A, %dma_wait3A_349] : memref<100000x768xf32, #tpu.memory_space<hbm>> -> memref<100000x768xf32, #tpu.memory_space<hbm>>
    tpu.wait_indirect_dma semaphore(%arg29 : memref<!tpu.dma_semaphore, #tpu.memory_space<semaphore_mem>>) src(%dma_wait3A_350 : memref<100000x768xf32, #tpu.memory_space<hbm>>) dst(%arg17 : memref<16x768xf32, #tpu.memory_space<vmem>>)
    %eq3A_351 = arith.constant 0 : i32
    %eq3A_352 = vector.broadcast %eq3A_351 : i32 to vector<16xi32>
    %eq3A_353 = arith.cmpi eq, %iota3A, %eq3A_352 : vector<16xi32>
    %jit3A_354 = arith.constant 0.000000e+00 : f32
    %broadcast_in_dim3A_355 = vector.broadcast %jit3A_354 : f32 to vector<16xf32>
    %select_n3A_356 = arith.select %eq3A_353, %div3A_328, %broadcast_in_dim3A_355 : vector<16xi1>, vector<16xf32>
    %reduce_sum3A_357 = arith.constant true
    %reduce_sum3A_358 = vector.broadcast %reduce_sum3A_357 : i1 to vector<16xi1>
    %reduce_sum3A_359 = tpu.scan <sum>, %select_n3A_356 masked %reduce_sum3A_358 : vector<16xf32>, vector<16xi1> -> vector<16xf32>
    %reduce_sum3A_360 = vector.extract %reduce_sum3A_359[15] : f32 from vector<16xf32>
    %eq3A_361 = arith.constant 1 : i32
    %eq3A_362 = vector.broadcast %eq3A_361 : i32 to vector<16xi32>
    %eq3A_363 = arith.cmpi eq, %iota3A, %eq3A_362 : vector<16xi32>
    %jit3A_364 = arith.constant 0.000000e+00 : f32
    %broadcast_in_dim3A_365 = vector.broadcast %jit3A_364 : f32 to vector<16xf32>
    %select_n3A_366 = arith.select %eq3A_363, %div3A_328, %broadcast_in_dim3A_365 : vector<16xi1>, vector<16xf32>
    %reduce_sum3A_367 = arith.constant true
    %reduce_sum3A_368 = vector.broadcast %reduce_sum3A_367 : i1 to vector<16xi1>
    %reduce_sum3A_369 = tpu.scan <sum>, %select_n3A_366 masked %reduce_sum3A_368 : vector<16xf32>, vector<16xi1> -> vector<16xf32>
    %reduce_sum3A_370 = vector.extract %reduce_sum3A_369[15] : f32 from vector<16xf32>
    %eq3A_371 = arith.constant 2 : i32
    %eq3A_372 = vector.broadcast %eq3A_371 : i32 to vector<16xi32>
    %eq3A_373 = arith.cmpi eq, %iota3A, %eq3A_372 : vector<16xi32>
    %jit3A_374 = arith.constant 0.000000e+00 : f32
    %broadcast_in_dim3A_375 = vector.broadcast %jit3A_374 : f32 to vector<16xf32>
    %select_n3A_376 = arith.select %eq3A_373, %div3A_328, %broadcast_in_dim3A_375 : vector<16xi1>, vector<16xf32>
    %reduce_sum3A_377 = arith.constant true
    %reduce_sum3A_378 = vector.broadcast %reduce_sum3A_377 : i1 to vector<16xi1>
    %reduce_sum3A_379 = tpu.scan <sum>, %select_n3A_376 masked %reduce_sum3A_378 : vector<16xf32>, vector<16xi1> -> vector<16xf32>
    %reduce_sum3A_380 = vector.extract %reduce_sum3A_379[15] : f32 from vector<16xf32>
    %eq3A_381 = arith.constant 3 : i32
    %eq3A_382 = vector.broadcast %eq3A_381 : i32 to vector<16xi32>
    %eq3A_383 = arith.cmpi eq, %iota3A, %eq3A_382 : vector<16xi32>
    %jit3A_384 = arith.constant 0.000000e+00 : f32
    %broadcast_in_dim3A_385 = vector.broadcast %jit3A_384 : f32 to vector<16xf32>
    %select_n3A_386 = arith.select %eq3A_383, %div3A_328, %broadcast_in_dim3A_385 : vector<16xi1>, vector<16xf32>
    %reduce_sum3A_387 = arith.constant true
    %reduce_sum3A_388 = vector.broadcast %reduce_sum3A_387 : i1 to vector<16xi1>
    %reduce_sum3A_389 = tpu.scan <sum>, %select_n3A_386 masked %reduce_sum3A_388 : vector<16xf32>, vector<16xi1> -> vector<16xf32>
    %reduce_sum3A_390 = vector.extract %reduce_sum3A_389[15] : f32 from vector<16xf32>
    %eq3A_391 = arith.constant 4 : i32
    %eq3A_392 = vector.broadcast %eq3A_391 : i32 to vector<16xi32>
    %eq3A_393 = arith.cmpi eq, %iota3A, %eq3A_392 : vector<16xi32>
    %jit3A_394 = arith.constant 0.000000e+00 : f32
    %broadcast_in_dim3A_395 = vector.broadcast %jit3A_394 : f32 to vector<16xf32>
    %select_n3A_396 = arith.select %eq3A_393, %div3A_328, %broadcast_in_dim3A_395 : vector<16xi1>, vector<16xf32>
    %reduce_sum3A_397 = arith.constant true
    %reduce_sum3A_398 = vector.broadcast %reduce_sum3A_397 : i1 to vector<16xi1>
    %reduce_sum3A_399 = tpu.scan <sum>, %select_n3A_396 masked %reduce_sum3A_398 : vector<16xf32>, vector<16xi1> -> vector<16xf32>
    %reduce_sum3A_400 = vector.extract %reduce_sum3A_399[15] : f32 from vector<16xf32>
    %eq3A_401 = arith.constant 5 : i32
    %eq3A_402 = vector.broadcast %eq3A_401 : i32 to vector<16xi32>
    %eq3A_403 = arith.cmpi eq, %iota3A, %eq3A_402 : vector<16xi32>
    %jit3A_404 = arith.constant 0.000000e+00 : f32
    %broadcast_in_dim3A_405 = vector.broadcast %jit3A_404 : f32 to vector<16xf32>
    %select_n3A_406 = arith.select %eq3A_403, %div3A_328, %broadcast_in_dim3A_405 : vector<16xi1>, vector<16xf32>
    %reduce_sum3A_407 = arith.constant true
    %reduce_sum3A_408 = vector.broadcast %reduce_sum3A_407 : i1 to vector<16xi1>
    %reduce_sum3A_409 = tpu.scan <sum>, %select_n3A_406 masked %reduce_sum3A_408 : vector<16xf32>, vector<16xi1> -> vector<16xf32>
    %reduce_sum3A_410 = vector.extract %reduce_sum3A_409[15] : f32 from vector<16xf32>
    %eq3A_411 = arith.constant 6 : i32
    %eq3A_412 = vector.broadcast %eq3A_411 : i32 to vector<16xi32>
    %eq3A_413 = arith.cmpi eq, %iota3A, %eq3A_412 : vector<16xi32>
    %jit3A_414 = arith.constant 0.000000e+00 : f32
    %broadcast_in_dim3A_415 = vector.broadcast %jit3A_414 : f32 to vector<16xf32>
    %select_n3A_416 = arith.select %eq3A_413, %div3A_328, %broadcast_in_dim3A_415 : vector<16xi1>, vector<16xf32>
    %reduce_sum3A_417 = arith.constant true
    %reduce_sum3A_418 = vector.broadcast %reduce_sum3A_417 : i1 to vector<16xi1>
    %reduce_sum3A_419 = tpu.scan <sum>, %select_n3A_416 masked %reduce_sum3A_418 : vector<16xf32>, vector<16xi1> -> vector<16xf32>
    %reduce_sum3A_420 = vector.extract %reduce_sum3A_419[15] : f32 from vector<16xf32>
    %eq3A_421 = arith.constant 7 : i32
    %eq3A_422 = vector.broadcast %eq3A_421 : i32 to vector<16xi32>
    %eq3A_423 = arith.cmpi eq, %iota3A, %eq3A_422 : vector<16xi32>
    %jit3A_424 = arith.constant 0.000000e+00 : f32
    %broadcast_in_dim3A_425 = vector.broadcast %jit3A_424 : f32 to vector<16xf32>
    %select_n3A_426 = arith.select %eq3A_423, %div3A_328, %broadcast_in_dim3A_425 : vector<16xi1>, vector<16xf32>
    %reduce_sum3A_427 = arith.constant true
    %reduce_sum3A_428 = vector.broadcast %reduce_sum3A_427 : i1 to vector<16xi1>
    %reduce_sum3A_429 = tpu.scan <sum>, %select_n3A_426 masked %reduce_sum3A_428 : vector<16xf32>, vector<16xi1> -> vector<16xf32>
    %reduce_sum3A_430 = vector.extract %reduce_sum3A_429[15] : f32 from vector<16xf32>
    %eq3A_431 = arith.constant 8 : i32
    %eq3A_432 = vector.broadcast %eq3A_431 : i32 to vector<16xi32>
    %eq3A_433 = arith.cmpi eq, %iota3A, %eq3A_432 : vector<16xi32>
    %jit3A_434 = arith.constant 0.000000e+00 : f32
    %broadcast_in_dim3A_435 = vector.broadcast %jit3A_434 : f32 to vector<16xf32>
    %select_n3A_436 = arith.select %eq3A_433, %div3A_328, %broadcast_in_dim3A_435 : vector<16xi1>, vector<16xf32>
    %reduce_sum3A_437 = arith.constant true
    %reduce_sum3A_438 = vector.broadcast %reduce_sum3A_437 : i1 to vector<16xi1>
    %reduce_sum3A_439 = tpu.scan <sum>, %select_n3A_436 masked %reduce_sum3A_438 : vector<16xf32>, vector<16xi1> -> vector<16xf32>
    %reduce_sum3A_440 = vector.extract %reduce_sum3A_439[15] : f32 from vector<16xf32>
    %eq3A_441 = arith.constant 9 : i32
    %eq3A_442 = vector.broadcast %eq3A_441 : i32 to vector<16xi32>
    %eq3A_443 = arith.cmpi eq, %iota3A, %eq3A_442 : vector<16xi32>
    %jit3A_444 = arith.constant 0.000000e+00 : f32
    %broadcast_in_dim3A_445 = vector.broadcast %jit3A_444 : f32 to vector<16xf32>
    %select_n3A_446 = arith.select %eq3A_443, %div3A_328, %broadcast_in_dim3A_445 : vector<16xi1>, vector<16xf32>
    %reduce_sum3A_447 = arith.constant true
    %reduce_sum3A_448 = vector.broadcast %reduce_sum3A_447 : i1 to vector<16xi1>
    %reduce_sum3A_449 = tpu.scan <sum>, %select_n3A_446 masked %reduce_sum3A_448 : vector<16xf32>, vector<16xi1> -> vector<16xf32>
    %reduce_sum3A_450 = vector.extract %reduce_sum3A_449[15] : f32 from vector<16xf32>
    %eq3A_451 = arith.constant 10 : i32
    %eq3A_452 = vector.broadcast %eq3A_451 : i32 to vector<16xi32>
    %eq3A_453 = arith.cmpi eq, %iota3A, %eq3A_452 : vector<16xi32>
    %jit3A_454 = arith.constant 0.000000e+00 : f32
    %broadcast_in_dim3A_455 = vector.broadcast %jit3A_454 : f32 to vector<16xf32>
    %select_n3A_456 = arith.select %eq3A_453, %div3A_328, %broadcast_in_dim3A_455 : vector<16xi1>, vector<16xf32>
    %reduce_sum3A_457 = arith.constant true
    %reduce_sum3A_458 = vector.broadcast %reduce_sum3A_457 : i1 to vector<16xi1>
    %reduce_sum3A_459 = tpu.scan <sum>, %select_n3A_456 masked %reduce_sum3A_458 : vector<16xf32>, vector<16xi1> -> vector<16xf32>
    %reduce_sum3A_460 = vector.extract %reduce_sum3A_459[15] : f32 from vector<16xf32>
    %eq3A_461 = arith.constant 11 : i32
    %eq3A_462 = vector.broadcast %eq3A_461 : i32 to vector<16xi32>
    %eq3A_463 = arith.cmpi eq, %iota3A, %eq3A_462 : vector<16xi32>
    %jit3A_464 = arith.constant 0.000000e+00 : f32
    %broadcast_in_dim3A_465 = vector.broadcast %jit3A_464 : f32 to vector<16xf32>
    %select_n3A_466 = arith.select %eq3A_463, %div3A_328, %broadcast_in_dim3A_465 : vector<16xi1>, vector<16xf32>
    %reduce_sum3A_467 = arith.constant true
    %reduce_sum3A_468 = vector.broadcast %reduce_sum3A_467 : i1 to vector<16xi1>
    %reduce_sum3A_469 = tpu.scan <sum>, %select_n3A_466 masked %reduce_sum3A_468 : vector<16xf32>, vector<16xi1> -> vector<16xf32>
    %reduce_sum3A_470 = vector.extract %reduce_sum3A_469[15] : f32 from vector<16xf32>
    %eq3A_471 = arith.constant 12 : i32
    %eq3A_472 = vector.broadcast %eq3A_471 : i32 to vector<16xi32>
    %eq3A_473 = arith.cmpi eq, %iota3A, %eq3A_472 : vector<16xi32>
    %jit3A_474 = arith.constant 0.000000e+00 : f32
    %broadcast_in_dim3A_475 = vector.broadcast %jit3A_474 : f32 to vector<16xf32>
    %select_n3A_476 = arith.select %eq3A_473, %div3A_328, %broadcast_in_dim3A_475 : vector<16xi1>, vector<16xf32>
    %reduce_sum3A_477 = arith.constant true
    %reduce_sum3A_478 = vector.broadcast %reduce_sum3A_477 : i1 to vector<16xi1>
    %reduce_sum3A_479 = tpu.scan <sum>, %select_n3A_476 masked %reduce_sum3A_478 : vector<16xf32>, vector<16xi1> -> vector<16xf32>
    %reduce_sum3A_480 = vector.extract %reduce_sum3A_479[15] : f32 from vector<16xf32>
    %eq3A_481 = arith.constant 13 : i32
    %eq3A_482 = vector.broadcast %eq3A_481 : i32 to vector<16xi32>
    %eq3A_483 = arith.cmpi eq, %iota3A, %eq3A_482 : vector<16xi32>
    %jit3A_484 = arith.constant 0.000000e+00 : f32
    %broadcast_in_dim3A_485 = vector.broadcast %jit3A_484 : f32 to vector<16xf32>
    %select_n3A_486 = arith.select %eq3A_483, %div3A_328, %broadcast_in_dim3A_485 : vector<16xi1>, vector<16xf32>
    %reduce_sum3A_487 = arith.constant true
    %reduce_sum3A_488 = vector.broadcast %reduce_sum3A_487 : i1 to vector<16xi1>
    %reduce_sum3A_489 = tpu.scan <sum>, %select_n3A_486 masked %reduce_sum3A_488 : vector<16xf32>, vector<16xi1> -> vector<16xf32>
    %reduce_sum3A_490 = vector.extract %reduce_sum3A_489[15] : f32 from vector<16xf32>
    %eq3A_491 = arith.constant 14 : i32
    %eq3A_492 = vector.broadcast %eq3A_491 : i32 to vector<16xi32>
    %eq3A_493 = arith.cmpi eq, %iota3A, %eq3A_492 : vector<16xi32>
    %jit3A_494 = arith.constant 0.000000e+00 : f32
    %broadcast_in_dim3A_495 = vector.broadcast %jit3A_494 : f32 to vector<16xf32>
    %select_n3A_496 = arith.select %eq3A_493, %div3A_328, %broadcast_in_dim3A_495 : vector<16xi1>, vector<16xf32>
    %reduce_sum3A_497 = arith.constant true
    %reduce_sum3A_498 = vector.broadcast %reduce_sum3A_497 : i1 to vector<16xi1>
    %reduce_sum3A_499 = tpu.scan <sum>, %select_n3A_496 masked %reduce_sum3A_498 : vector<16xf32>, vector<16xi1> -> vector<16xf32>
    %reduce_sum3A_500 = vector.extract %reduce_sum3A_499[15] : f32 from vector<16xf32>
    %eq3A_501 = arith.constant 15 : i32
    %eq3A_502 = vector.broadcast %eq3A_501 : i32 to vector<16xi32>
    %eq3A_503 = arith.cmpi eq, %iota3A, %eq3A_502 : vector<16xi32>
    %jit3A_504 = arith.constant 0.000000e+00 : f32
    %broadcast_in_dim3A_505 = vector.broadcast %jit3A_504 : f32 to vector<16xf32>
    %select_n3A_506 = arith.select %eq3A_503, %div3A_328, %broadcast_in_dim3A_505 : vector<16xi1>, vector<16xf32>
    %reduce_sum3A_507 = arith.constant true
    %reduce_sum3A_508 = vector.broadcast %reduce_sum3A_507 : i1 to vector<16xi1>
    %reduce_sum3A_509 = tpu.scan <sum>, %select_n3A_506 masked %reduce_sum3A_508 : vector<16xf32>, vector<16xi1> -> vector<16xf32>
    %reduce_sum3A_510 = vector.extract %reduce_sum3A_509[15] : f32 from vector<16xf32>
    %mul3A_511 = arith.constant 3 : i32
    %mul3A_512 = arith.muli %arg1, %mul3A_511 : i32
    %add3A = arith.constant 0 : i32
    %add3A_513 = arith.addi %mul3A_512, %add3A : i32
    %broadcast_in_dim3A_514 = arith.constant 0.000000e+00 : f32
    %broadcast_in_dim3A_515 = vector.broadcast %broadcast_in_dim3A_514 : f32 to vector<16xf32>
    %mul3A_516 = arith.constant 16 : i32
    %mul3A_517 = arith.muli %add3A_513, %mul3A_516 : i32
    %get3A_518 = arith.constant 0 : i32
    %get3A_519 = arith.index_cast %get3A_518 : i32 to index
    %get3A_520 = arith.index_cast %mul3A_517 : i32 to index
    %get3A_521 = tpu.vector_load %arg17[%get3A_519, %get3A_520] {strides = array<i32>} : memref<16x768xf32, #tpu.memory_space<vmem>>, vector<16xf32>,
    %mul3A_522 = vector.broadcast %reduce_sum3A_360 : f32 to vector<16xf32>
    %mul3A_523 = arith.mulf %mul3A_522, %get3A_521 : vector<16xf32>
    %add3A_524 = arith.addf %broadcast_in_dim3A_515, %mul3A_523 : vector<16xf32>
    %mul3A_525 = arith.constant 16 : i32
    %mul3A_526 = arith.muli %add3A_513, %mul3A_525 : i32
    %get3A_527 = arith.constant 1 : i32
    %get3A_528 = arith.index_cast %get3A_527 : i32 to index
    %get3A_529 = arith.index_cast %mul3A_526 : i32 to index
    %get3A_530 = tpu.vector_load %arg17[%get3A_528, %get3A_529] {strides = array<i32>} : memref<16x768xf32, #tpu.memory_space<vmem>>, vector<16xf32>,
    %mul3A_531 = vector.broadcast %reduce_sum3A_370 : f32 to vector<16xf32>
    %mul3A_532 = arith.mulf %mul3A_531, %get3A_530 : vector<16xf32>
    %add3A_533 = arith.addf %add3A_524, %mul3A_532 : vector<16xf32>
    %mul3A_534 = arith.constant 16 : i32
    %mul3A_535 = arith.muli %add3A_513, %mul3A_534 : i32
    %get3A_536 = arith.constant 2 : i32
    %get3A_537 = arith.index_cast %get3A_536 : i32 to index
    %get3A_538 = arith.index_cast %mul3A_535 : i32 to index
    %get3A_539 = tpu.vector_load %arg17[%get3A_537, %get3A_538] {strides = array<i32>} : memref<16x768xf32, #tpu.memory_space<vmem>>, vector<16xf32>,
    %mul3A_540 = vector.broadcast %reduce_sum3A_380 : f32 to vector<16xf32>
    %mul3A_541 = arith.mulf %mul3A_540, %get3A_539 : vector<16xf32>
    %add3A_542 = arith.addf %add3A_533, %mul3A_541 : vector<16xf32>
    %mul3A_543 = arith.constant 16 : i32
    %mul3A_544 = arith.muli %add3A_513, %mul3A_543 : i32
    %get3A_545 = arith.constant 3 : i32
    %get3A_546 = arith.index_cast %get3A_545 : i32 to index
    %get3A_547 = arith.index_cast %mul3A_544 : i32 to index
    %get3A_548 = tpu.vector_load %arg17[%get3A_546, %get3A_547] {strides = array<i32>} : memref<16x768xf32, #tpu.memory_space<vmem>>, vector<16xf32>,
    %mul3A_549 = vector.broadcast %reduce_sum3A_390 : f32 to vector<16xf32>
    %mul3A_550 = arith.mulf %mul3A_549, %get3A_548 : vector<16xf32>
    %add3A_551 = arith.addf %add3A_542, %mul3A_550 : vector<16xf32>
    %mul3A_552 = arith.constant 16 : i32
    %mul3A_553 = arith.muli %add3A_513, %mul3A_552 : i32
    %get3A_554 = arith.constant 4 : i32
    %get3A_555 = arith.index_cast %get3A_554 : i32 to index
    %get3A_556 = arith.index_cast %mul3A_553 : i32 to index
    %get3A_557 = tpu.vector_load %arg17[%get3A_555, %get3A_556] {strides = array<i32>} : memref<16x768xf32, #tpu.memory_space<vmem>>, vector<16xf32>,
    %mul3A_558 = vector.broadcast %reduce_sum3A_400 : f32 to vector<16xf32>
    %mul3A_559 = arith.mulf %mul3A_558, %get3A_557 : vector<16xf32>
    %add3A_560 = arith.addf %add3A_551, %mul3A_559 : vector<16xf32>
    %mul3A_561 = arith.constant 16 : i32
    %mul3A_562 = arith.muli %add3A_513, %mul3A_561 : i32
    %get3A_563 = arith.constant 5 : i32
    %get3A_564 = arith.index_cast %get3A_563 : i32 to index
    %get3A_565 = arith.index_cast %mul3A_562 : i32 to index
    %get3A_566 = tpu.vector_load %arg17[%get3A_564, %get3A_565] {strides = array<i32>} : memref<16x768xf32, #tpu.memory_space<vmem>>, vector<16xf32>,
    %mul3A_567 = vector.broadcast %reduce_sum3A_410 : f32 to vector<16xf32>
    %mul3A_568 = arith.mulf %mul3A_567, %get3A_566 : vector<16xf32>
    %add3A_569 = arith.addf %add3A_560, %mul3A_568 : vector<16xf32>
    %mul3A_570 = arith.constant 16 : i32
    %mul3A_571 = arith.muli %add3A_513, %mul3A_570 : i32
    %get3A_572 = arith.constant 6 : i32
    %get3A_573 = arith.index_cast %get3A_572 : i32 to index
    %get3A_574 = arith.index_cast %mul3A_571 : i32 to index
    %get3A_575 = tpu.vector_load %arg17[%get3A_573, %get3A_574] {strides = array<i32>} : memref<16x768xf32, #tpu.memory_space<vmem>>, vector<16xf32>,
    %mul3A_576 = vector.broadcast %reduce_sum3A_420 : f32 to vector<16xf32>
    %mul3A_577 = arith.mulf %mul3A_576, %get3A_575 : vector<16xf32>
    %add3A_578 = arith.addf %add3A_569, %mul3A_577 : vector<16xf32>
    %mul3A_579 = arith.constant 16 : i32
    %mul3A_580 = arith.muli %add3A_513, %mul3A_579 : i32
    %get3A_581 = arith.constant 7 : i32
    %get3A_582 = arith.index_cast %get3A_581 : i32 to index
    %get3A_583 = arith.index_cast %mul3A_580 : i32 to index
    %get3A_584 = tpu.vector_load %arg17[%get3A_582, %get3A_583] {strides = array<i32>} : memref<16x768xf32, #tpu.memory_space<vmem>>, vector<16xf32>,
    %mul3A_585 = vector.broadcast %reduce_sum3A_430 : f32 to vector<16xf32>
    %mul3A_586 = arith.mulf %mul3A_585, %get3A_584 : vector<16xf32>
    %add3A_587 = arith.addf %add3A_578, %mul3A_586 : vector<16xf32>
    %mul3A_588 = arith.constant 16 : i32
    %mul3A_589 = arith.muli %add3A_513, %mul3A_588 : i32
    %get3A_590 = arith.constant 8 : i32
    %get3A_591 = arith.index_cast %get3A_590 : i32 to index
    %get3A_592 = arith.index_cast %mul3A_589 : i32 to index
    %get3A_593 = tpu.vector_load %arg17[%get3A_591, %get3A_592] {strides = array<i32>} : memref<16x768xf32, #tpu.memory_space<vmem>>, vector<16xf32>,
    %mul3A_594 = vector.broadcast %reduce_sum3A_440 : f32 to vector<16xf32>
    %mul3A_595 = arith.mulf %mul3A_594, %get3A_593 : vector<16xf32>
    %add3A_596 = arith.addf %add3A_587, %mul3A_595 : vector<16xf32>
    %mul3A_597 = arith.constant 16 : i32
    %mul3A_598 = arith.muli %add3A_513, %mul3A_597 : i32
    %get3A_599 = arith.constant 9 : i32
    %get3A_600 = arith.index_cast %get3A_599 : i32 to index
    %get3A_601 = arith.index_cast %mul3A_598 : i32 to index
    %get3A_602 = tpu.vector_load %arg17[%get3A_600, %get3A_601] {strides = array<i32>} : memref<16x768xf32, #tpu.memory_space<vmem>>, vector<16xf32>,
    %mul3A_603 = vector.broadcast %reduce_sum3A_450 : f32 to vector<16xf32>
    %mul3A_604 = arith.mulf %mul3A_603, %get3A_602 : vector<16xf32>
    %add3A_605 = arith.addf %add3A_596, %mul3A_604 : vector<16xf32>
    %mul3A_606 = arith.constant 16 : i32
    %mul3A_607 = arith.muli %add3A_513, %mul3A_606 : i32
    %get3A_608 = arith.constant 10 : i32
    %get3A_609 = arith.index_cast %get3A_608 : i32 to index
    %get3A_610 = arith.index_cast %mul3A_607 : i32 to index
    %get3A_611 = tpu.vector_load %arg17[%get3A_609, %get3A_610] {strides = array<i32>} : memref<16x768xf32, #tpu.memory_space<vmem>>, vector<16xf32>,
    %mul3A_612 = vector.broadcast %reduce_sum3A_460 : f32 to vector<16xf32>
    %mul3A_613 = arith.mulf %mul3A_612, %get3A_611 : vector<16xf32>
    %add3A_614 = arith.addf %add3A_605, %mul3A_613 : vector<16xf32>
    %mul3A_615 = arith.constant 16 : i32
    %mul3A_616 = arith.muli %add3A_513, %mul3A_615 : i32
    %get3A_617 = arith.constant 11 : i32
    %get3A_618 = arith.index_cast %get3A_617 : i32 to index
    %get3A_619 = arith.index_cast %mul3A_616 : i32 to index
    %get3A_620 = tpu.vector_load %arg17[%get3A_618, %get3A_619] {strides = array<i32>} : memref<16x768xf32, #tpu.memory_space<vmem>>, vector<16xf32>,
    %mul3A_621 = vector.broadcast %reduce_sum3A_470 : f32 to vector<16xf32>
    %mul3A_622 = arith.mulf %mul3A_621, %get3A_620 : vector<16xf32>
    %add3A_623 = arith.addf %add3A_614, %mul3A_622 : vector<16xf32>
    %mul3A_624 = arith.constant 16 : i32
    %mul3A_625 = arith.muli %add3A_513, %mul3A_624 : i32
    %get3A_626 = arith.constant 12 : i32
    %get3A_627 = arith.index_cast %get3A_626 : i32 to index
    %get3A_628 = arith.index_cast %mul3A_625 : i32 to index
    %get3A_629 = tpu.vector_load %arg17[%get3A_627, %get3A_628] {strides = array<i32>} : memref<16x768xf32, #tpu.memory_space<vmem>>, vector<16xf32>,
    %mul3A_630 = vector.broadcast %reduce_sum3A_480 : f32 to vector<16xf32>
    %mul3A_631 = arith.mulf %mul3A_630, %get3A_629 : vector<16xf32>
    %add3A_632 = arith.addf %add3A_623, %mul3A_631 : vector<16xf32>
    %mul3A_633 = arith.constant 16 : i32
    %mul3A_634 = arith.muli %add3A_513, %mul3A_633 : i32
    %get3A_635 = arith.constant 13 : i32
    %get3A_636 = arith.index_cast %get3A_635 : i32 to index
    %get3A_637 = arith.index_cast %mul3A_634 : i32 to index
    %get3A_638 = tpu.vector_load %arg17[%get3A_636, %get3A_637] {strides = array<i32>} : memref<16x768xf32, #tpu.memory_space<vmem>>, vector<16xf32>,
    %mul3A_639 = vector.broadcast %reduce_sum3A_490 : f32 to vector<16xf32>
    %mul3A_640 = arith.mulf %mul3A_639, %get3A_638 : vector<16xf32>
    %add3A_641 = arith.addf %add3A_632, %mul3A_640 : vector<16xf32>
    %mul3A_642 = arith.constant 16 : i32
    %mul3A_643 = arith.muli %add3A_513, %mul3A_642 : i32
    %get3A_644 = arith.constant 14 : i32
    %get3A_645 = arith.index_cast %get3A_644 : i32 to index
    %get3A_646 = arith.index_cast %mul3A_643 : i32 to index
    %get3A_647 = tpu.vector_load %arg17[%get3A_645, %get3A_646] {strides = array<i32>} : memref<16x768xf32, #tpu.memory_space<vmem>>, vector<16xf32>,
    %mul3A_648 = vector.broadcast %reduce_sum3A_500 : f32 to vector<16xf32>
    %mul3A_649 = arith.mulf %mul3A_648, %get3A_647 : vector<16xf32>
    %add3A_650 = arith.addf %add3A_641, %mul3A_649 : vector<16xf32>
    %mul3A_651 = arith.constant 16 : i32
    %mul3A_652 = arith.muli %add3A_513, %mul3A_651 : i32
    %get3A_653 = arith.constant 15 : i32
    %get3A_654 = arith.index_cast %get3A_653 : i32 to index
    %get3A_655 = arith.index_cast %mul3A_652 : i32 to index
    %get3A_656 = tpu.vector_load %arg17[%get3A_654, %get3A_655] {strides = array<i32>} : memref<16x768xf32, #tpu.memory_space<vmem>>, vector<16xf32>,
    %mul3A_657 = vector.broadcast %reduce_sum3A_510 : f32 to vector<16xf32>
    %mul3A_658 = arith.mulf %mul3A_657, %get3A_656 : vector<16xf32>
    %add3A_659 = arith.addf %add3A_650, %mul3A_658 : vector<16xf32>
    %swap3A_660 = arith.constant 0 : index
    %swap3A_661 = tpu.vector_load %arg25[%swap3A_660] {strides = array<i32>} : memref<48xf32, #tpu.memory_space<vmem>>, vector<16xf32>,
    tpu.vector_store %arg25[%swap3A_660], %add3A_659 {strides = array<i32>} : memref<48xf32, #tpu.memory_space<vmem>>, vector<16xf32>,
    %mul3A_662 = arith.constant 3 : i32
    %mul3A_663 = arith.muli %arg1, %mul3A_662 : i32
    %add3A_664 = arith.constant 1 : i32
    %add3A_665 = arith.addi %mul3A_663, %add3A_664 : i32
    %broadcast_in_dim3A_666 = arith.constant 0.000000e+00 : f32
    %broadcast_in_dim3A_667 = vector.broadcast %broadcast_in_dim3A_666 : f32 to vector<16xf32>
    %mul3A_668 = arith.constant 16 : i32
    %mul3A_669 = arith.muli %add3A_665, %mul3A_668 : i32
    %get3A_670 = arith.constant 0 : i32
    %get3A_671 = arith.index_cast %get3A_670 : i32 to index
    %get3A_672 = arith.index_cast %mul3A_669 : i32 to index
    %get3A_673 = tpu.vector_load %arg17[%get3A_671, %get3A_672] {strides = array<i32>} : memref<16x768xf32, #tpu.memory_space<vmem>>, vector<16xf32>,
    %mul3A_674 = vector.broadcast %reduce_sum3A_360 : f32 to vector<16xf32>
    %mul3A_675 = arith.mulf %mul3A_674, %get3A_673 : vector<16xf32>
    %add3A_676 = arith.addf %broadcast_in_dim3A_667, %mul3A_675 : vector<16xf32>
    %mul3A_677 = arith.constant 16 : i32
    %mul3A_678 = arith.muli %add3A_665, %mul3A_677 : i32
    %get3A_679 = arith.constant 1 : i32
    %get3A_680 = arith.index_cast %get3A_679 : i32 to index
    %get3A_681 = arith.index_cast %mul3A_678 : i32 to index
    %get3A_682 = tpu.vector_load %arg17[%get3A_680, %get3A_681] {strides = array<i32>} : memref<16x768xf32, #tpu.memory_space<vmem>>, vector<16xf32>,
    %mul3A_683 = vector.broadcast %reduce_sum3A_370 : f32 to vector<16xf32>
    %mul3A_684 = arith.mulf %mul3A_683, %get3A_682 : vector<16xf32>
    %add3A_685 = arith.addf %add3A_676, %mul3A_684 : vector<16xf32>
    %mul3A_686 = arith.constant 16 : i32
    %mul3A_687 = arith.muli %add3A_665, %mul3A_686 : i32
    %get3A_688 = arith.constant 2 : i32
    %get3A_689 = arith.index_cast %get3A_688 : i32 to index
    %get3A_690 = arith.index_cast %mul3A_687 : i32 to index
    %get3A_691 = tpu.vector_load %arg17[%get3A_689, %get3A_690] {strides = array<i32>} : memref<16x768xf32, #tpu.memory_space<vmem>>, vector<16xf32>,
    %mul3A_692 = vector.broadcast %reduce_sum3A_380 : f32 to vector<16xf32>
    %mul3A_693 = arith.mulf %mul3A_692, %get3A_691 : vector<16xf32>
    %add3A_694 = arith.addf %add3A_685, %mul3A_693 : vector<16xf32>
    %mul3A_695 = arith.constant 16 : i32
    %mul3A_696 = arith.muli %add3A_665, %mul3A_695 : i32
    %get3A_697 = arith.constant 3 : i32
    %get3A_698 = arith.index_cast %get3A_697 : i32 to index
    %get3A_699 = arith.index_cast %mul3A_696 : i32 to index
    %get3A_700 = tpu.vector_load %arg17[%get3A_698, %get3A_699] {strides = array<i32>} : memref<16x768xf32, #tpu.memory_space<vmem>>, vector<16xf32>,
    %mul3A_701 = vector.broadcast %reduce_sum3A_390 : f32 to vector<16xf32>
    %mul3A_702 = arith.mulf %mul3A_701, %get3A_700 : vector<16xf32>
    %add3A_703 = arith.addf %add3A_694, %mul3A_702 : vector<16xf32>
    %mul3A_704 = arith.constant 16 : i32
    %mul3A_705 = arith.muli %add3A_665, %mul3A_704 : i32
    %get3A_706 = arith.constant 4 : i32
    %get3A_707 = arith.index_cast %get3A_706 : i32 to index
    %get3A_708 = arith.index_cast %mul3A_705 : i32 to index
    %get3A_709 = tpu.vector_load %arg17[%get3A_707, %get3A_708] {strides = array<i32>} : memref<16x768xf32, #tpu.memory_space<vmem>>, vector<16xf32>,
    %mul3A_710 = vector.broadcast %reduce_sum3A_400 : f32 to vector<16xf32>
    %mul3A_711 = arith.mulf %mul3A_710, %get3A_709 : vector<16xf32>
    %add3A_712 = arith.addf %add3A_703, %mul3A_711 : vector<16xf32>
    %mul3A_713 = arith.constant 16 : i32
    %mul3A_714 = arith.muli %add3A_665, %mul3A_713 : i32
    %get3A_715 = arith.constant 5 : i32
    %get3A_716 = arith.index_cast %get3A_715 : i32 to index
    %get3A_717 = arith.index_cast %mul3A_714 : i32 to index
    %get3A_718 = tpu.vector_load %arg17[%get3A_716, %get3A_717] {strides = array<i32>} : memref<16x768xf32, #tpu.memory_space<vmem>>, vector<16xf32>,
    %mul3A_719 = vector.broadcast %reduce_sum3A_410 : f32 to vector<16xf32>
    %mul3A_720 = arith.mulf %mul3A_719, %get3A_718 : vector<16xf32>
    %add3A_721 = arith.addf %add3A_712, %mul3A_720 : vector<16xf32>
    %mul3A_722 = arith.constant 16 : i32
    %mul3A_723 = arith.muli %add3A_665, %mul3A_722 : i32
    %get3A_724 = arith.constant 6 : i32
    %get3A_725 = arith.index_cast %get3A_724 : i32 to index
    %get3A_726 = arith.index_cast %mul3A_723 : i32 to index
    %get3A_727 = tpu.vector_load %arg17[%get3A_725, %get3A_726] {strides = array<i32>} : memref<16x768xf32, #tpu.memory_space<vmem>>, vector<16xf32>,
    %mul3A_728 = vector.broadcast %reduce_sum3A_420 : f32 to vector<16xf32>
    %mul3A_729 = arith.mulf %mul3A_728, %get3A_727 : vector<16xf32>
    %add3A_730 = arith.addf %add3A_721, %mul3A_729 : vector<16xf32>
    %mul3A_731 = arith.constant 16 : i32
    %mul3A_732 = arith.muli %add3A_665, %mul3A_731 : i32
    %get3A_733 = arith.constant 7 : i32
    %get3A_734 = arith.index_cast %get3A_733 : i32 to index
    %get3A_735 = arith.index_cast %mul3A_732 : i32 to index
    %get3A_736 = tpu.vector_load %arg17[%get3A_734, %get3A_735] {strides = array<i32>} : memref<16x768xf32, #tpu.memory_space<vmem>>, vector<16xf32>,
    %mul3A_737 = vector.broadcast %reduce_sum3A_430 : f32 to vector<16xf32>
    %mul3A_738 = arith.mulf %mul3A_737, %get3A_736 : vector<16xf32>
    %add3A_739 = arith.addf %add3A_730, %mul3A_738 : vector<16xf32>
    %mul3A_740 = arith.constant 16 : i32
    %mul3A_741 = arith.muli %add3A_665, %mul3A_740 : i32
    %get3A_742 = arith.constant 8 : i32
    %get3A_743 = arith.index_cast %get3A_742 : i32 to index
    %get3A_744 = arith.index_cast %mul3A_741 : i32 to index
    %get3A_745 = tpu.vector_load %arg17[%get3A_743, %get3A_744] {strides = array<i32>} : memref<16x768xf32, #tpu.memory_space<vmem>>, vector<16xf32>,
    %mul3A_746 = vector.broadcast %reduce_sum3A_440 : f32 to vector<16xf32>
    %mul3A_747 = arith.mulf %mul3A_746, %get3A_745 : vector<16xf32>
    %add3A_748 = arith.addf %add3A_739, %mul3A_747 : vector<16xf32>
    %mul3A_749 = arith.constant 16 : i32
    %mul3A_750 = arith.muli %add3A_665, %mul3A_749 : i32
    %get3A_751 = arith.constant 9 : i32
    %get3A_752 = arith.index_cast %get3A_751 : i32 to index
    %get3A_753 = arith.index_cast %mul3A_750 : i32 to index
    %get3A_754 = tpu.vector_load %arg17[%get3A_752, %get3A_753] {strides = array<i32>} : memref<16x768xf32, #tpu.memory_space<vmem>>, vector<16xf32>,
    %mul3A_755 = vector.broadcast %reduce_sum3A_450 : f32 to vector<16xf32>
    %mul3A_756 = arith.mulf %mul3A_755, %get3A_754 : vector<16xf32>
    %add3A_757 = arith.addf %add3A_748, %mul3A_756 : vector<16xf32>
    %mul3A_758 = arith.constant 16 : i32
    %mul3A_759 = arith.muli %add3A_665, %mul3A_758 : i32
    %get3A_760 = arith.constant 10 : i32
    %get3A_761 = arith.index_cast %get3A_760 : i32 to index
    %get3A_762 = arith.index_cast %mul3A_759 : i32 to index
    %get3A_763 = tpu.vector_load %arg17[%get3A_761, %get3A_762] {strides = array<i32>} : memref<16x768xf32, #tpu.memory_space<vmem>>, vector<16xf32>,
    %mul3A_764 = vector.broadcast %reduce_sum3A_460 : f32 to vector<16xf32>
    %mul3A_765 = arith.mulf %mul3A_764, %get3A_763 : vector<16xf32>
    %add3A_766 = arith.addf %add3A_757, %mul3A_765 : vector<16xf32>
    %mul3A_767 = arith.constant 16 : i32
    %mul3A_768 = arith.muli %add3A_665, %mul3A_767 : i32
    %get3A_769 = arith.constant 11 : i32
    %get3A_770 = arith.index_cast %get3A_769 : i32 to index
    %get3A_771 = arith.index_cast %mul3A_768 : i32 to index
    %get3A_772 = tpu.vector_load %arg17[%get3A_770, %get3A_771] {strides = array<i32>} : memref<16x768xf32, #tpu.memory_space<vmem>>, vector<16xf32>,
    %mul3A_773 = vector.broadcast %reduce_sum3A_470 : f32 to vector<16xf32>
    %mul3A_774 = arith.mulf %mul3A_773, %get3A_772 : vector<16xf32>
    %add3A_775 = arith.addf %add3A_766, %mul3A_774 : vector<16xf32>
    %mul3A_776 = arith.constant 16 : i32
    %mul3A_777 = arith.muli %add3A_665, %mul3A_776 : i32
    %get3A_778 = arith.constant 12 : i32
    %get3A_779 = arith.index_cast %get3A_778 : i32 to index
    %get3A_780 = arith.index_cast %mul3A_777 : i32 to index
    %get3A_781 = tpu.vector_load %arg17[%get3A_779, %get3A_780] {strides = array<i32>} : memref<16x768xf32, #tpu.memory_space<vmem>>, vector<16xf32>,
    %mul3A_782 = vector.broadcast %reduce_sum3A_480 : f32 to vector<16xf32>
    %mul3A_783 = arith.mulf %mul3A_782, %get3A_781 : vector<16xf32>
    %add3A_784 = arith.addf %add3A_775, %mul3A_783 : vector<16xf32>
    %mul3A_785 = arith.constant 16 : i32
    %mul3A_786 = arith.muli %add3A_665, %mul3A_785 : i32
    %get3A_787 = arith.constant 13 : i32
    %get3A_788 = arith.index_cast %get3A_787 : i32 to index
    %get3A_789 = arith.index_cast %mul3A_786 : i32 to index
    %get3A_790 = tpu.vector_load %arg17[%get3A_788, %get3A_789] {strides = array<i32>} : memref<16x768xf32, #tpu.memory_space<vmem>>, vector<16xf32>,
    %mul3A_791 = vector.broadcast %reduce_sum3A_490 : f32 to vector<16xf32>
    %mul3A_792 = arith.mulf %mul3A_791, %get3A_790 : vector<16xf32>
    %add3A_793 = arith.addf %add3A_784, %mul3A_792 : vector<16xf32>
    %mul3A_794 = arith.constant 16 : i32
    %mul3A_795 = arith.muli %add3A_665, %mul3A_794 : i32
    %get3A_796 = arith.constant 14 : i32
    %get3A_797 = arith.index_cast %get3A_796 : i32 to index
    %get3A_798 = arith.index_cast %mul3A_795 : i32 to index
    %get3A_799 = tpu.vector_load %arg17[%get3A_797, %get3A_798] {strides = array<i32>} : memref<16x768xf32, #tpu.memory_space<vmem>>, vector<16xf32>,
    %mul3A_800 = vector.broadcast %reduce_sum3A_500 : f32 to vector<16xf32>
    %mul3A_801 = arith.mulf %mul3A_800, %get3A_799 : vector<16xf32>
    %add3A_802 = arith.addf %add3A_793, %mul3A_801 : vector<16xf32>
    %mul3A_803 = arith.constant 16 : i32
    %mul3A_804 = arith.muli %add3A_665, %mul3A_803 : i32
    %get3A_805 = arith.constant 15 : i32
    %get3A_806 = arith.index_cast %get3A_805 : i32 to index
    %get3A_807 = arith.index_cast %mul3A_804 : i32 to index
    %get3A_808 = tpu.vector_load %arg17[%get3A_806, %get3A_807] {strides = array<i32>} : memref<16x768xf32, #tpu.memory_space<vmem>>, vector<16xf32>,
    %mul3A_809 = vector.broadcast %reduce_sum3A_510 : f32 to vector<16xf32>
    %mul3A_810 = arith.mulf %mul3A_809, %get3A_808 : vector<16xf32>
    %add3A_811 = arith.addf %add3A_802, %mul3A_810 : vector<16xf32>
    %swap3A_812 = arith.constant 16 : index
    %swap3A_813 = tpu.vector_load %arg25[%swap3A_812] {strides = array<i32>} : memref<48xf32, #tpu.memory_space<vmem>>, vector<16xf32>,
    tpu.vector_store %arg25[%swap3A_812], %add3A_811 {strides = array<i32>} : memref<48xf32, #tpu.memory_space<vmem>>, vector<16xf32>,
    %mul3A_814 = arith.constant 3 : i32
    %mul3A_815 = arith.muli %arg1, %mul3A_814 : i32
    %add3A_816 = arith.constant 2 : i32
    %add3A_817 = arith.addi %mul3A_815, %add3A_816 : i32
    %broadcast_in_dim3A_818 = arith.constant 0.000000e+00 : f32
    %broadcast_in_dim3A_819 = vector.broadcast %broadcast_in_dim3A_818 : f32 to vector<16xf32>
    %mul3A_820 = arith.constant 16 : i32
    %mul3A_821 = arith.muli %add3A_817, %mul3A_820 : i32
    %get3A_822 = arith.constant 0 : i32
    %get3A_823 = arith.index_cast %get3A_822 : i32 to index
    %get3A_824 = arith.index_cast %mul3A_821 : i32 to index
    %get3A_825 = tpu.vector_load %arg17[%get3A_823, %get3A_824] {strides = array<i32>} : memref<16x768xf32, #tpu.memory_space<vmem>>, vector<16xf32>,
    %mul3A_826 = vector.broadcast %reduce_sum3A_360 : f32 to vector<16xf32>
    %mul3A_827 = arith.mulf %mul3A_826, %get3A_825 : vector<16xf32>
    %add3A_828 = arith.addf %broadcast_in_dim3A_819, %mul3A_827 : vector<16xf32>
    %mul3A_829 = arith.constant 16 : i32
    %mul3A_830 = arith.muli %add3A_817, %mul3A_829 : i32
    %get3A_831 = arith.constant 1 : i32
    %get3A_832 = arith.index_cast %get3A_831 : i32 to index
    %get3A_833 = arith.index_cast %mul3A_830 : i32 to index
    %get3A_834 = tpu.vector_load %arg17[%get3A_832, %get3A_833] {strides = array<i32>} : memref<16x768xf32, #tpu.memory_space<vmem>>, vector<16xf32>,
    %mul3A_835 = vector.broadcast %reduce_sum3A_370 : f32 to vector<16xf32>
    %mul3A_836 = arith.mulf %mul3A_835, %get3A_834 : vector<16xf32>
    %add3A_837 = arith.addf %add3A_828, %mul3A_836 : vector<16xf32>
    %mul3A_838 = arith.constant 16 : i32
    %mul3A_839 = arith.muli %add3A_817, %mul3A_838 : i32
    %get3A_840 = arith.constant 2 : i32
    %get3A_841 = arith.index_cast %get3A_840 : i32 to index
    %get3A_842 = arith.index_cast %mul3A_839 : i32 to index
    %get3A_843 = tpu.vector_load %arg17[%get3A_841, %get3A_842] {strides = array<i32>} : memref<16x768xf32, #tpu.memory_space<vmem>>, vector<16xf32>,
    %mul3A_844 = vector.broadcast %reduce_sum3A_380 : f32 to vector<16xf32>
    %mul3A_845 = arith.mulf %mul3A_844, %get3A_843 : vector<16xf32>
    %add3A_846 = arith.addf %add3A_837, %mul3A_845 : vector<16xf32>
    %mul3A_847 = arith.constant 16 : i32
    %mul3A_848 = arith.muli %add3A_817, %mul3A_847 : i32
    %get3A_849 = arith.constant 3 : i32
    %get3A_850 = arith.index_cast %get3A_849 : i32 to index
    %get3A_851 = arith.index_cast %mul3A_848 : i32 to index
    %get3A_852 = tpu.vector_load %arg17[%get3A_850, %get3A_851] {strides = array<i32>} : memref<16x768xf32, #tpu.memory_space<vmem>>, vector<16xf32>,
    %mul3A_853 = vector.broadcast %reduce_sum3A_390 : f32 to vector<16xf32>
    %mul3A_854 = arith.mulf %mul3A_853, %get3A_852 : vector<16xf32>
    %add3A_855 = arith.addf %add3A_846, %mul3A_854 : vector<16xf32>
    %mul3A_856 = arith.constant 16 : i32
    %mul3A_857 = arith.muli %add3A_817, %mul3A_856 : i32
    %get3A_858 = arith.constant 4 : i32
    %get3A_859 = arith.index_cast %get3A_858 : i32 to index
    %get3A_860 = arith.index_cast %mul3A_857 : i32 to index
    %get3A_861 = tpu.vector_load %arg17[%get3A_859, %get3A_860] {strides = array<i32>} : memref<16x768xf32, #tpu.memory_space<vmem>>, vector<16xf32>,
    %mul3A_862 = vector.broadcast %reduce_sum3A_400 : f32 to vector<16xf32>
    %mul3A_863 = arith.mulf %mul3A_862, %get3A_861 : vector<16xf32>
    %add3A_864 = arith.addf %add3A_855, %mul3A_863 : vector<16xf32>
    %mul3A_865 = arith.constant 16 : i32
    %mul3A_866 = arith.muli %add3A_817, %mul3A_865 : i32
    %get3A_867 = arith.constant 5 : i32
    %get3A_868 = arith.index_cast %get3A_867 : i32 to index
    %get3A_869 = arith.index_cast %mul3A_866 : i32 to index
    %get3A_870 = tpu.vector_load %arg17[%get3A_868, %get3A_869] {strides = array<i32>} : memref<16x768xf32, #tpu.memory_space<vmem>>, vector<16xf32>,
    %mul3A_871 = vector.broadcast %reduce_sum3A_410 : f32 to vector<16xf32>
    %mul3A_872 = arith.mulf %mul3A_871, %get3A_870 : vector<16xf32>
    %add3A_873 = arith.addf %add3A_864, %mul3A_872 : vector<16xf32>
    %mul3A_874 = arith.constant 16 : i32
    %mul3A_875 = arith.muli %add3A_817, %mul3A_874 : i32
    %get3A_876 = arith.constant 6 : i32
    %get3A_877 = arith.index_cast %get3A_876 : i32 to index
    %get3A_878 = arith.index_cast %mul3A_875 : i32 to index
    %get3A_879 = tpu.vector_load %arg17[%get3A_877, %get3A_878] {strides = array<i32>} : memref<16x768xf32, #tpu.memory_space<vmem>>, vector<16xf32>,
    %mul3A_880 = vector.broadcast %reduce_sum3A_420 : f32 to vector<16xf32>
    %mul3A_881 = arith.mulf %mul3A_880, %get3A_879 : vector<16xf32>
    %add3A_882 = arith.addf %add3A_873, %mul3A_881 : vector<16xf32>
    %mul3A_883 = arith.constant 16 : i32
    %mul3A_884 = arith.muli %add3A_817, %mul3A_883 : i32
    %get3A_885 = arith.constant 7 : i32
    %get3A_886 = arith.index_cast %get3A_885 : i32 to index
    %get3A_887 = arith.index_cast %mul3A_884 : i32 to index
    %get3A_888 = tpu.vector_load %arg17[%get3A_886, %get3A_887] {strides = array<i32>} : memref<16x768xf32, #tpu.memory_space<vmem>>, vector<16xf32>,
    %mul3A_889 = vector.broadcast %reduce_sum3A_430 : f32 to vector<16xf32>
    %mul3A_890 = arith.mulf %mul3A_889, %get3A_888 : vector<16xf32>
    %add3A_891 = arith.addf %add3A_882, %mul3A_890 : vector<16xf32>
    %mul3A_892 = arith.constant 16 : i32
    %mul3A_893 = arith.muli %add3A_817, %mul3A_892 : i32
    %get3A_894 = arith.constant 8 : i32
    %get3A_895 = arith.index_cast %get3A_894 : i32 to index
    %get3A_896 = arith.index_cast %mul3A_893 : i32 to index
    %get3A_897 = tpu.vector_load %arg17[%get3A_895, %get3A_896] {strides = array<i32>} : memref<16x768xf32, #tpu.memory_space<vmem>>, vector<16xf32>,
    %mul3A_898 = vector.broadcast %reduce_sum3A_440 : f32 to vector<16xf32>
    %mul3A_899 = arith.mulf %mul3A_898, %get3A_897 : vector<16xf32>
    %add3A_900 = arith.addf %add3A_891, %mul3A_899 : vector<16xf32>
    %mul3A_901 = arith.constant 16 : i32
    %mul3A_902 = arith.muli %add3A_817, %mul3A_901 : i32
    %get3A_903 = arith.constant 9 : i32
    %get3A_904 = arith.index_cast %get3A_903 : i32 to index
    %get3A_905 = arith.index_cast %mul3A_902 : i32 to index
    %get3A_906 = tpu.vector_load %arg17[%get3A_904, %get3A_905] {strides = array<i32>} : memref<16x768xf32, #tpu.memory_space<vmem>>, vector<16xf32>,
    %mul3A_907 = vector.broadcast %reduce_sum3A_450 : f32 to vector<16xf32>
    %mul3A_908 = arith.mulf %mul3A_907, %get3A_906 : vector<16xf32>
    %add3A_909 = arith.addf %add3A_900, %mul3A_908 : vector<16xf32>
    %mul3A_910 = arith.constant 16 : i32
    %mul3A_911 = arith.muli %add3A_817, %mul3A_910 : i32
    %get3A_912 = arith.constant 10 : i32
    %get3A_913 = arith.index_cast %get3A_912 : i32 to index
    %get3A_914 = arith.index_cast %mul3A_911 : i32 to index
    %get3A_915 = tpu.vector_load %arg17[%get3A_913, %get3A_914] {strides = array<i32>} : memref<16x768xf32, #tpu.memory_space<vmem>>, vector<16xf32>,
    %mul3A_916 = vector.broadcast %reduce_sum3A_460 : f32 to vector<16xf32>
    %mul3A_917 = arith.mulf %mul3A_916, %get3A_915 : vector<16xf32>
    %add3A_918 = arith.addf %add3A_909, %mul3A_917 : vector<16xf32>
    %mul3A_919 = arith.constant 16 : i32
    %mul3A_920 = arith.muli %add3A_817, %mul3A_919 : i32
    %get3A_921 = arith.constant 11 : i32
    %get3A_922 = arith.index_cast %get3A_921 : i32 to index
    %get3A_923 = arith.index_cast %mul3A_920 : i32 to index
    %get3A_924 = tpu.vector_load %arg17[%get3A_922, %get3A_923] {strides = array<i32>} : memref<16x768xf32, #tpu.memory_space<vmem>>, vector<16xf32>,
    %mul3A_925 = vector.broadcast %reduce_sum3A_470 : f32 to vector<16xf32>
    %mul3A_926 = arith.mulf %mul3A_925, %get3A_924 : vector<16xf32>
    %add3A_927 = arith.addf %add3A_918, %mul3A_926 : vector<16xf32>
    %mul3A_928 = arith.constant 16 : i32
    %mul3A_929 = arith.muli %add3A_817, %mul3A_928 : i32
    %get3A_930 = arith.constant 12 : i32
    %get3A_931 = arith.index_cast %get3A_930 : i32 to index
    %get3A_932 = arith.index_cast %mul3A_929 : i32 to index
    %get3A_933 = tpu.vector_load %arg17[%get3A_931, %get3A_932] {strides = array<i32>} : memref<16x768xf32, #tpu.memory_space<vmem>>, vector<16xf32>,
    %mul3A_934 = vector.broadcast %reduce_sum3A_480 : f32 to vector<16xf32>
    %mul3A_935 = arith.mulf %mul3A_934, %get3A_933 : vector<16xf32>
    %add3A_936 = arith.addf %add3A_927, %mul3A_935 : vector<16xf32>
    %mul3A_937 = arith.constant 16 : i32
    %mul3A_938 = arith.muli %add3A_817, %mul3A_937 : i32
    %get3A_939 = arith.constant 13 : i32
    %get3A_940 = arith.index_cast %get3A_939 : i32 to index
    %get3A_941 = arith.index_cast %mul3A_938 : i32 to index
    %get3A_942 = tpu.vector_load %arg17[%get3A_940, %get3A_941] {strides = array<i32>} : memref<16x768xf32, #tpu.memory_space<vmem>>, vector<16xf32>,
    %mul3A_943 = vector.broadcast %reduce_sum3A_490 : f32 to vector<16xf32>
    %mul3A_944 = arith.mulf %mul3A_943, %get3A_942 : vector<16xf32>
    %add3A_945 = arith.addf %add3A_936, %mul3A_944 : vector<16xf32>
    %mul3A_946 = arith.constant 16 : i32
    %mul3A_947 = arith.muli %add3A_817, %mul3A_946 : i32
    %get3A_948 = arith.constant 14 : i32
    %get3A_949 = arith.index_cast %get3A_948 : i32 to index
    %get3A_950 = arith.index_cast %mul3A_947 : i32 to index
    %get3A_951 = tpu.vector_load %arg17[%get3A_949, %get3A_950] {strides = array<i32>} : memref<16x768xf32, #tpu.memory_space<vmem>>, vector<16xf32>,
    %mul3A_952 = vector.broadcast %reduce_sum3A_500 : f32 to vector<16xf32>
    %mul3A_953 = arith.mulf %mul3A_952, %get3A_951 : vector<16xf32>
    %add3A_954 = arith.addf %add3A_945, %mul3A_953 : vector<16xf32>
    %mul3A_955 = arith.constant 16 : i32
    %mul3A_956 = arith.muli %add3A_817, %mul3A_955 : i32
    %get3A_957 = arith.constant 15 : i32
    %get3A_958 = arith.index_cast %get3A_957 : i32 to index
    %get3A_959 = arith.index_cast %mul3A_956 : i32 to index
    %get3A_960 = tpu.vector_load %arg17[%get3A_958, %get3A_959] {strides = array<i32>} : memref<16x768xf32, #tpu.memory_space<vmem>>, vector<16xf32>,
    %mul3A_961 = vector.broadcast %reduce_sum3A_510 : f32 to vector<16xf32>
    %mul3A_962 = arith.mulf %mul3A_961, %get3A_960 : vector<16xf32>
    %add3A_963 = arith.addf %add3A_954, %mul3A_962 : vector<16xf32>
    %swap3A_964 = arith.constant 32 : index
    %swap3A_965 = tpu.vector_load %arg25[%swap3A_964] {strides = array<i32>} : memref<48xf32, #tpu.memory_space<vmem>>, vector<16xf32>,
    tpu.vector_store %arg25[%swap3A_964], %add3A_963 {strides = array<i32>} : memref<48xf32, #tpu.memory_space<vmem>>, vector<16xf32>,
    %mul3A_966 = arith.constant 48 : i32
    %mul3A_967 = arith.muli %arg1, %mul3A_966 : i32
    "tpu.region"() ({
      %run_scoped3A = tpu.sem_alloc : memref<!tpu.dma_semaphore, #tpu.memory_space<semaphore_mem>>
      %dma_start3A_1308 = tpu.memref_slice %arg10[%mul3A_967] : memref<768xf32, #tpu.memory_space<hbm>> -> memref<48xf32, #tpu.memory_space<hbm>>
      %dma_start3A_1309 = tpu.memref_slice %arg10[%mul3A_967] : memref<768xf32, #tpu.memory_space<hbm>> -> memref<48xf32, #tpu.memory_space<hbm>>
      tpu.enqueue_dma source(%arg25 : memref<48xf32, #tpu.memory_space<vmem>>) target(%dma_start3A_1309 : memref<48xf32, #tpu.memory_space<hbm>>) target_semaphore(%run_scoped3A : memref<!tpu.dma_semaphore, #tpu.memory_space<semaphore_mem>>)
      %dma_wait3A_1310 = tpu.memref_slice %arg10[%mul3A_967] : memref<768xf32, #tpu.memory_space<hbm>> -> memref<48xf32, #tpu.memory_space<hbm>>
      %dma_wait3A_1311 = tpu.memref_slice %arg10[%mul3A_967] : memref<768xf32, #tpu.memory_space<hbm>> -> memref<48xf32, #tpu.memory_space<hbm>>
      tpu.wait_dma2 semaphore(%run_scoped3A : memref<!tpu.dma_semaphore, #tpu.memory_space<semaphore_mem>>) src(%arg25 : memref<48xf32, #tpu.memory_space<vmem>>) dst(%dma_wait3A_1311 : memref<48xf32, #tpu.memory_space<hbm>>)
      tpu.yield
    }) : () -> ()
    %barrier3A_968 = arith.constant 0 : index
    tpu.barrier barrier_id(%barrier3A_968)
    "tpu.region"() ({
      %run_scoped3A = tpu.sem_alloc : memref<!tpu.dma_semaphore, #tpu.memory_space<semaphore_mem>>
      tpu.enqueue_dma source(%arg10 : memref<768xf32, #tpu.memory_space<hbm>>) target(%arg19 : memref<768xf32, #tpu.memory_space<vmem>>) target_semaphore(%run_scoped3A : memref<!tpu.dma_semaphore, #tpu.memory_space<semaphore_mem>>)
      tpu.wait_dma2 semaphore(%run_scoped3A : memref<!tpu.dma_semaphore, #tpu.memory_space<semaphore_mem>>) src(%arg10 : memref<768xf32, #tpu.memory_space<hbm>>) dst(%arg19 : memref<768xf32, #tpu.memory_space<vmem>>)
      tpu.yield
    }) : () -> ()
    %mul3A_969 = arith.constant 16 : i32
    %mul3A_970 = arith.muli %arg1, %mul3A_969 : i32
    "tpu.region"() ({
      %run_scoped3A = tpu.sem_alloc : memref<!tpu.dma_semaphore, #tpu.memory_space<semaphore_mem>>
      %dma_start3A_1308 = arith.constant 0 : i32
      %dma_start3A_1309 = tpu.memref_slice %arg4[%mul3A_970, %dma_start3A_1308] : memref<256x768xf32, #tpu.memory_space<hbm>> -> memref<16x768xf32, #tpu.memory_space<hbm>>
      %dma_start3A_1310 = arith.constant 0 : i32
      %dma_start3A_1311 = tpu.memref_slice %arg4[%mul3A_970, %dma_start3A_1310] : memref<256x768xf32, #tpu.memory_space<hbm>> -> memref<16x768xf32, #tpu.memory_space<hbm>>
      tpu.enqueue_dma source(%dma_start3A_1311 : memref<16x768xf32, #tpu.memory_space<hbm>>) target(%arg18 : memref<16x768xf32, #tpu.memory_space<vmem>>) target_semaphore(%run_scoped3A : memref<!tpu.dma_semaphore, #tpu.memory_space<semaphore_mem>>)
      %dma_wait3A_1312 = arith.constant 0 : i32
      %dma_wait3A_1313 = tpu.memref_slice %arg4[%mul3A_970, %dma_wait3A_1312] : memref<256x768xf32, #tpu.memory_space<hbm>> -> memref<16x768xf32, #tpu.memory_space<hbm>>
      %dma_wait3A_1314 = arith.constant 0 : i32
      %dma_wait3A_1315 = tpu.memref_slice %arg4[%mul3A_970, %dma_wait3A_1314] : memref<256x768xf32, #tpu.memory_space<hbm>> -> memref<16x768xf32, #tpu.memory_space<hbm>>
      tpu.wait_dma2 semaphore(%run_scoped3A : memref<!tpu.dma_semaphore, #tpu.memory_space<semaphore_mem>>) src(%dma_wait3A_1315 : memref<16x768xf32, #tpu.memory_space<hbm>>) dst(%arg18 : memref<16x768xf32, #tpu.memory_space<vmem>>)
      tpu.yield
    }) : () -> ()
    %mul3A_971 = arith.constant 16 : i32
    %mul3A_972 = arith.muli %arg1, %mul3A_971 : i32
    "tpu.region"() ({
      %run_scoped3A = tpu.sem_alloc : memref<!tpu.dma_semaphore, #tpu.memory_space<semaphore_mem>>
      %dma_start3A_1308 = tpu.memref_slice %arg5[%mul3A_972] : memref<256xf32, #tpu.memory_space<hbm>> -> memref<16xf32, #tpu.memory_space<hbm>>
      %dma_start3A_1309 = tpu.memref_slice %arg5[%mul3A_972] : memref<256xf32, #tpu.memory_space<hbm>> -> memref<16xf32, #tpu.memory_space<hbm>>
      tpu.enqueue_dma source(%dma_start3A_1309 : memref<16xf32, #tpu.memory_space<hbm>>) target(%arg27 : memref<16xf32, #tpu.memory_space<vmem>>) target_semaphore(%run_scoped3A : memref<!tpu.dma_semaphore, #tpu.memory_space<semaphore_mem>>)
      %dma_wait3A_1310 = tpu.memref_slice %arg5[%mul3A_972] : memref<256xf32, #tpu.memory_space<hbm>> -> memref<16xf32, #tpu.memory_space<hbm>>
      %dma_wait3A_1311 = tpu.memref_slice %arg5[%mul3A_972] : memref<256xf32, #tpu.memory_space<hbm>> -> memref<16xf32, #tpu.memory_space<hbm>>
      tpu.wait_dma2 semaphore(%run_scoped3A : memref<!tpu.dma_semaphore, #tpu.memory_space<semaphore_mem>>) src(%dma_wait3A_1311 : memref<16xf32, #tpu.memory_space<hbm>>) dst(%arg27 : memref<16xf32, #tpu.memory_space<vmem>>)
      tpu.yield
    }) : () -> ()
    %broadcast_in_dim3A_973 = arith.constant 0.000000e+00 : f32
    %broadcast_in_dim3A_974 = vector.broadcast %broadcast_in_dim3A_973 : f32 to vector<16xf32>
    %broadcast_in_dim3A_975 = arith.constant 0.000000e+00 : f32
    %broadcast_in_dim3A_976 = vector.broadcast %broadcast_in_dim3A_975 : f32 to vector<16xf32>
    %scan3A_977 = arith.constant 0 : i32
    %scan3A_978 = arith.constant 48 : i32
    %scan3A_979 = arith.addi %scan3A_977, %scan3A_978 : i32
    %scan3A_980 = arith.constant 1 : i32
    %scan3A_981 = scf.for %scan3A_1308 = %scan3A_977 to %scan3A_979 step %scan3A_980 iter_args(%scan3A_1309 = %broadcast_in_dim3A_976) -> (vector<16xf32>)  : i32 {
      %mul3A_1310 = arith.constant 16 : i32
      %mul3A_1311 = arith.muli %scan3A_1308, %mul3A_1310 : i32
      %get3A_1312 = arith.index_cast %mul3A_1311 : i32 to index
      %get3A_1313 = tpu.vector_load %arg19[%get3A_1312] {strides = array<i32>} : memref<768xf32, #tpu.memory_space<vmem>>, vector<16xf32>,
      %mul3A_1314 = arith.constant 16 : i32
      %mul3A_1315 = arith.muli %scan3A_1308, %mul3A_1314 : i32
      %get3A_1316 = arith.constant 0 : i32
      %get3A_1317 = arith.index_cast %get3A_1316 : i32 to index
      %get3A_1318 = arith.index_cast %mul3A_1315 : i32 to index
      %get3A_1319 = tpu.vector_load %arg18[%get3A_1317, %get3A_1318] {strides = array<i32>} : memref<16x768xf32, #tpu.memory_space<vmem>>, vector<16xf32>,
      %mul3A_1320 = arith.mulf %get3A_1313, %get3A_1319 : vector<16xf32>
      %add3A_1321 = arith.addf %scan3A_1309, %mul3A_1320 : vector<16xf32>
      scf.yield %add3A_1321 : vector<16xf32>
    }
    %scan3A_982 = arith.constant 48 : i32
    %eq3A_983 = arith.constant 0 : i32
    %eq3A_984 = vector.broadcast %eq3A_983 : i32 to vector<16xi32>
    %eq3A_985 = arith.cmpi eq, %iota3A, %eq3A_984 : vector<16xi32>
    %reduce_sum3A_986 = arith.constant true
    %reduce_sum3A_987 = vector.broadcast %reduce_sum3A_986 : i1 to vector<16xi1>
    %reduce_sum3A_988 = tpu.scan <sum>, %scan3A_981 masked %reduce_sum3A_987 : vector<16xf32>, vector<16xi1> -> vector<16xf32>
    %reduce_sum3A_989 = vector.extract %reduce_sum3A_988[15] : f32 from vector<16xf32>
    %jit3A_990 = arith.constant 0.000000e+00 : f32
    %broadcast_in_dim3A_991 = vector.broadcast %reduce_sum3A_989 : f32 to vector<16xf32>
    %broadcast_in_dim3A_992 = vector.broadcast %jit3A_990 : f32 to vector<16xf32>
    %select_n3A_993 = arith.select %eq3A_985, %broadcast_in_dim3A_991, %broadcast_in_dim3A_992 : vector<16xi1>, vector<16xf32>
    %add3A_994 = arith.addf %broadcast_in_dim3A_974, %select_n3A_993 : vector<16xf32>
    %broadcast_in_dim3A_995 = arith.constant 0.000000e+00 : f32
    %broadcast_in_dim3A_996 = vector.broadcast %broadcast_in_dim3A_995 : f32 to vector<16xf32>
    %scan3A_997 = arith.constant 0 : i32
    %scan3A_998 = arith.constant 48 : i32
    %scan3A_999 = arith.addi %scan3A_997, %scan3A_998 : i32
    %scan3A_1000 = arith.constant 1 : i32
    %scan3A_1001 = scf.for %scan3A_1308 = %scan3A_997 to %scan3A_999 step %scan3A_1000 iter_args(%scan3A_1309 = %broadcast_in_dim3A_996) -> (vector<16xf32>)  : i32 {
      %mul3A_1310 = arith.constant 16 : i32
      %mul3A_1311 = arith.muli %scan3A_1308, %mul3A_1310 : i32
      %get3A_1312 = arith.index_cast %mul3A_1311 : i32 to index
      %get3A_1313 = tpu.vector_load %arg19[%get3A_1312] {strides = array<i32>} : memref<768xf32, #tpu.memory_space<vmem>>, vector<16xf32>,
      %mul3A_1314 = arith.constant 16 : i32
      %mul3A_1315 = arith.muli %scan3A_1308, %mul3A_1314 : i32
      %get3A_1316 = arith.constant 1 : i32
      %get3A_1317 = arith.index_cast %get3A_1316 : i32 to index
      %get3A_1318 = arith.index_cast %mul3A_1315 : i32 to index
      %get3A_1319 = tpu.vector_load %arg18[%get3A_1317, %get3A_1318] {strides = array<i32>} : memref<16x768xf32, #tpu.memory_space<vmem>>, vector<16xf32>,
      %mul3A_1320 = arith.mulf %get3A_1313, %get3A_1319 : vector<16xf32>
      %add3A_1321 = arith.addf %scan3A_1309, %mul3A_1320 : vector<16xf32>
      scf.yield %add3A_1321 : vector<16xf32>
    }
    %scan3A_1002 = arith.constant 48 : i32
    %eq3A_1003 = arith.constant 1 : i32
    %eq3A_1004 = vector.broadcast %eq3A_1003 : i32 to vector<16xi32>
    %eq3A_1005 = arith.cmpi eq, %iota3A, %eq3A_1004 : vector<16xi32>
    %reduce_sum3A_1006 = arith.constant true
    %reduce_sum3A_1007 = vector.broadcast %reduce_sum3A_1006 : i1 to vector<16xi1>
    %reduce_sum3A_1008 = tpu.scan <sum>, %scan3A_1001 masked %reduce_sum3A_1007 : vector<16xf32>, vector<16xi1> -> vector<16xf32>
    %reduce_sum3A_1009 = vector.extract %reduce_sum3A_1008[15] : f32 from vector<16xf32>
    %jit3A_1010 = arith.constant 0.000000e+00 : f32
    %broadcast_in_dim3A_1011 = vector.broadcast %reduce_sum3A_1009 : f32 to vector<16xf32>
    %broadcast_in_dim3A_1012 = vector.broadcast %jit3A_1010 : f32 to vector<16xf32>
    %select_n3A_1013 = arith.select %eq3A_1005, %broadcast_in_dim3A_1011, %broadcast_in_dim3A_1012 : vector<16xi1>, vector<16xf32>
    %add3A_1014 = arith.addf %add3A_994, %select_n3A_1013 : vector<16xf32>
    %broadcast_in_dim3A_1015 = arith.constant 0.000000e+00 : f32
    %broadcast_in_dim3A_1016 = vector.broadcast %broadcast_in_dim3A_1015 : f32 to vector<16xf32>
    %scan3A_1017 = arith.constant 0 : i32
    %scan3A_1018 = arith.constant 48 : i32
    %scan3A_1019 = arith.addi %scan3A_1017, %scan3A_1018 : i32
    %scan3A_1020 = arith.constant 1 : i32
    %scan3A_1021 = scf.for %scan3A_1308 = %scan3A_1017 to %scan3A_1019 step %scan3A_1020 iter_args(%scan3A_1309 = %broadcast_in_dim3A_1016) -> (vector<16xf32>)  : i32 {
      %mul3A_1310 = arith.constant 16 : i32
      %mul3A_1311 = arith.muli %scan3A_1308, %mul3A_1310 : i32
      %get3A_1312 = arith.index_cast %mul3A_1311 : i32 to index
      %get3A_1313 = tpu.vector_load %arg19[%get3A_1312] {strides = array<i32>} : memref<768xf32, #tpu.memory_space<vmem>>, vector<16xf32>,
      %mul3A_1314 = arith.constant 16 : i32
      %mul3A_1315 = arith.muli %scan3A_1308, %mul3A_1314 : i32
      %get3A_1316 = arith.constant 2 : i32
      %get3A_1317 = arith.index_cast %get3A_1316 : i32 to index
      %get3A_1318 = arith.index_cast %mul3A_1315 : i32 to index
      %get3A_1319 = tpu.vector_load %arg18[%get3A_1317, %get3A_1318] {strides = array<i32>} : memref<16x768xf32, #tpu.memory_space<vmem>>, vector<16xf32>,
      %mul3A_1320 = arith.mulf %get3A_1313, %get3A_1319 : vector<16xf32>
      %add3A_1321 = arith.addf %scan3A_1309, %mul3A_1320 : vector<16xf32>
      scf.yield %add3A_1321 : vector<16xf32>
    }
    %scan3A_1022 = arith.constant 48 : i32
    %eq3A_1023 = arith.constant 2 : i32
    %eq3A_1024 = vector.broadcast %eq3A_1023 : i32 to vector<16xi32>
    %eq3A_1025 = arith.cmpi eq, %iota3A, %eq3A_1024 : vector<16xi32>
    %reduce_sum3A_1026 = arith.constant true
    %reduce_sum3A_1027 = vector.broadcast %reduce_sum3A_1026 : i1 to vector<16xi1>
    %reduce_sum3A_1028 = tpu.scan <sum>, %scan3A_1021 masked %reduce_sum3A_1027 : vector<16xf32>, vector<16xi1> -> vector<16xf32>
    %reduce_sum3A_1029 = vector.extract %reduce_sum3A_1028[15] : f32 from vector<16xf32>
    %jit3A_1030 = arith.constant 0.000000e+00 : f32
    %broadcast_in_dim3A_1031 = vector.broadcast %reduce_sum3A_1029 : f32 to vector<16xf32>
    %broadcast_in_dim3A_1032 = vector.broadcast %jit3A_1030 : f32 to vector<16xf32>
    %select_n3A_1033 = arith.select %eq3A_1025, %broadcast_in_dim3A_1031, %broadcast_in_dim3A_1032 : vector<16xi1>, vector<16xf32>
    %add3A_1034 = arith.addf %add3A_1014, %select_n3A_1033 : vector<16xf32>
    %broadcast_in_dim3A_1035 = arith.constant 0.000000e+00 : f32
    %broadcast_in_dim3A_1036 = vector.broadcast %broadcast_in_dim3A_1035 : f32 to vector<16xf32>
    %scan3A_1037 = arith.constant 0 : i32
    %scan3A_1038 = arith.constant 48 : i32
    %scan3A_1039 = arith.addi %scan3A_1037, %scan3A_1038 : i32
    %scan3A_1040 = arith.constant 1 : i32
    %scan3A_1041 = scf.for %scan3A_1308 = %scan3A_1037 to %scan3A_1039 step %scan3A_1040 iter_args(%scan3A_1309 = %broadcast_in_dim3A_1036) -> (vector<16xf32>)  : i32 {
      %mul3A_1310 = arith.constant 16 : i32
      %mul3A_1311 = arith.muli %scan3A_1308, %mul3A_1310 : i32
      %get3A_1312 = arith.index_cast %mul3A_1311 : i32 to index
      %get3A_1313 = tpu.vector_load %arg19[%get3A_1312] {strides = array<i32>} : memref<768xf32, #tpu.memory_space<vmem>>, vector<16xf32>,
      %mul3A_1314 = arith.constant 16 : i32
      %mul3A_1315 = arith.muli %scan3A_1308, %mul3A_1314 : i32
      %get3A_1316 = arith.constant 3 : i32
      %get3A_1317 = arith.index_cast %get3A_1316 : i32 to index
      %get3A_1318 = arith.index_cast %mul3A_1315 : i32 to index
      %get3A_1319 = tpu.vector_load %arg18[%get3A_1317, %get3A_1318] {strides = array<i32>} : memref<16x768xf32, #tpu.memory_space<vmem>>, vector<16xf32>,
      %mul3A_1320 = arith.mulf %get3A_1313, %get3A_1319 : vector<16xf32>
      %add3A_1321 = arith.addf %scan3A_1309, %mul3A_1320 : vector<16xf32>
      scf.yield %add3A_1321 : vector<16xf32>
    }
    %scan3A_1042 = arith.constant 48 : i32
    %eq3A_1043 = arith.constant 3 : i32
    %eq3A_1044 = vector.broadcast %eq3A_1043 : i32 to vector<16xi32>
    %eq3A_1045 = arith.cmpi eq, %iota3A, %eq3A_1044 : vector<16xi32>
    %reduce_sum3A_1046 = arith.constant true
    %reduce_sum3A_1047 = vector.broadcast %reduce_sum3A_1046 : i1 to vector<16xi1>
    %reduce_sum3A_1048 = tpu.scan <sum>, %scan3A_1041 masked %reduce_sum3A_1047 : vector<16xf32>, vector<16xi1> -> vector<16xf32>
    %reduce_sum3A_1049 = vector.extract %reduce_sum3A_1048[15] : f32 from vector<16xf32>
    %jit3A_1050 = arith.constant 0.000000e+00 : f32
    %broadcast_in_dim3A_1051 = vector.broadcast %reduce_sum3A_1049 : f32 to vector<16xf32>
    %broadcast_in_dim3A_1052 = vector.broadcast %jit3A_1050 : f32 to vector<16xf32>
    %select_n3A_1053 = arith.select %eq3A_1045, %broadcast_in_dim3A_1051, %broadcast_in_dim3A_1052 : vector<16xi1>, vector<16xf32>
    %add3A_1054 = arith.addf %add3A_1034, %select_n3A_1053 : vector<16xf32>
    %broadcast_in_dim3A_1055 = arith.constant 0.000000e+00 : f32
    %broadcast_in_dim3A_1056 = vector.broadcast %broadcast_in_dim3A_1055 : f32 to vector<16xf32>
    %scan3A_1057 = arith.constant 0 : i32
    %scan3A_1058 = arith.constant 48 : i32
    %scan3A_1059 = arith.addi %scan3A_1057, %scan3A_1058 : i32
    %scan3A_1060 = arith.constant 1 : i32
    %scan3A_1061 = scf.for %scan3A_1308 = %scan3A_1057 to %scan3A_1059 step %scan3A_1060 iter_args(%scan3A_1309 = %broadcast_in_dim3A_1056) -> (vector<16xf32>)  : i32 {
      %mul3A_1310 = arith.constant 16 : i32
      %mul3A_1311 = arith.muli %scan3A_1308, %mul3A_1310 : i32
      %get3A_1312 = arith.index_cast %mul3A_1311 : i32 to index
      %get3A_1313 = tpu.vector_load %arg19[%get3A_1312] {strides = array<i32>} : memref<768xf32, #tpu.memory_space<vmem>>, vector<16xf32>,
      %mul3A_1314 = arith.constant 16 : i32
      %mul3A_1315 = arith.muli %scan3A_1308, %mul3A_1314 : i32
      %get3A_1316 = arith.constant 4 : i32
      %get3A_1317 = arith.index_cast %get3A_1316 : i32 to index
      %get3A_1318 = arith.index_cast %mul3A_1315 : i32 to index
      %get3A_1319 = tpu.vector_load %arg18[%get3A_1317, %get3A_1318] {strides = array<i32>} : memref<16x768xf32, #tpu.memory_space<vmem>>, vector<16xf32>,
      %mul3A_1320 = arith.mulf %get3A_1313, %get3A_1319 : vector<16xf32>
      %add3A_1321 = arith.addf %scan3A_1309, %mul3A_1320 : vector<16xf32>
      scf.yield %add3A_1321 : vector<16xf32>
    }
    %scan3A_1062 = arith.constant 48 : i32
    %eq3A_1063 = arith.constant 4 : i32
    %eq3A_1064 = vector.broadcast %eq3A_1063 : i32 to vector<16xi32>
    %eq3A_1065 = arith.cmpi eq, %iota3A, %eq3A_1064 : vector<16xi32>
    %reduce_sum3A_1066 = arith.constant true
    %reduce_sum3A_1067 = vector.broadcast %reduce_sum3A_1066 : i1 to vector<16xi1>
    %reduce_sum3A_1068 = tpu.scan <sum>, %scan3A_1061 masked %reduce_sum3A_1067 : vector<16xf32>, vector<16xi1> -> vector<16xf32>
    %reduce_sum3A_1069 = vector.extract %reduce_sum3A_1068[15] : f32 from vector<16xf32>
    %jit3A_1070 = arith.constant 0.000000e+00 : f32
    %broadcast_in_dim3A_1071 = vector.broadcast %reduce_sum3A_1069 : f32 to vector<16xf32>
    %broadcast_in_dim3A_1072 = vector.broadcast %jit3A_1070 : f32 to vector<16xf32>
    %select_n3A_1073 = arith.select %eq3A_1065, %broadcast_in_dim3A_1071, %broadcast_in_dim3A_1072 : vector<16xi1>, vector<16xf32>
    %add3A_1074 = arith.addf %add3A_1054, %select_n3A_1073 : vector<16xf32>
    %broadcast_in_dim3A_1075 = arith.constant 0.000000e+00 : f32
    %broadcast_in_dim3A_1076 = vector.broadcast %broadcast_in_dim3A_1075 : f32 to vector<16xf32>
    %scan3A_1077 = arith.constant 0 : i32
    %scan3A_1078 = arith.constant 48 : i32
    %scan3A_1079 = arith.addi %scan3A_1077, %scan3A_1078 : i32
    %scan3A_1080 = arith.constant 1 : i32
    %scan3A_1081 = scf.for %scan3A_1308 = %scan3A_1077 to %scan3A_1079 step %scan3A_1080 iter_args(%scan3A_1309 = %broadcast_in_dim3A_1076) -> (vector<16xf32>)  : i32 {
      %mul3A_1310 = arith.constant 16 : i32
      %mul3A_1311 = arith.muli %scan3A_1308, %mul3A_1310 : i32
      %get3A_1312 = arith.index_cast %mul3A_1311 : i32 to index
      %get3A_1313 = tpu.vector_load %arg19[%get3A_1312] {strides = array<i32>} : memref<768xf32, #tpu.memory_space<vmem>>, vector<16xf32>,
      %mul3A_1314 = arith.constant 16 : i32
      %mul3A_1315 = arith.muli %scan3A_1308, %mul3A_1314 : i32
      %get3A_1316 = arith.constant 5 : i32
      %get3A_1317 = arith.index_cast %get3A_1316 : i32 to index
      %get3A_1318 = arith.index_cast %mul3A_1315 : i32 to index
      %get3A_1319 = tpu.vector_load %arg18[%get3A_1317, %get3A_1318] {strides = array<i32>} : memref<16x768xf32, #tpu.memory_space<vmem>>, vector<16xf32>,
      %mul3A_1320 = arith.mulf %get3A_1313, %get3A_1319 : vector<16xf32>
      %add3A_1321 = arith.addf %scan3A_1309, %mul3A_1320 : vector<16xf32>
      scf.yield %add3A_1321 : vector<16xf32>
    }
    %scan3A_1082 = arith.constant 48 : i32
    %eq3A_1083 = arith.constant 5 : i32
    %eq3A_1084 = vector.broadcast %eq3A_1083 : i32 to vector<16xi32>
    %eq3A_1085 = arith.cmpi eq, %iota3A, %eq3A_1084 : vector<16xi32>
    %reduce_sum3A_1086 = arith.constant true
    %reduce_sum3A_1087 = vector.broadcast %reduce_sum3A_1086 : i1 to vector<16xi1>
    %reduce_sum3A_1088 = tpu.scan <sum>, %scan3A_1081 masked %reduce_sum3A_1087 : vector<16xf32>, vector<16xi1> -> vector<16xf32>
    %reduce_sum3A_1089 = vector.extract %reduce_sum3A_1088[15] : f32 from vector<16xf32>
    %jit3A_1090 = arith.constant 0.000000e+00 : f32
    %broadcast_in_dim3A_1091 = vector.broadcast %reduce_sum3A_1089 : f32 to vector<16xf32>
    %broadcast_in_dim3A_1092 = vector.broadcast %jit3A_1090 : f32 to vector<16xf32>
    %select_n3A_1093 = arith.select %eq3A_1085, %broadcast_in_dim3A_1091, %broadcast_in_dim3A_1092 : vector<16xi1>, vector<16xf32>
    %add3A_1094 = arith.addf %add3A_1074, %select_n3A_1093 : vector<16xf32>
    %broadcast_in_dim3A_1095 = arith.constant 0.000000e+00 : f32
    %broadcast_in_dim3A_1096 = vector.broadcast %broadcast_in_dim3A_1095 : f32 to vector<16xf32>
    %scan3A_1097 = arith.constant 0 : i32
    %scan3A_1098 = arith.constant 48 : i32
    %scan3A_1099 = arith.addi %scan3A_1097, %scan3A_1098 : i32
    %scan3A_1100 = arith.constant 1 : i32
    %scan3A_1101 = scf.for %scan3A_1308 = %scan3A_1097 to %scan3A_1099 step %scan3A_1100 iter_args(%scan3A_1309 = %broadcast_in_dim3A_1096) -> (vector<16xf32>)  : i32 {
      %mul3A_1310 = arith.constant 16 : i32
      %mul3A_1311 = arith.muli %scan3A_1308, %mul3A_1310 : i32
      %get3A_1312 = arith.index_cast %mul3A_1311 : i32 to index
      %get3A_1313 = tpu.vector_load %arg19[%get3A_1312] {strides = array<i32>} : memref<768xf32, #tpu.memory_space<vmem>>, vector<16xf32>,
      %mul3A_1314 = arith.constant 16 : i32
      %mul3A_1315 = arith.muli %scan3A_1308, %mul3A_1314 : i32
      %get3A_1316 = arith.constant 6 : i32
      %get3A_1317 = arith.index_cast %get3A_1316 : i32 to index
      %get3A_1318 = arith.index_cast %mul3A_1315 : i32 to index
      %get3A_1319 = tpu.vector_load %arg18[%get3A_1317, %get3A_1318] {strides = array<i32>} : memref<16x768xf32, #tpu.memory_space<vmem>>, vector<16xf32>,
      %mul3A_1320 = arith.mulf %get3A_1313, %get3A_1319 : vector<16xf32>
      %add3A_1321 = arith.addf %scan3A_1309, %mul3A_1320 : vector<16xf32>
      scf.yield %add3A_1321 : vector<16xf32>
    }
    %scan3A_1102 = arith.constant 48 : i32
    %eq3A_1103 = arith.constant 6 : i32
    %eq3A_1104 = vector.broadcast %eq3A_1103 : i32 to vector<16xi32>
    %eq3A_1105 = arith.cmpi eq, %iota3A, %eq3A_1104 : vector<16xi32>
    %reduce_sum3A_1106 = arith.constant true
    %reduce_sum3A_1107 = vector.broadcast %reduce_sum3A_1106 : i1 to vector<16xi1>
    %reduce_sum3A_1108 = tpu.scan <sum>, %scan3A_1101 masked %reduce_sum3A_1107 : vector<16xf32>, vector<16xi1> -> vector<16xf32>
    %reduce_sum3A_1109 = vector.extract %reduce_sum3A_1108[15] : f32 from vector<16xf32>
    %jit3A_1110 = arith.constant 0.000000e+00 : f32
    %broadcast_in_dim3A_1111 = vector.broadcast %reduce_sum3A_1109 : f32 to vector<16xf32>
    %broadcast_in_dim3A_1112 = vector.broadcast %jit3A_1110 : f32 to vector<16xf32>
    %select_n3A_1113 = arith.select %eq3A_1105, %broadcast_in_dim3A_1111, %broadcast_in_dim3A_1112 : vector<16xi1>, vector<16xf32>
    %add3A_1114 = arith.addf %add3A_1094, %select_n3A_1113 : vector<16xf32>
    %broadcast_in_dim3A_1115 = arith.constant 0.000000e+00 : f32
    %broadcast_in_dim3A_1116 = vector.broadcast %broadcast_in_dim3A_1115 : f32 to vector<16xf32>
    %scan3A_1117 = arith.constant 0 : i32
    %scan3A_1118 = arith.constant 48 : i32
    %scan3A_1119 = arith.addi %scan3A_1117, %scan3A_1118 : i32
    %scan3A_1120 = arith.constant 1 : i32
    %scan3A_1121 = scf.for %scan3A_1308 = %scan3A_1117 to %scan3A_1119 step %scan3A_1120 iter_args(%scan3A_1309 = %broadcast_in_dim3A_1116) -> (vector<16xf32>)  : i32 {
      %mul3A_1310 = arith.constant 16 : i32
      %mul3A_1311 = arith.muli %scan3A_1308, %mul3A_1310 : i32
      %get3A_1312 = arith.index_cast %mul3A_1311 : i32 to index
      %get3A_1313 = tpu.vector_load %arg19[%get3A_1312] {strides = array<i32>} : memref<768xf32, #tpu.memory_space<vmem>>, vector<16xf32>,
      %mul3A_1314 = arith.constant 16 : i32
      %mul3A_1315 = arith.muli %scan3A_1308, %mul3A_1314 : i32
      %get3A_1316 = arith.constant 7 : i32
      %get3A_1317 = arith.index_cast %get3A_1316 : i32 to index
      %get3A_1318 = arith.index_cast %mul3A_1315 : i32 to index
      %get3A_1319 = tpu.vector_load %arg18[%get3A_1317, %get3A_1318] {strides = array<i32>} : memref<16x768xf32, #tpu.memory_space<vmem>>, vector<16xf32>,
      %mul3A_1320 = arith.mulf %get3A_1313, %get3A_1319 : vector<16xf32>
      %add3A_1321 = arith.addf %scan3A_1309, %mul3A_1320 : vector<16xf32>
      scf.yield %add3A_1321 : vector<16xf32>
    }
    %scan3A_1122 = arith.constant 48 : i32
    %eq3A_1123 = arith.constant 7 : i32
    %eq3A_1124 = vector.broadcast %eq3A_1123 : i32 to vector<16xi32>
    %eq3A_1125 = arith.cmpi eq, %iota3A, %eq3A_1124 : vector<16xi32>
    %reduce_sum3A_1126 = arith.constant true
    %reduce_sum3A_1127 = vector.broadcast %reduce_sum3A_1126 : i1 to vector<16xi1>
    %reduce_sum3A_1128 = tpu.scan <sum>, %scan3A_1121 masked %reduce_sum3A_1127 : vector<16xf32>, vector<16xi1> -> vector<16xf32>
    %reduce_sum3A_1129 = vector.extract %reduce_sum3A_1128[15] : f32 from vector<16xf32>
    %jit3A_1130 = arith.constant 0.000000e+00 : f32
    %broadcast_in_dim3A_1131 = vector.broadcast %reduce_sum3A_1129 : f32 to vector<16xf32>
    %broadcast_in_dim3A_1132 = vector.broadcast %jit3A_1130 : f32 to vector<16xf32>
    %select_n3A_1133 = arith.select %eq3A_1125, %broadcast_in_dim3A_1131, %broadcast_in_dim3A_1132 : vector<16xi1>, vector<16xf32>
    %add3A_1134 = arith.addf %add3A_1114, %select_n3A_1133 : vector<16xf32>
    %broadcast_in_dim3A_1135 = arith.constant 0.000000e+00 : f32
    %broadcast_in_dim3A_1136 = vector.broadcast %broadcast_in_dim3A_1135 : f32 to vector<16xf32>
    %scan3A_1137 = arith.constant 0 : i32
    %scan3A_1138 = arith.constant 48 : i32
    %scan3A_1139 = arith.addi %scan3A_1137, %scan3A_1138 : i32
    %scan3A_1140 = arith.constant 1 : i32
    %scan3A_1141 = scf.for %scan3A_1308 = %scan3A_1137 to %scan3A_1139 step %scan3A_1140 iter_args(%scan3A_1309 = %broadcast_in_dim3A_1136) -> (vector<16xf32>)  : i32 {
      %mul3A_1310 = arith.constant 16 : i32
      %mul3A_1311 = arith.muli %scan3A_1308, %mul3A_1310 : i32
      %get3A_1312 = arith.index_cast %mul3A_1311 : i32 to index
      %get3A_1313 = tpu.vector_load %arg19[%get3A_1312] {strides = array<i32>} : memref<768xf32, #tpu.memory_space<vmem>>, vector<16xf32>,
      %mul3A_1314 = arith.constant 16 : i32
      %mul3A_1315 = arith.muli %scan3A_1308, %mul3A_1314 : i32
      %get3A_1316 = arith.constant 8 : i32
      %get3A_1317 = arith.index_cast %get3A_1316 : i32 to index
      %get3A_1318 = arith.index_cast %mul3A_1315 : i32 to index
      %get3A_1319 = tpu.vector_load %arg18[%get3A_1317, %get3A_1318] {strides = array<i32>} : memref<16x768xf32, #tpu.memory_space<vmem>>, vector<16xf32>,
      %mul3A_1320 = arith.mulf %get3A_1313, %get3A_1319 : vector<16xf32>
      %add3A_1321 = arith.addf %scan3A_1309, %mul3A_1320 : vector<16xf32>
      scf.yield %add3A_1321 : vector<16xf32>
    }
    %scan3A_1142 = arith.constant 48 : i32
    %eq3A_1143 = arith.constant 8 : i32
    %eq3A_1144 = vector.broadcast %eq3A_1143 : i32 to vector<16xi32>
    %eq3A_1145 = arith.cmpi eq, %iota3A, %eq3A_1144 : vector<16xi32>
    %reduce_sum3A_1146 = arith.constant true
    %reduce_sum3A_1147 = vector.broadcast %reduce_sum3A_1146 : i1 to vector<16xi1>
    %reduce_sum3A_1148 = tpu.scan <sum>, %scan3A_1141 masked %reduce_sum3A_1147 : vector<16xf32>, vector<16xi1> -> vector<16xf32>
    %reduce_sum3A_1149 = vector.extract %reduce_sum3A_1148[15] : f32 from vector<16xf32>
    %jit3A_1150 = arith.constant 0.000000e+00 : f32
    %broadcast_in_dim3A_1151 = vector.broadcast %reduce_sum3A_1149 : f32 to vector<16xf32>
    %broadcast_in_dim3A_1152 = vector.broadcast %jit3A_1150 : f32 to vector<16xf32>
    %select_n3A_1153 = arith.select %eq3A_1145, %broadcast_in_dim3A_1151, %broadcast_in_dim3A_1152 : vector<16xi1>, vector<16xf32>
    %add3A_1154 = arith.addf %add3A_1134, %select_n3A_1153 : vector<16xf32>
    %broadcast_in_dim3A_1155 = arith.constant 0.000000e+00 : f32
    %broadcast_in_dim3A_1156 = vector.broadcast %broadcast_in_dim3A_1155 : f32 to vector<16xf32>
    %scan3A_1157 = arith.constant 0 : i32
    %scan3A_1158 = arith.constant 48 : i32
    %scan3A_1159 = arith.addi %scan3A_1157, %scan3A_1158 : i32
    %scan3A_1160 = arith.constant 1 : i32
    %scan3A_1161 = scf.for %scan3A_1308 = %scan3A_1157 to %scan3A_1159 step %scan3A_1160 iter_args(%scan3A_1309 = %broadcast_in_dim3A_1156) -> (vector<16xf32>)  : i32 {
      %mul3A_1310 = arith.constant 16 : i32
      %mul3A_1311 = arith.muli %scan3A_1308, %mul3A_1310 : i32
      %get3A_1312 = arith.index_cast %mul3A_1311 : i32 to index
      %get3A_1313 = tpu.vector_load %arg19[%get3A_1312] {strides = array<i32>} : memref<768xf32, #tpu.memory_space<vmem>>, vector<16xf32>,
      %mul3A_1314 = arith.constant 16 : i32
      %mul3A_1315 = arith.muli %scan3A_1308, %mul3A_1314 : i32
      %get3A_1316 = arith.constant 9 : i32
      %get3A_1317 = arith.index_cast %get3A_1316 : i32 to index
      %get3A_1318 = arith.index_cast %mul3A_1315 : i32 to index
      %get3A_1319 = tpu.vector_load %arg18[%get3A_1317, %get3A_1318] {strides = array<i32>} : memref<16x768xf32, #tpu.memory_space<vmem>>, vector<16xf32>,
      %mul3A_1320 = arith.mulf %get3A_1313, %get3A_1319 : vector<16xf32>
      %add3A_1321 = arith.addf %scan3A_1309, %mul3A_1320 : vector<16xf32>
      scf.yield %add3A_1321 : vector<16xf32>
    }
    %scan3A_1162 = arith.constant 48 : i32
    %eq3A_1163 = arith.constant 9 : i32
    %eq3A_1164 = vector.broadcast %eq3A_1163 : i32 to vector<16xi32>
    %eq3A_1165 = arith.cmpi eq, %iota3A, %eq3A_1164 : vector<16xi32>
    %reduce_sum3A_1166 = arith.constant true
    %reduce_sum3A_1167 = vector.broadcast %reduce_sum3A_1166 : i1 to vector<16xi1>
    %reduce_sum3A_1168 = tpu.scan <sum>, %scan3A_1161 masked %reduce_sum3A_1167 : vector<16xf32>, vector<16xi1> -> vector<16xf32>
    %reduce_sum3A_1169 = vector.extract %reduce_sum3A_1168[15] : f32 from vector<16xf32>
    %jit3A_1170 = arith.constant 0.000000e+00 : f32
    %broadcast_in_dim3A_1171 = vector.broadcast %reduce_sum3A_1169 : f32 to vector<16xf32>
    %broadcast_in_dim3A_1172 = vector.broadcast %jit3A_1170 : f32 to vector<16xf32>
    %select_n3A_1173 = arith.select %eq3A_1165, %broadcast_in_dim3A_1171, %broadcast_in_dim3A_1172 : vector<16xi1>, vector<16xf32>
    %add3A_1174 = arith.addf %add3A_1154, %select_n3A_1173 : vector<16xf32>
    %broadcast_in_dim3A_1175 = arith.constant 0.000000e+00 : f32
    %broadcast_in_dim3A_1176 = vector.broadcast %broadcast_in_dim3A_1175 : f32 to vector<16xf32>
    %scan3A_1177 = arith.constant 0 : i32
    %scan3A_1178 = arith.constant 48 : i32
    %scan3A_1179 = arith.addi %scan3A_1177, %scan3A_1178 : i32
    %scan3A_1180 = arith.constant 1 : i32
    %scan3A_1181 = scf.for %scan3A_1308 = %scan3A_1177 to %scan3A_1179 step %scan3A_1180 iter_args(%scan3A_1309 = %broadcast_in_dim3A_1176) -> (vector<16xf32>)  : i32 {
      %mul3A_1310 = arith.constant 16 : i32
      %mul3A_1311 = arith.muli %scan3A_1308, %mul3A_1310 : i32
      %get3A_1312 = arith.index_cast %mul3A_1311 : i32 to index
      %get3A_1313 = tpu.vector_load %arg19[%get3A_1312] {strides = array<i32>} : memref<768xf32, #tpu.memory_space<vmem>>, vector<16xf32>,
      %mul3A_1314 = arith.constant 16 : i32
      %mul3A_1315 = arith.muli %scan3A_1308, %mul3A_1314 : i32
      %get3A_1316 = arith.constant 10 : i32
      %get3A_1317 = arith.index_cast %get3A_1316 : i32 to index
      %get3A_1318 = arith.index_cast %mul3A_1315 : i32 to index
      %get3A_1319 = tpu.vector_load %arg18[%get3A_1317, %get3A_1318] {strides = array<i32>} : memref<16x768xf32, #tpu.memory_space<vmem>>, vector<16xf32>,
      %mul3A_1320 = arith.mulf %get3A_1313, %get3A_1319 : vector<16xf32>
      %add3A_1321 = arith.addf %scan3A_1309, %mul3A_1320 : vector<16xf32>
      scf.yield %add3A_1321 : vector<16xf32>
    }
    %scan3A_1182 = arith.constant 48 : i32
    %eq3A_1183 = arith.constant 10 : i32
    %eq3A_1184 = vector.broadcast %eq3A_1183 : i32 to vector<16xi32>
    %eq3A_1185 = arith.cmpi eq, %iota3A, %eq3A_1184 : vector<16xi32>
    %reduce_sum3A_1186 = arith.constant true
    %reduce_sum3A_1187 = vector.broadcast %reduce_sum3A_1186 : i1 to vector<16xi1>
    %reduce_sum3A_1188 = tpu.scan <sum>, %scan3A_1181 masked %reduce_sum3A_1187 : vector<16xf32>, vector<16xi1> -> vector<16xf32>
    %reduce_sum3A_1189 = vector.extract %reduce_sum3A_1188[15] : f32 from vector<16xf32>
    %jit3A_1190 = arith.constant 0.000000e+00 : f32
    %broadcast_in_dim3A_1191 = vector.broadcast %reduce_sum3A_1189 : f32 to vector<16xf32>
    %broadcast_in_dim3A_1192 = vector.broadcast %jit3A_1190 : f32 to vector<16xf32>
    %select_n3A_1193 = arith.select %eq3A_1185, %broadcast_in_dim3A_1191, %broadcast_in_dim3A_1192 : vector<16xi1>, vector<16xf32>
    %add3A_1194 = arith.addf %add3A_1174, %select_n3A_1193 : vector<16xf32>
    %broadcast_in_dim3A_1195 = arith.constant 0.000000e+00 : f32
    %broadcast_in_dim3A_1196 = vector.broadcast %broadcast_in_dim3A_1195 : f32 to vector<16xf32>
    %scan3A_1197 = arith.constant 0 : i32
    %scan3A_1198 = arith.constant 48 : i32
    %scan3A_1199 = arith.addi %scan3A_1197, %scan3A_1198 : i32
    %scan3A_1200 = arith.constant 1 : i32
    %scan3A_1201 = scf.for %scan3A_1308 = %scan3A_1197 to %scan3A_1199 step %scan3A_1200 iter_args(%scan3A_1309 = %broadcast_in_dim3A_1196) -> (vector<16xf32>)  : i32 {
      %mul3A_1310 = arith.constant 16 : i32
      %mul3A_1311 = arith.muli %scan3A_1308, %mul3A_1310 : i32
      %get3A_1312 = arith.index_cast %mul3A_1311 : i32 to index
      %get3A_1313 = tpu.vector_load %arg19[%get3A_1312] {strides = array<i32>} : memref<768xf32, #tpu.memory_space<vmem>>, vector<16xf32>,
      %mul3A_1314 = arith.constant 16 : i32
      %mul3A_1315 = arith.muli %scan3A_1308, %mul3A_1314 : i32
      %get3A_1316 = arith.constant 11 : i32
      %get3A_1317 = arith.index_cast %get3A_1316 : i32 to index
      %get3A_1318 = arith.index_cast %mul3A_1315 : i32 to index
      %get3A_1319 = tpu.vector_load %arg18[%get3A_1317, %get3A_1318] {strides = array<i32>} : memref<16x768xf32, #tpu.memory_space<vmem>>, vector<16xf32>,
      %mul3A_1320 = arith.mulf %get3A_1313, %get3A_1319 : vector<16xf32>
      %add3A_1321 = arith.addf %scan3A_1309, %mul3A_1320 : vector<16xf32>
      scf.yield %add3A_1321 : vector<16xf32>
    }
    %scan3A_1202 = arith.constant 48 : i32
    %eq3A_1203 = arith.constant 11 : i32
    %eq3A_1204 = vector.broadcast %eq3A_1203 : i32 to vector<16xi32>
    %eq3A_1205 = arith.cmpi eq, %iota3A, %eq3A_1204 : vector<16xi32>
    %reduce_sum3A_1206 = arith.constant true
    %reduce_sum3A_1207 = vector.broadcast %reduce_sum3A_1206 : i1 to vector<16xi1>
    %reduce_sum3A_1208 = tpu.scan <sum>, %scan3A_1201 masked %reduce_sum3A_1207 : vector<16xf32>, vector<16xi1> -> vector<16xf32>
    %reduce_sum3A_1209 = vector.extract %reduce_sum3A_1208[15] : f32 from vector<16xf32>
    %jit3A_1210 = arith.constant 0.000000e+00 : f32
    %broadcast_in_dim3A_1211 = vector.broadcast %reduce_sum3A_1209 : f32 to vector<16xf32>
    %broadcast_in_dim3A_1212 = vector.broadcast %jit3A_1210 : f32 to vector<16xf32>
    %select_n3A_1213 = arith.select %eq3A_1205, %broadcast_in_dim3A_1211, %broadcast_in_dim3A_1212 : vector<16xi1>, vector<16xf32>
    %add3A_1214 = arith.addf %add3A_1194, %select_n3A_1213 : vector<16xf32>
    %broadcast_in_dim3A_1215 = arith.constant 0.000000e+00 : f32
    %broadcast_in_dim3A_1216 = vector.broadcast %broadcast_in_dim3A_1215 : f32 to vector<16xf32>
    %scan3A_1217 = arith.constant 0 : i32
    %scan3A_1218 = arith.constant 48 : i32
    %scan3A_1219 = arith.addi %scan3A_1217, %scan3A_1218 : i32
    %scan3A_1220 = arith.constant 1 : i32
    %scan3A_1221 = scf.for %scan3A_1308 = %scan3A_1217 to %scan3A_1219 step %scan3A_1220 iter_args(%scan3A_1309 = %broadcast_in_dim3A_1216) -> (vector<16xf32>)  : i32 {
      %mul3A_1310 = arith.constant 16 : i32
      %mul3A_1311 = arith.muli %scan3A_1308, %mul3A_1310 : i32
      %get3A_1312 = arith.index_cast %mul3A_1311 : i32 to index
      %get3A_1313 = tpu.vector_load %arg19[%get3A_1312] {strides = array<i32>} : memref<768xf32, #tpu.memory_space<vmem>>, vector<16xf32>,
      %mul3A_1314 = arith.constant 16 : i32
      %mul3A_1315 = arith.muli %scan3A_1308, %mul3A_1314 : i32
      %get3A_1316 = arith.constant 12 : i32
      %get3A_1317 = arith.index_cast %get3A_1316 : i32 to index
      %get3A_1318 = arith.index_cast %mul3A_1315 : i32 to index
      %get3A_1319 = tpu.vector_load %arg18[%get3A_1317, %get3A_1318] {strides = array<i32>} : memref<16x768xf32, #tpu.memory_space<vmem>>, vector<16xf32>,
      %mul3A_1320 = arith.mulf %get3A_1313, %get3A_1319 : vector<16xf32>
      %add3A_1321 = arith.addf %scan3A_1309, %mul3A_1320 : vector<16xf32>
      scf.yield %add3A_1321 : vector<16xf32>
    }
    %scan3A_1222 = arith.constant 48 : i32
    %eq3A_1223 = arith.constant 12 : i32
    %eq3A_1224 = vector.broadcast %eq3A_1223 : i32 to vector<16xi32>
    %eq3A_1225 = arith.cmpi eq, %iota3A, %eq3A_1224 : vector<16xi32>
    %reduce_sum3A_1226 = arith.constant true
    %reduce_sum3A_1227 = vector.broadcast %reduce_sum3A_1226 : i1 to vector<16xi1>
    %reduce_sum3A_1228 = tpu.scan <sum>, %scan3A_1221 masked %reduce_sum3A_1227 : vector<16xf32>, vector<16xi1> -> vector<16xf32>
    %reduce_sum3A_1229 = vector.extract %reduce_sum3A_1228[15] : f32 from vector<16xf32>
    %jit3A_1230 = arith.constant 0.000000e+00 : f32
    %broadcast_in_dim3A_1231 = vector.broadcast %reduce_sum3A_1229 : f32 to vector<16xf32>
    %broadcast_in_dim3A_1232 = vector.broadcast %jit3A_1230 : f32 to vector<16xf32>
    %select_n3A_1233 = arith.select %eq3A_1225, %broadcast_in_dim3A_1231, %broadcast_in_dim3A_1232 : vector<16xi1>, vector<16xf32>
    %add3A_1234 = arith.addf %add3A_1214, %select_n3A_1233 : vector<16xf32>
    %broadcast_in_dim3A_1235 = arith.constant 0.000000e+00 : f32
    %broadcast_in_dim3A_1236 = vector.broadcast %broadcast_in_dim3A_1235 : f32 to vector<16xf32>
    %scan3A_1237 = arith.constant 0 : i32
    %scan3A_1238 = arith.constant 48 : i32
    %scan3A_1239 = arith.addi %scan3A_1237, %scan3A_1238 : i32
    %scan3A_1240 = arith.constant 1 : i32
    %scan3A_1241 = scf.for %scan3A_1308 = %scan3A_1237 to %scan3A_1239 step %scan3A_1240 iter_args(%scan3A_1309 = %broadcast_in_dim3A_1236) -> (vector<16xf32>)  : i32 {
      %mul3A_1310 = arith.constant 16 : i32
      %mul3A_1311 = arith.muli %scan3A_1308, %mul3A_1310 : i32
      %get3A_1312 = arith.index_cast %mul3A_1311 : i32 to index
      %get3A_1313 = tpu.vector_load %arg19[%get3A_1312] {strides = array<i32>} : memref<768xf32, #tpu.memory_space<vmem>>, vector<16xf32>,
      %mul3A_1314 = arith.constant 16 : i32
      %mul3A_1315 = arith.muli %scan3A_1308, %mul3A_1314 : i32
      %get3A_1316 = arith.constant 13 : i32
      %get3A_1317 = arith.index_cast %get3A_1316 : i32 to index
      %get3A_1318 = arith.index_cast %mul3A_1315 : i32 to index
      %get3A_1319 = tpu.vector_load %arg18[%get3A_1317, %get3A_1318] {strides = array<i32>} : memref<16x768xf32, #tpu.memory_space<vmem>>, vector<16xf32>,
      %mul3A_1320 = arith.mulf %get3A_1313, %get3A_1319 : vector<16xf32>
      %add3A_1321 = arith.addf %scan3A_1309, %mul3A_1320 : vector<16xf32>
      scf.yield %add3A_1321 : vector<16xf32>
    }
    %scan3A_1242 = arith.constant 48 : i32
    %eq3A_1243 = arith.constant 13 : i32
    %eq3A_1244 = vector.broadcast %eq3A_1243 : i32 to vector<16xi32>
    %eq3A_1245 = arith.cmpi eq, %iota3A, %eq3A_1244 : vector<16xi32>
    %reduce_sum3A_1246 = arith.constant true
    %reduce_sum3A_1247 = vector.broadcast %reduce_sum3A_1246 : i1 to vector<16xi1>
    %reduce_sum3A_1248 = tpu.scan <sum>, %scan3A_1241 masked %reduce_sum3A_1247 : vector<16xf32>, vector<16xi1> -> vector<16xf32>
    %reduce_sum3A_1249 = vector.extract %reduce_sum3A_1248[15] : f32 from vector<16xf32>
    %jit3A_1250 = arith.constant 0.000000e+00 : f32
    %broadcast_in_dim3A_1251 = vector.broadcast %reduce_sum3A_1249 : f32 to vector<16xf32>
    %broadcast_in_dim3A_1252 = vector.broadcast %jit3A_1250 : f32 to vector<16xf32>
    %select_n3A_1253 = arith.select %eq3A_1245, %broadcast_in_dim3A_1251, %broadcast_in_dim3A_1252 : vector<16xi1>, vector<16xf32>
    %add3A_1254 = arith.addf %add3A_1234, %select_n3A_1253 : vector<16xf32>
    %broadcast_in_dim3A_1255 = arith.constant 0.000000e+00 : f32
    %broadcast_in_dim3A_1256 = vector.broadcast %broadcast_in_dim3A_1255 : f32 to vector<16xf32>
    %scan3A_1257 = arith.constant 0 : i32
    %scan3A_1258 = arith.constant 48 : i32
    %scan3A_1259 = arith.addi %scan3A_1257, %scan3A_1258 : i32
    %scan3A_1260 = arith.constant 1 : i32
    %scan3A_1261 = scf.for %scan3A_1308 = %scan3A_1257 to %scan3A_1259 step %scan3A_1260 iter_args(%scan3A_1309 = %broadcast_in_dim3A_1256) -> (vector<16xf32>)  : i32 {
      %mul3A_1310 = arith.constant 16 : i32
      %mul3A_1311 = arith.muli %scan3A_1308, %mul3A_1310 : i32
      %get3A_1312 = arith.index_cast %mul3A_1311 : i32 to index
      %get3A_1313 = tpu.vector_load %arg19[%get3A_1312] {strides = array<i32>} : memref<768xf32, #tpu.memory_space<vmem>>, vector<16xf32>,
      %mul3A_1314 = arith.constant 16 : i32
      %mul3A_1315 = arith.muli %scan3A_1308, %mul3A_1314 : i32
      %get3A_1316 = arith.constant 14 : i32
      %get3A_1317 = arith.index_cast %get3A_1316 : i32 to index
      %get3A_1318 = arith.index_cast %mul3A_1315 : i32 to index
      %get3A_1319 = tpu.vector_load %arg18[%get3A_1317, %get3A_1318] {strides = array<i32>} : memref<16x768xf32, #tpu.memory_space<vmem>>, vector<16xf32>,
      %mul3A_1320 = arith.mulf %get3A_1313, %get3A_1319 : vector<16xf32>
      %add3A_1321 = arith.addf %scan3A_1309, %mul3A_1320 : vector<16xf32>
      scf.yield %add3A_1321 : vector<16xf32>
    }
    %scan3A_1262 = arith.constant 48 : i32
    %eq3A_1263 = arith.constant 14 : i32
    %eq3A_1264 = vector.broadcast %eq3A_1263 : i32 to vector<16xi32>
    %eq3A_1265 = arith.cmpi eq, %iota3A, %eq3A_1264 : vector<16xi32>
    %reduce_sum3A_1266 = arith.constant true
    %reduce_sum3A_1267 = vector.broadcast %reduce_sum3A_1266 : i1 to vector<16xi1>
    %reduce_sum3A_1268 = tpu.scan <sum>, %scan3A_1261 masked %reduce_sum3A_1267 : vector<16xf32>, vector<16xi1> -> vector<16xf32>
    %reduce_sum3A_1269 = vector.extract %reduce_sum3A_1268[15] : f32 from vector<16xf32>
    %jit3A_1270 = arith.constant 0.000000e+00 : f32
    %broadcast_in_dim3A_1271 = vector.broadcast %reduce_sum3A_1269 : f32 to vector<16xf32>
    %broadcast_in_dim3A_1272 = vector.broadcast %jit3A_1270 : f32 to vector<16xf32>
    %select_n3A_1273 = arith.select %eq3A_1265, %broadcast_in_dim3A_1271, %broadcast_in_dim3A_1272 : vector<16xi1>, vector<16xf32>
    %add3A_1274 = arith.addf %add3A_1254, %select_n3A_1273 : vector<16xf32>
    %broadcast_in_dim3A_1275 = arith.constant 0.000000e+00 : f32
    %broadcast_in_dim3A_1276 = vector.broadcast %broadcast_in_dim3A_1275 : f32 to vector<16xf32>
    %scan3A_1277 = arith.constant 0 : i32
    %scan3A_1278 = arith.constant 48 : i32
    %scan3A_1279 = arith.addi %scan3A_1277, %scan3A_1278 : i32
    %scan3A_1280 = arith.constant 1 : i32
    %scan3A_1281 = scf.for %scan3A_1308 = %scan3A_1277 to %scan3A_1279 step %scan3A_1280 iter_args(%scan3A_1309 = %broadcast_in_dim3A_1276) -> (vector<16xf32>)  : i32 {
      %mul3A_1310 = arith.constant 16 : i32
      %mul3A_1311 = arith.muli %scan3A_1308, %mul3A_1310 : i32
      %get3A_1312 = arith.index_cast %mul3A_1311 : i32 to index
      %get3A_1313 = tpu.vector_load %arg19[%get3A_1312] {strides = array<i32>} : memref<768xf32, #tpu.memory_space<vmem>>, vector<16xf32>,
      %mul3A_1314 = arith.constant 16 : i32
      %mul3A_1315 = arith.muli %scan3A_1308, %mul3A_1314 : i32
      %get3A_1316 = arith.constant 15 : i32
      %get3A_1317 = arith.index_cast %get3A_1316 : i32 to index
      %get3A_1318 = arith.index_cast %mul3A_1315 : i32 to index
      %get3A_1319 = tpu.vector_load %arg18[%get3A_1317, %get3A_1318] {strides = array<i32>} : memref<16x768xf32, #tpu.memory_space<vmem>>, vector<16xf32>,
      %mul3A_1320 = arith.mulf %get3A_1313, %get3A_1319 : vector<16xf32>
      %add3A_1321 = arith.addf %scan3A_1309, %mul3A_1320 : vector<16xf32>
      scf.yield %add3A_1321 : vector<16xf32>
    }
    %scan3A_1282 = arith.constant 48 : i32
    %eq3A_1283 = arith.constant 15 : i32
    %eq3A_1284 = vector.broadcast %eq3A_1283 : i32 to vector<16xi32>
    %eq3A_1285 = arith.cmpi eq, %iota3A, %eq3A_1284 : vector<16xi32>
    %reduce_sum3A_1286 = arith.constant true
    %reduce_sum3A_1287 = vector.broadcast %reduce_sum3A_1286 : i1 to vector<16xi1>
    %reduce_sum3A_1288 = tpu.scan <sum>, %scan3A_1281 masked %reduce_sum3A_1287 : vector<16xf32>, vector<16xi1> -> vector<16xf32>
    %reduce_sum3A_1289 = vector.extract %reduce_sum3A_1288[15] : f32 from vector<16xf32>
    %jit3A_1290 = arith.constant 0.000000e+00 : f32
    %broadcast_in_dim3A_1291 = vector.broadcast %reduce_sum3A_1289 : f32 to vector<16xf32>
    %broadcast_in_dim3A_1292 = vector.broadcast %jit3A_1290 : f32 to vector<16xf32>
    %select_n3A_1293 = arith.select %eq3A_1285, %broadcast_in_dim3A_1291, %broadcast_in_dim3A_1292 : vector<16xi1>, vector<16xf32>
    %add3A_1294 = arith.addf %add3A_1274, %select_n3A_1293 : vector<16xf32>
    %get3A_1295 = arith.constant 0 : index
    %get3A_1296 = tpu.vector_load %arg27[%get3A_1295] {strides = array<i32>} : memref<16xf32, #tpu.memory_space<vmem>>, vector<16xf32>,
    %add3A_1297 = arith.addf %add3A_1294, %get3A_1296 : vector<16xf32>
    %max3A = arith.constant 0.000000e+00 : f32
    %max3A_1298 = vector.broadcast %max3A : f32 to vector<16xf32>
    %max3A_1299 = arith.maximumf %add3A_1297, %max3A_1298 : vector<16xf32>
    %swap3A_1300 = arith.constant 0 : index
    %swap3A_1301 = tpu.vector_load %arg23[%swap3A_1300] {strides = array<i32>} : memref<16xf32, #tpu.memory_space<vmem>>, vector<16xf32>,
    tpu.vector_store %arg23[%swap3A_1300], %max3A_1299 {strides = array<i32>} : memref<16xf32, #tpu.memory_space<vmem>>, vector<16xf32>,
    "tpu.region"() ({
      %run_scoped3A = tpu.sem_alloc : memref<!tpu.dma_semaphore, #tpu.memory_space<semaphore_mem>>
      %dma_start3A_1308 = arith.constant 0 : i32
      %dma_start3A_1309 = tpu.memref_slice %arg14[%arg1, %dma_start3A_1308] : memref<16x16xf32, #tpu.memory_space<hbm>> -> memref<1x16xf32, #tpu.memory_space<hbm>>
      %dma_start3A_1310 = tpu.memref_squeeze %dma_start3A_1309 : memref<1x16xf32, #tpu.memory_space<hbm>> -> memref<16xf32, #tpu.memory_space<hbm>>
      %dma_start3A_1311 = arith.constant 0 : i32
      %dma_start3A_1312 = tpu.memref_slice %arg14[%arg1, %dma_start3A_1311] : memref<16x16xf32, #tpu.memory_space<hbm>> -> memref<1x16xf32, #tpu.memory_space<hbm>>
      %dma_start3A_1313 = tpu.memref_squeeze %dma_start3A_1312 : memref<1x16xf32, #tpu.memory_space<hbm>> -> memref<16xf32, #tpu.memory_space<hbm>>
      tpu.enqueue_dma source(%arg23 : memref<16xf32, #tpu.memory_space<vmem>>) target(%dma_start3A_1313 : memref<16xf32, #tpu.memory_space<hbm>>) target_semaphore(%run_scoped3A : memref<!tpu.dma_semaphore, #tpu.memory_space<semaphore_mem>>)
      %dma_wait3A_1314 = arith.constant 0 : i32
      %dma_wait3A_1315 = tpu.memref_slice %arg14[%arg1, %dma_wait3A_1314] : memref<16x16xf32, #tpu.memory_space<hbm>> -> memref<1x16xf32, #tpu.memory_space<hbm>>
      %dma_wait3A_1316 = tpu.memref_squeeze %dma_wait3A_1315 : memref<1x16xf32, #tpu.memory_space<hbm>> -> memref<16xf32, #tpu.memory_space<hbm>>
      %dma_wait3A_1317 = arith.constant 0 : i32
      %dma_wait3A_1318 = tpu.memref_slice %arg14[%arg1, %dma_wait3A_1317] : memref<16x16xf32, #tpu.memory_space<hbm>> -> memref<1x16xf32, #tpu.memory_space<hbm>>
      %dma_wait3A_1319 = tpu.memref_squeeze %dma_wait3A_1318 : memref<1x16xf32, #tpu.memory_space<hbm>> -> memref<16xf32, #tpu.memory_space<hbm>>
      tpu.wait_dma2 semaphore(%run_scoped3A : memref<!tpu.dma_semaphore, #tpu.memory_space<semaphore_mem>>) src(%arg23 : memref<16xf32, #tpu.memory_space<vmem>>) dst(%dma_wait3A_1319 : memref<16xf32, #tpu.memory_space<hbm>>)
      tpu.yield
    }) : () -> ()
    %barrier3A_1302 = arith.constant 0 : index
    tpu.barrier barrier_id(%barrier3A_1302)
    %eq3A_1303 = arith.constant 0 : i32
    %eq3A_1304 = arith.cmpi eq, %arg1, %eq3A_1303 : i32
    %convert_element_type3A_1305 = arith.extui %eq3A_1304 : i1 to i32
    %cond3A_1306 = arith.constant 0 : i32
    %cond3A_1307 = arith.cmpi ne, %convert_element_type3A_1305, %cond3A_1306 : i32
    scf.if %cond3A_1307 {
      "tpu.region"() ({
        %run_scoped3A = tpu.sem_alloc : memref<!tpu.dma_semaphore, #tpu.memory_space<semaphore_mem>>
        tpu.enqueue_dma source(%arg14 : memref<16x16xf32, #tpu.memory_space<hbm>>) target(%arg20 : memref<16x16xf32, #tpu.memory_space<vmem>>) target_semaphore(%run_scoped3A : memref<!tpu.dma_semaphore, #tpu.memory_space<semaphore_mem>>)
        tpu.wait_dma2 semaphore(%run_scoped3A : memref<!tpu.dma_semaphore, #tpu.memory_space<semaphore_mem>>) src(%arg14 : memref<16x16xf32, #tpu.memory_space<hbm>>) dst(%arg20 : memref<16x16xf32, #tpu.memory_space<vmem>>)
        tpu.yield
      }) : () -> ()
      "tpu.region"() ({
        %run_scoped3A = tpu.sem_alloc : memref<!tpu.dma_semaphore, #tpu.memory_space<semaphore_mem>>
        tpu.enqueue_dma source(%arg6 : memref<256xf32, #tpu.memory_space<hbm>>) target(%arg26 : memref<256xf32, #tpu.memory_space<vmem>>) target_semaphore(%run_scoped3A : memref<!tpu.dma_semaphore, #tpu.memory_space<semaphore_mem>>)
        tpu.wait_dma2 semaphore(%run_scoped3A : memref<!tpu.dma_semaphore, #tpu.memory_space<semaphore_mem>>) src(%arg6 : memref<256xf32, #tpu.memory_space<hbm>>) dst(%arg26 : memref<256xf32, #tpu.memory_space<vmem>>)
        tpu.yield
      }) : () -> ()
      "tpu.region"() ({
        %run_scoped3A = tpu.sem_alloc : memref<!tpu.dma_semaphore, #tpu.memory_space<semaphore_mem>>
        tpu.enqueue_dma source(%arg7 : memref<16xf32, #tpu.memory_space<hbm>>) target(%arg28 : memref<16xf32, #tpu.memory_space<vmem>>) target_semaphore(%run_scoped3A : memref<!tpu.dma_semaphore, #tpu.memory_space<semaphore_mem>>)
        tpu.wait_dma2 semaphore(%run_scoped3A : memref<!tpu.dma_semaphore, #tpu.memory_space<semaphore_mem>>) src(%arg7 : memref<16xf32, #tpu.memory_space<hbm>>) dst(%arg28 : memref<16xf32, #tpu.memory_space<vmem>>)
        tpu.yield
      }) : () -> ()
      %broadcast_in_dim3A_1308 = arith.constant 0.000000e+00 : f32
      %broadcast_in_dim3A_1309 = vector.broadcast %broadcast_in_dim3A_1308 : f32 to vector<16xf32>
      %get3A_1310 = arith.constant 0 : i32
      %get3A_1311 = arith.index_cast %get3A_1310 : i32 to index
      %get3A_1312 = arith.constant 0 : index
      %get3A_1313 = tpu.vector_load %arg20[%get3A_1311, %get3A_1312] {strides = array<i32>} : memref<16x16xf32, #tpu.memory_space<vmem>>, vector<16xf32>,
      %get3A_1314 = arith.constant 0 : index
      %get3A_1315 = tpu.vector_load %arg26[%get3A_1314] {strides = array<i32>} : memref<256xf32, #tpu.memory_space<vmem>>, vector<16xf32>,
      %mul3A_1316 = arith.mulf %get3A_1313, %get3A_1315 : vector<16xf32>
      %add3A_1317 = arith.addf %broadcast_in_dim3A_1309, %mul3A_1316 : vector<16xf32>
      %get3A_1318 = arith.constant 1 : i32
      %get3A_1319 = arith.index_cast %get3A_1318 : i32 to index
      %get3A_1320 = arith.constant 0 : index
      %get3A_1321 = tpu.vector_load %arg20[%get3A_1319, %get3A_1320] {strides = array<i32>} : memref<16x16xf32, #tpu.memory_space<vmem>>, vector<16xf32>,
      %get3A_1322 = arith.constant 16 : index
      %get3A_1323 = tpu.vector_load %arg26[%get3A_1322] {strides = array<i32>} : memref<256xf32, #tpu.memory_space<vmem>>, vector<16xf32>,
      %mul3A_1324 = arith.mulf %get3A_1321, %get3A_1323 : vector<16xf32>
      %add3A_1325 = arith.addf %add3A_1317, %mul3A_1324 : vector<16xf32>
      %get3A_1326 = arith.constant 2 : i32
      %get3A_1327 = arith.index_cast %get3A_1326 : i32 to index
      %get3A_1328 = arith.constant 0 : index
      %get3A_1329 = tpu.vector_load %arg20[%get3A_1327, %get3A_1328] {strides = array<i32>} : memref<16x16xf32, #tpu.memory_space<vmem>>, vector<16xf32>,
      %get3A_1330 = arith.constant 32 : index
      %get3A_1331 = tpu.vector_load %arg26[%get3A_1330] {strides = array<i32>} : memref<256xf32, #tpu.memory_space<vmem>>, vector<16xf32>,
      %mul3A_1332 = arith.mulf %get3A_1329, %get3A_1331 : vector<16xf32>
      %add3A_1333 = arith.addf %add3A_1325, %mul3A_1332 : vector<16xf32>
      %get3A_1334 = arith.constant 3 : i32
      %get3A_1335 = arith.index_cast %get3A_1334 : i32 to index
      %get3A_1336 = arith.constant 0 : index
      %get3A_1337 = tpu.vector_load %arg20[%get3A_1335, %get3A_1336] {strides = array<i32>} : memref<16x16xf32, #tpu.memory_space<vmem>>, vector<16xf32>,
      %get3A_1338 = arith.constant 48 : index
      %get3A_1339 = tpu.vector_load %arg26[%get3A_1338] {strides = array<i32>} : memref<256xf32, #tpu.memory_space<vmem>>, vector<16xf32>,
      %mul3A_1340 = arith.mulf %get3A_1337, %get3A_1339 : vector<16xf32>
      %add3A_1341 = arith.addf %add3A_1333, %mul3A_1340 : vector<16xf32>
      %get3A_1342 = arith.constant 4 : i32
      %get3A_1343 = arith.index_cast %get3A_1342 : i32 to index
      %get3A_1344 = arith.constant 0 : index
      %get3A_1345 = tpu.vector_load %arg20[%get3A_1343, %get3A_1344] {strides = array<i32>} : memref<16x16xf32, #tpu.memory_space<vmem>>, vector<16xf32>,
      %get3A_1346 = arith.constant 64 : index
      %get3A_1347 = tpu.vector_load %arg26[%get3A_1346] {strides = array<i32>} : memref<256xf32, #tpu.memory_space<vmem>>, vector<16xf32>,
      %mul3A_1348 = arith.mulf %get3A_1345, %get3A_1347 : vector<16xf32>
      %add3A_1349 = arith.addf %add3A_1341, %mul3A_1348 : vector<16xf32>
      %get3A_1350 = arith.constant 5 : i32
      %get3A_1351 = arith.index_cast %get3A_1350 : i32 to index
      %get3A_1352 = arith.constant 0 : index
      %get3A_1353 = tpu.vector_load %arg20[%get3A_1351, %get3A_1352] {strides = array<i32>} : memref<16x16xf32, #tpu.memory_space<vmem>>, vector<16xf32>,
      %get3A_1354 = arith.constant 80 : index
      %get3A_1355 = tpu.vector_load %arg26[%get3A_1354] {strides = array<i32>} : memref<256xf32, #tpu.memory_space<vmem>>, vector<16xf32>,
      %mul3A_1356 = arith.mulf %get3A_1353, %get3A_1355 : vector<16xf32>
      %add3A_1357 = arith.addf %add3A_1349, %mul3A_1356 : vector<16xf32>
      %get3A_1358 = arith.constant 6 : i32
      %get3A_1359 = arith.index_cast %get3A_1358 : i32 to index
      %get3A_1360 = arith.constant 0 : index
      %get3A_1361 = tpu.vector_load %arg20[%get3A_1359, %get3A_1360] {strides = array<i32>} : memref<16x16xf32, #tpu.memory_space<vmem>>, vector<16xf32>,
      %get3A_1362 = arith.constant 96 : index
      %get3A_1363 = tpu.vector_load %arg26[%get3A_1362] {strides = array<i32>} : memref<256xf32, #tpu.memory_space<vmem>>, vector<16xf32>,
      %mul3A_1364 = arith.mulf %get3A_1361, %get3A_1363 : vector<16xf32>
      %add3A_1365 = arith.addf %add3A_1357, %mul3A_1364 : vector<16xf32>
      %get3A_1366 = arith.constant 7 : i32
      %get3A_1367 = arith.index_cast %get3A_1366 : i32 to index
      %get3A_1368 = arith.constant 0 : index
      %get3A_1369 = tpu.vector_load %arg20[%get3A_1367, %get3A_1368] {strides = array<i32>} : memref<16x16xf32, #tpu.memory_space<vmem>>, vector<16xf32>,
      %get3A_1370 = arith.constant 112 : index
      %get3A_1371 = tpu.vector_load %arg26[%get3A_1370] {strides = array<i32>} : memref<256xf32, #tpu.memory_space<vmem>>, vector<16xf32>,
      %mul3A_1372 = arith.mulf %get3A_1369, %get3A_1371 : vector<16xf32>
      %add3A_1373 = arith.addf %add3A_1365, %mul3A_1372 : vector<16xf32>
      %get3A_1374 = arith.constant 8 : i32
      %get3A_1375 = arith.index_cast %get3A_1374 : i32 to index
      %get3A_1376 = arith.constant 0 : index
      %get3A_1377 = tpu.vector_load %arg20[%get3A_1375, %get3A_1376] {strides = array<i32>} : memref<16x16xf32, #tpu.memory_space<vmem>>, vector<16xf32>,
      %get3A_1378 = arith.constant 128 : index
      %get3A_1379 = tpu.vector_load %arg26[%get3A_1378] {strides = array<i32>} : memref<256xf32, #tpu.memory_space<vmem>>, vector<16xf32>,
      %mul3A_1380 = arith.mulf %get3A_1377, %get3A_1379 : vector<16xf32>
      %add3A_1381 = arith.addf %add3A_1373, %mul3A_1380 : vector<16xf32>
      %get3A_1382 = arith.constant 9 : i32
      %get3A_1383 = arith.index_cast %get3A_1382 : i32 to index
      %get3A_1384 = arith.constant 0 : index
      %get3A_1385 = tpu.vector_load %arg20[%get3A_1383, %get3A_1384] {strides = array<i32>} : memref<16x16xf32, #tpu.memory_space<vmem>>, vector<16xf32>,
      %get3A_1386 = arith.constant 144 : index
      %get3A_1387 = tpu.vector_load %arg26[%get3A_1386] {strides = array<i32>} : memref<256xf32, #tpu.memory_space<vmem>>, vector<16xf32>,
      %mul3A_1388 = arith.mulf %get3A_1385, %get3A_1387 : vector<16xf32>
      %add3A_1389 = arith.addf %add3A_1381, %mul3A_1388 : vector<16xf32>
      %get3A_1390 = arith.constant 10 : i32
      %get3A_1391 = arith.index_cast %get3A_1390 : i32 to index
      %get3A_1392 = arith.constant 0 : index
      %get3A_1393 = tpu.vector_load %arg20[%get3A_1391, %get3A_1392] {strides = array<i32>} : memref<16x16xf32, #tpu.memory_space<vmem>>, vector<16xf32>,
      %get3A_1394 = arith.constant 160 : index
      %get3A_1395 = tpu.vector_load %arg26[%get3A_1394] {strides = array<i32>} : memref<256xf32, #tpu.memory_space<vmem>>, vector<16xf32>,
      %mul3A_1396 = arith.mulf %get3A_1393, %get3A_1395 : vector<16xf32>
      %add3A_1397 = arith.addf %add3A_1389, %mul3A_1396 : vector<16xf32>
      %get3A_1398 = arith.constant 11 : i32
      %get3A_1399 = arith.index_cast %get3A_1398 : i32 to index
      %get3A_1400 = arith.constant 0 : index
      %get3A_1401 = tpu.vector_load %arg20[%get3A_1399, %get3A_1400] {strides = array<i32>} : memref<16x16xf32, #tpu.memory_space<vmem>>, vector<16xf32>,
      %get3A_1402 = arith.constant 176 : index
      %get3A_1403 = tpu.vector_load %arg26[%get3A_1402] {strides = array<i32>} : memref<256xf32, #tpu.memory_space<vmem>>, vector<16xf32>,
      %mul3A_1404 = arith.mulf %get3A_1401, %get3A_1403 : vector<16xf32>
      %add3A_1405 = arith.addf %add3A_1397, %mul3A_1404 : vector<16xf32>
      %get3A_1406 = arith.constant 12 : i32
      %get3A_1407 = arith.index_cast %get3A_1406 : i32 to index
      %get3A_1408 = arith.constant 0 : index
      %get3A_1409 = tpu.vector_load %arg20[%get3A_1407, %get3A_1408] {strides = array<i32>} : memref<16x16xf32, #tpu.memory_space<vmem>>, vector<16xf32>,
      %get3A_1410 = arith.constant 192 : index
      %get3A_1411 = tpu.vector_load %arg26[%get3A_1410] {strides = array<i32>} : memref<256xf32, #tpu.memory_space<vmem>>, vector<16xf32>,
      %mul3A_1412 = arith.mulf %get3A_1409, %get3A_1411 : vector<16xf32>
      %add3A_1413 = arith.addf %add3A_1405, %mul3A_1412 : vector<16xf32>
      %get3A_1414 = arith.constant 13 : i32
      %get3A_1415 = arith.index_cast %get3A_1414 : i32 to index
      %get3A_1416 = arith.constant 0 : index
      %get3A_1417 = tpu.vector_load %arg20[%get3A_1415, %get3A_1416] {strides = array<i32>} : memref<16x16xf32, #tpu.memory_space<vmem>>, vector<16xf32>,
      %get3A_1418 = arith.constant 208 : index
      %get3A_1419 = tpu.vector_load %arg26[%get3A_1418] {strides = array<i32>} : memref<256xf32, #tpu.memory_space<vmem>>, vector<16xf32>,
      %mul3A_1420 = arith.mulf %get3A_1417, %get3A_1419 : vector<16xf32>
      %add3A_1421 = arith.addf %add3A_1413, %mul3A_1420 : vector<16xf32>
      %get3A_1422 = arith.constant 14 : i32
      %get3A_1423 = arith.index_cast %get3A_1422 : i32 to index
      %get3A_1424 = arith.constant 0 : index
      %get3A_1425 = tpu.vector_load %arg20[%get3A_1423, %get3A_1424] {strides = array<i32>} : memref<16x16xf32, #tpu.memory_space<vmem>>, vector<16xf32>,
      %get3A_1426 = arith.constant 224 : index
      %get3A_1427 = tpu.vector_load %arg26[%get3A_1426] {strides = array<i32>} : memref<256xf32, #tpu.memory_space<vmem>>, vector<16xf32>,
      %mul3A_1428 = arith.mulf %get3A_1425, %get3A_1427 : vector<16xf32>
      %add3A_1429 = arith.addf %add3A_1421, %mul3A_1428 : vector<16xf32>
      %get3A_1430 = arith.constant 15 : i32
      %get3A_1431 = arith.index_cast %get3A_1430 : i32 to index
      %get3A_1432 = arith.constant 0 : index
      %get3A_1433 = tpu.vector_load %arg20[%get3A_1431, %get3A_1432] {strides = array<i32>} : memref<16x16xf32, #tpu.memory_space<vmem>>, vector<16xf32>,
      %get3A_1434 = arith.constant 240 : index
      %get3A_1435 = tpu.vector_load %arg26[%get3A_1434] {strides = array<i32>} : memref<256xf32, #tpu.memory_space<vmem>>, vector<16xf32>,
      %mul3A_1436 = arith.mulf %get3A_1433, %get3A_1435 : vector<16xf32>
      %add3A_1437 = arith.addf %add3A_1429, %mul3A_1436 : vector<16xf32>
      %reduce_sum3A_1438 = arith.constant true
      %reduce_sum3A_1439 = vector.broadcast %reduce_sum3A_1438 : i1 to vector<16xi1>
      %reduce_sum3A_1440 = tpu.scan <sum>, %add3A_1437 masked %reduce_sum3A_1439 : vector<16xf32>, vector<16xi1> -> vector<16xf32>
      %reduce_sum3A_1441 = vector.extract %reduce_sum3A_1440[15] : f32 from vector<16xf32>
      %broadcast_in_dim3A_1442 = vector.broadcast %reduce_sum3A_1441 : f32 to vector<16xf32>
      %get3A_1443 = arith.constant 0 : index
      %get3A_1444 = tpu.vector_load %arg28[%get3A_1443] {strides = array<i32>} : memref<16xf32, #tpu.memory_space<vmem>>, vector<16xf32>,
      %add3A_1445 = arith.addf %broadcast_in_dim3A_1442, %get3A_1444 : vector<16xf32>
      %swap3A_1446 = arith.constant 0 : index
      %swap3A_1447 = tpu.vector_load %arg23[%swap3A_1446] {strides = array<i32>} : memref<16xf32, #tpu.memory_space<vmem>>, vector<16xf32>,
      tpu.vector_store %arg23[%swap3A_1446], %add3A_1445 {strides = array<i32>} : memref<16xf32, #tpu.memory_space<vmem>>, vector<16xf32>,
      "tpu.region"() ({
        %run_scoped3A = tpu.sem_alloc : memref<!tpu.dma_semaphore, #tpu.memory_space<semaphore_mem>>
        tpu.enqueue_dma source(%arg23 : memref<16xf32, #tpu.memory_space<vmem>>) target(%arg11 : memref<16xf32, #tpu.memory_space<hbm>>) target_semaphore(%run_scoped3A : memref<!tpu.dma_semaphore, #tpu.memory_space<semaphore_mem>>)
        tpu.wait_dma2 semaphore(%run_scoped3A : memref<!tpu.dma_semaphore, #tpu.memory_space<semaphore_mem>>) src(%arg23 : memref<16xf32, #tpu.memory_space<vmem>>) dst(%arg11 : memref<16xf32, #tpu.memory_space<hbm>>)
        tpu.yield
      }) : () -> ()
    } else {
    }
    return
  }
}

module attributes {stable_mosaic.version = 14 : i64} {
  func.func @_scores_body(%arg0: i32, %arg1: memref<4096x768xf32, #tpu.memory_space<vmem>>, %arg2: memref<768x64xf32, #tpu.memory_space<vmem>>, %arg3: memref<1x64xf32, #tpu.memory_space<vmem>>, %arg4: memref<1x64xf32, #tpu.memory_space<vmem>>, %arg5: memref<1x1x4096xf32, #tpu.memory_space<vmem>>) attributes {dimension_semantics = [#tpu.dimension_semantics<arbitrary>], iteration_bounds = array<i64: 25>, scalar_prefetch = 0 : i64, scratch_operands = 0 : i64, tpu.core_type = #tpu.core_type<tc>, window_params = [{transform_indices = @transform_0, window_bounds = array<i64: 4096, 768>}, {pipeline_mode = #tpu.pipeline_mode<synchronous>, transform_indices = @transform_1, window_bounds = array<i64: 768, 64>}, {pipeline_mode = #tpu.pipeline_mode<synchronous>, transform_indices = @transform_2, window_bounds = array<i64: 1, 64>}, {pipeline_mode = #tpu.pipeline_mode<synchronous>, transform_indices = @transform_3, window_bounds = array<i64: 1, 64>}, {transform_indices = @transform_4, window_bounds = array<i64: 1, 1, 4096>}]} {
    %get3A = arith.constant 0 : index
    %get3A_0 = arith.constant 0 : index
    %get3A_1 = vector.load %arg1[%get3A, %get3A_0] : memref<4096x768xf32, #tpu.memory_space<vmem>>, vector<4096x768xf32>
    %convert_element_type3A = arith.truncf %get3A_1 : vector<4096x768xf32> to vector<4096x768xbf16>
    %get3A_2 = arith.constant 0 : index
    %get3A_3 = arith.constant 0 : index
    %get3A_4 = vector.load %arg2[%get3A_2, %get3A_3] : memref<768x64xf32, #tpu.memory_space<vmem>>, vector<768x64xf32>
    %convert_element_type3A_5 = arith.truncf %get3A_4 : vector<768x64xf32> to vector<768x64xbf16>
    %dot_general3A = arith.constant dense<0.000000e+00> : vector<4096x64xf32>
    %dot_general3A_6 = tpu.matmul %convert_element_type3A, %convert_element_type3A_5, %dot_general3A {dimension_numbers = #tpu.dot_dimension_numbers<[1], [0], [0], [1], [0, 0, 1, 1], [], []>, transpose_lhs_hint = false} : vector<4096x768xbf16>, vector<768x64xbf16>, vector<4096x64xf32> -> vector<4096x64xf32>
    %get3A_7 = arith.constant 0 : index
    %get3A_8 = arith.constant 0 : index
    %get3A_9 = vector.load %arg3[%get3A_7, %get3A_8] : memref<1x64xf32, #tpu.memory_space<vmem>>, vector<1x64xf32>
    %add3A = vector.broadcast %get3A_9 : vector<1x64xf32> to vector<4096x64xf32>
    %add3A_10 = arith.addf %dot_general3A_6, %add3A : vector<4096x64xf32>
    %tanh3A = math.tanh %add3A_10 : vector<4096x64xf32>
    %convert_element_type3A_11 = arith.truncf %tanh3A : vector<4096x64xf32> to vector<4096x64xbf16>
    %convert_element_type3A_12 = arith.extf %convert_element_type3A_11 : vector<4096x64xbf16> to vector<4096x64xf32>
    %get3A_13 = arith.constant 0 : index
    %get3A_14 = arith.constant 0 : index
    %get3A_15 = vector.load %arg4[%get3A_13, %get3A_14] : memref<1x64xf32, #tpu.memory_space<vmem>>, vector<1x64xf32>
    %convert_element_type3A_16 = arith.truncf %get3A_15 : vector<1x64xf32> to vector<1x64xbf16>
    %convert_element_type3A_17 = arith.extf %convert_element_type3A_16 : vector<1x64xbf16> to vector<1x64xf32>
    %mul3A = vector.broadcast %convert_element_type3A_17 : vector<1x64xf32> to vector<4096x64xf32>
    %mul3A_18 = arith.mulf %convert_element_type3A_12, %mul3A : vector<4096x64xf32>
    %reduce_sum3A = arith.constant dense<0.000000e+00> : vector<4096xf32>
    %reduce_sum3A_19 = vector.multi_reduction <add>, %mul3A_18, %reduce_sum3A [1] : vector<4096x64xf32> to vector<4096xf32>
    %mul3A_20 = arith.constant 4096 : i32
    %mul3A_21 = arith.muli %arg0, %mul3A_20 : i32
    %iota3A = tpu.iota {dimensions = array<i32: 1>} : vector<1x4096xi32>
    %iota3A_22 = vector.shape_cast %iota3A : vector<1x4096xi32> to vector<4096xi32>
    %add3A_23 = vector.broadcast %mul3A_21 : i32 to vector<4096xi32>
    %add3A_24 = arith.addi %add3A_23, %iota3A_22 : vector<4096xi32>
    %lt3A = arith.constant 100000 : i32
    %lt3A_25 = vector.broadcast %lt3A : i32 to vector<4096xi32>
    %lt3A_26 = arith.cmpi slt, %add3A_24, %lt3A_25 : vector<4096xi32>
    %jit3A = arith.constant 0xFF800000 : f32
    %broadcast_in_dim3A = vector.broadcast %jit3A : f32 to vector<4096xf32>
    %select_n3A = arith.select %lt3A_26, %reduce_sum3A_19, %broadcast_in_dim3A : vector<4096xi1>, vector<4096xf32>
    %swap3A = arith.constant 0 : index
    %swap3A_27 = arith.constant 0 : index
    %swap3A_28 = arith.constant 0 : index
    %swap3A_29 = vector.load %arg5[%swap3A, %swap3A_27, %swap3A_28] : memref<1x1x4096xf32, #tpu.memory_space<vmem>>, vector<1x1x4096xf32>
    %swap3A_30 = vector.shape_cast %swap3A_29 : vector<1x1x4096xf32> to vector<4096xf32>
    %swap3A_31 = vector.shape_cast %select_n3A : vector<4096xf32> to vector<1x1x4096xf32>
    tpu.vector_store %arg5[%swap3A, %swap3A_27, %swap3A_28], %swap3A_31 {strides = array<i32>} : memref<1x1x4096xf32, #tpu.memory_space<vmem>>, vector<1x1x4096xf32>,
    return
  }
  func.func @transform_0(%arg0: i32) -> (i32, i32) {
    %c0_i32 = arith.constant 0 : i32
    %c0_i32_0 = arith.constant 0 : i32
    return %arg0, %c0_i32 : i32, i32
  }
  func.func @transform_1(%arg0: i32) -> (i32, i32) {
    %c0_i32 = arith.constant 0 : i32
    %c0_i32_0 = arith.constant 0 : i32
    %c0_i32_1 = arith.constant 0 : i32
    return %c0_i32, %c0_i32_0 : i32, i32
  }
  func.func @transform_2(%arg0: i32) -> (i32, i32) {
    %c0_i32 = arith.constant 0 : i32
    %c0_i32_0 = arith.constant 0 : i32
    %c0_i32_1 = arith.constant 0 : i32
    return %c0_i32, %c0_i32_0 : i32, i32
  }
  func.func @transform_3(%arg0: i32) -> (i32, i32) {
    %c0_i32 = arith.constant 0 : i32
    %c0_i32_0 = arith.constant 0 : i32
    %c0_i32_1 = arith.constant 0 : i32
    return %c0_i32, %c0_i32_0 : i32, i32
  }
  func.func @transform_4(%arg0: i32) -> (i32, i32, i32) {
    %c0_i32 = arith.constant 0 : i32
    %c0_i32_0 = arith.constant 0 : i32
    %c0_i32_1 = arith.constant 0 : i32
    return %arg0, %c0_i32, %c0_i32_0 : i32, i32, i32
  }
}

</mosaic_0001>

<sc_bundles>
// kernel: kernel.4.cloned.1.call-start
scs
__scs_entry_jumppad:
0x0: {  	(pc) =	sbr.rel $0x88, $3  }
0x1: {  	(tag) =	ssettag $0x0;
	lr =	simm.s32 $0x1  }
0x2: {  	[smem:$0x3F99] =	sst lr;
	_ =	strace $0xD0000000  }
0x3: {  	_ = 	snop  }
0x4: {  	_ = 	snop  }
0x5: {  	_ = 	snop  }
0x6: {  	_ = 	snop  }
0x7: {  	_ = 	snop  }
__scs_overlays_trampoline_lowered:
0x8: {  	[smem:$0x3FA8] =	sst s0  }
0x9: {  	[smem:$0x3FA9] =	sst s1  }
0xa: {  	[smem:$0x3FAA] =	sst s2  }
0xb: {  	[smem:$0x3FAB] =	sst s3  }
0xc: {  	[smem:$0x3FAC] =	sst s4  }
0xd: {  	[smem:$0x3FAD] =	sst s5  }
0xe: {  	[smem:$0x3FAE] =	sst s6  }
0xf: {  	[smem:$0x3FAF] =	sst s7  }
0x10: {  	[smem:$0x3FB0] =	sst s8  }
0x11: {  	[smem:$0x3FB1] =	sst s9;
	s0 =	simm.s32 @!p0 $0x0  }
0x12: {  	s1 =	sld [smem:$0x3F97];
	s0 =	simm.s32 @p0 $0x1  }
0x13: {  	[smem:$0x3FB2] =	sst s0;
	s0 =	simm.s32 @!p1 $0x0  }
0x14: {  	s2 =	sld [smem:$0x3F96];
	s0 =	simm.s32 @p1 $0x1  }
0x15: {  	[smem:$0x3FB3] =	sst s0;
	s0 =	simm.s32 @!p2 $0x0  }
0x16: {  	s3 =	sld [smem:$0x3FDB];
	s0 =	simm.s32 @p2 $0x1  }
0x17: {  	s4 =	simm.s32 $0x1BF5;
	[smem:$0x3FB5] =	sst s0  }
0x18: {  	s0 =	sld [smem:$0x3F98];
	_ =	swait.ge [sflag:s4], $0x0  }
0x19: {  	s7 =	sld [smem:$0x3F99]  }
0x1a: {  	s8 =	sadd.s32 $0xFFFFE003, lr  }
0x1b: {  	s9 =	sadd.s32 $0xFFFFFEF7, lr;
	s5 =	simm.s32 $0xFFFFFFFF;
	p2 =	slt.u32 s8, $0xFFFFF086  }
0x1c: {  	p1 =	slt.u32 s9, $0xF7A;
	s5 =	simm.s32 @!p2 $0x0  }
0x1d: {  	s5 =	simm.s32 @p1 $0x1;
	p0 =	seq.s32 s7, s2  }
0x1e: {  	s7 =	smul.u32 @!p0 $0xF7A, s2;
	p2 =	seq.s32 @!p0 s5, $0x0  }
0x1f: {  	s9 =	smul.u32 $0xF7A, s1;
	s8 =	simm.s32 @!p0 $0x1BF5;
	p2 =	por !p2, p0  }
0x20: {  	[sflag:s8] =	ssyncset.s32 @!p0 $0xFFFFF086;
	s6 =	sadd.s32 @!p0 s3, s7;
	s7 =	simm.s32 @!p0 $0x108  }
0x21: {  	s3 =	sadd.s32 s3, s9;
	s6 =	sadd.s32 @!p0 $0x88, s6;
	s7 =	simm.s32 @p2 $0x1082  }
0x22: {  	[simem:s7], [sflag:s8] =	dma.local @!p0 [hbm:s6], $0xF7A  }
0x23: {  	s9 =	sor.u32 $0xD0000000, s2;
	s6 =	simm.s32 $0x108;
	_ =	swait.ge @!p0 [sflag:s8], $0x0  }
0x24: {  	s3 =	sadd.s32 $0x88, s3;
	s6 =	simm.s32 @!p1 $0x1082;
	[sflag:s4] =	ssyncset.s32 $0xFFFFF086  }
0x25: {  	[simem:s6], [sflag:s4] =	dma.local [hbm:s3], $0xF7A  }
0x26: {  	[smem:$0x3F99] =	sst s1;
	(tag) =	ssettag s2;
	_ =	strace s9  }
0x27: {  	s1 =	sld [smem:$0x3FA9]  }
0x28: {  	s2 =	sld [smem:$0x3FAA]  }
0x29: {  	s4 =	sld [smem:$0x3FAC]  }
0x2a: {  	p0 =	seq.s32 s5, $0x0;
	s5 =	sld [smem:$0x3FAD]  }
0x2b: {  	s6 =	sld [smem:$0x3FAE]  }
0x2c: {  	s7 =	sld [smem:$0x3FAF]  }
0x2d: {  	s3 =	simm.s32 $0x108;
	s8 =	sld [smem:$0x3FB0]  }
0x2e: {  	s3 =	simm.s32 @!p0 $0x1082;
	s9 =	sld [smem:$0x3FB1]  }
0x2f: {  	lr =	sadd.s32 s0, s3;
	s0 =	sld [smem:$0x3FA8]  }
0x30: {  	s3 =	sld [smem:$0x3FAB]  }
0x31: {  	[smem:$0x3FB4] =	sst s10  }
0x32: {  	s10 =	sld [smem:$0x3FB2];
	_ =	sdelay $0x3  }
0x33: {  	p0 =	seq.s32 s10, $0x1;
	s10 =	sld [smem:$0x3FB4];
	_ =	sdelay $0x3  }
0x34: {  	[smem:$0x3FB4] =	sst s10  }
0x35: {  	s10 =	sld [smem:$0x3FB3];
	_ =	sdelay $0x3  }
0x36: {  	p1 =	seq.s32 s10, $0x1;
	s10 =	sld [smem:$0x3FB4];
	_ =	sdelay $0x3  }
0x37: {  	[smem:$0x3FB4] =	sst s10  }
0x38: {  	s10 =	sld [smem:$0x3FB5]  }
0x39: {  	_ = 	snop;
	(pc) =	sbr.ind lr, $3  }
0x3a: {  	_ = 	snop  }
0x3b: {  	_ = 	snop  }
0x3c: {  	p2 =	seq.s32 s10, $0x1;
	s10 =	sld [smem:$0x3FB4]  }
0x3d: {  	_ =	shalt  }
0x3e: {  	_ =	shalt  }
0x3f: {  	_ =	shalt  }
0x40: {  	_ =	shalt  }
0x41: {  	_ =	shalt  }
0x42: {  	_ =	shalt  }
0x43: {  	_ =	shalt  }
0x44: {  	_ =	shalt  }
0x45: {  	_ =	shalt  }
0x46: {  	_ =	shalt  }
0x47: {  	_ =	shalt  }
0x48: {  	_ =	shalt  }
0x49: {  	_ =	shalt  }
0x4a: {  	_ =	shalt  }
0x4b: {  	_ =	shalt  }
0x4c: {  	_ =	shalt  }
0x4d: {  	_ =	shalt  }
0x4e: {  	_ =	shalt  }
0x4f: {  	_ =	shalt  }
0x50: {  	_ =	shalt  }
0x51: {  	_ =	shalt  }
0x52: {  	_ =	shalt  }
0x53: {  	_ =	shalt  }
0x54: {  	_ =	shalt  }
0x55: {  	_ =	shalt  }
0x56: {  	_ =	shalt  }
0x57: {  	_ =	shalt  }
0x58: {  	_ =	shalt  }
0x59: {  	_ =	shalt  }
0x5a: {  	_ =	shalt  }
0x5b: {  	_ =	shalt  }
0x5c: {  	_ =	shalt  }
0x5d: {  	_ =	shalt  }
0x5e: {  	_ =	shalt  }
0x5f: {  	_ =	shalt  }
0x60: {  	_ =	shalt  }
0x61: {  	_ =	shalt  }
0x62: {  	_ =	shalt  }
0x63: {  	_ =	shalt  }
0x64: {  	_ =	shalt  }
0x65: {  	_ =	shalt  }
0x66: {  	_ =	shalt  }
0x67: {  	_ =	shalt  }
0x68: {  	_ =	shalt  }
0x69: {  	_ =	shalt  }
0x6a: {  	_ =	shalt  }
0x6b: {  	_ =	shalt  }
0x6c: {  	_ =	shalt  }
0x6d: {  	_ =	shalt  }
0x6e: {  	_ =	shalt  }
0x6f: {  	_ =	shalt  }
0x70: {  	_ =	shalt  }
0x71: {  	_ =	shalt  }
0x72: {  	_ =	shalt  }
0x73: {  	_ =	shalt  }
0x74: {  	_ =	shalt  }
0x75: {  	_ =	shalt  }
0x76: {  	_ =	shalt  }
0x77: {  	_ =	shalt  }
0x78: {  	_ =	shalt  }
0x79: {  	_ =	shalt  }
0x7a: {  	_ =	shalt  }
0x7b: {  	_ =	shalt  }
0x7c: {  	_ =	shalt  }
0x7d: {  	_ =	shalt  }
0x7e: {  	_ =	shalt  }
0x7f: {  	_ =	shalt  }
0x80: {  	_ =	shalt  }
0x81: {  	_ =	shalt  }
0x82: {  	_ =	shalt  }
0x83: {  	_ =	shalt  }
0x84: {  	_ =	shalt  }
0x85: {  	_ =	shalt  }
0x86: {  	_ =	shalt  }
0x87: {  	_ =	shalt  }
.Lfunc_end0:
.L_simem_size_0:
called_computation_lowered:
.L_overlay_start_0:
0x88: {  	s2 =	sld [smem:$0x3FD9]  }
0x89: {  	s3 =	sld [smem:$0x3FFE];
	_ =	sdelay $0x1  }
0x8a: {  	s1 =	srdreg.scid  }
0x8b: {  	s0 =	sand.u32 $0x1, s1  }
0x8c: {  	s14 =	sshll.u32 s0, $0xA;
	s2 =	sadd.s32 s3, s2  }
0x8d: {  	s2 =	sadd.s32 s2, s14  }
0x8e: {  	[smem:$0x3FC0] =	sst s2  }
0x8f: {  	_ = 	snop  }
0x90: {  	s2 =	sld [smem:$0x3FD0]  }
0x91: {  	s15 =	sld [smem:$0x3FC9]  }
0x92: {  	s4 =	sld [smem:$0x3FC4]  }
0x93: {  	s6 =	simm.s32 $0xA;
	s7 =	simm.s32 $0x10;
	s5 =	sld [smem:$0x3FC3]  }
0x94: {  	[smem:s7], [sflag:s6] =	dma.local [hbm:s2], $0x1  }
0x95: {  	_ =	swait.eq [sflag:s6], $0x1  }
0x96: {  	s16 =	sld [smem:$0x10]  }
0x97: {  	s17 =	sld [smem:$0x11];
	[sflag:s6] =	ssyncset.done $0x0  }
0x98: {  	s8 =	sld [smem:$0x12];
	[sflag:s6] =	ssyncadd.s32 $0xFFFFFFFF  }
0x99: {  	s18 =	sld [smem:$0x13];
	(tm) =	ssettm $0x1  }
0x9a: {  	s9 =	sld [smem:$0x3FFB];
	_ =	sdelay $0x3  }
0x9b: {  	_ =	strace s9  }
0x9c: {  	s9 =	sld [smem:$0x3FFC];
	_ =	sdelay $0x3  }
0x9d: {  	_ =	strace s9  }
0x9e: {  	s9 =	sld [smem:$0x3FFD];
	_ =	sdelay $0x3  }
0x9f: {  	_ =	strace s9  }
0xa0: {  	_ =	strace $0x8FFFFFFF  }
0xa1: {  	s19 =	sld [smem:$0x3FDB];
	_ =	sdelay $0x1  }
0xa2: {  	s10 =	simm.s32 $_scs_section_size  }
0xa3: {  	s11 =	simm.s32 $_size__tile_overlayer_lowered;
	s12 =	simm.s32 $_tile_overlayer_lowered  }
0xa4: {  	s22 =	simm.s32 $0x1BFF;
	s21 =	sshll.u32 s12, $0x1;
	s9 =	sadd.s32 s10, s19  }
0xa5: {  	s13 =	simm.s32 $0x0;
	s20 =	sshll.u32 s11, $0x1;
	s11 =	sadd.s32 s21, s9  }
0xa6: {  	[timem:s13], [sflag:s22] =	dma.local [hbm:s11], s20  }
0xa7: {  	_ =	swait.ge [sflag:s22], s20  }
0xa8: {  	s10 =	ssub.s32 $0x0, s20;
	[sflag:s22] =	ssyncset.done $0x0  }
0xa9: {  	[sflag:s22] =	ssyncadd.s32 s10;
	_ =	sdelay $0x1  }
0xaa: {  	s23 =	simm.s32 $0x1B8B  }
0xab: {  	_ =	swait.ge [sflag:s23], $0x1  }
0xac: {  	[sflag:s23] =	ssyncset.done $0x0  }
0xad: {  	s25 =	simm.s32 $0x1B8E;
	s24 =	sld [smem:$0x3FFE];
	[sflag:s23] =	ssyncadd.s32 $0xFFFFFFFF  }
0xae: {  	s26 =	simm.s32 $execute0_lowered;
	[smem:$0x3FD2] =	sst s25  }
0xaf: {  	s11 =	sshll.u32 s26, $0x1;
	_ =	strace $0x80000046;
	[dreg:$0x1] =	wrdreg $0xFFFFFFFF  }
0xb0: {  	s28 =	simm.s32 $_size_execute0_lowered;
	s9 =	sadd.s32 s9, s11;
	[dreg:$0x0] =	wrdreg $0x0  }
0xb1: {  	s11 =	sshll.u32 s28, $0x1;
	[dreg:$0x2] =	wrdreg s9  }
0xb2: {  	[dreg:$0x3] =	wrdreg s11  }
0xb3: {  	[dreg:$0x4] =	wrdreg $0xC0  }
0xb4: {  	_ =	task [dreg:s13], $0x5FFFF  }
0xb5: {  	[dreg:$0x1] =	wrdreg $0xFFFFFFFF  }
0xb6: {  	[dreg:$0x0] =	wrdreg $0x60  }
0xb7: {  	[dreg:$0x2] =	wrdreg s24  }
0xb8: {  	[dreg:$0x3] =	wrdreg s15  }
0xb9: {  	[dreg:$0x4] =	wrdreg s4  }
0xba: {  	[dreg:$0x5] =	wrdreg s5  }
0xbb: {  	[dreg:$0x6] =	wrdreg s18  }
0xbc: {  	[dreg:$0x7] =	wrdreg s17  }
0xbd: {  	[dreg:$0x8] =	wrdreg s16  }
0xbe: {  	[dreg:$0x9] =	wrdreg s8  }
0xbf: {  	[dreg:$0xa] =	wrdreg $0x9  }
0xc0: {  	_ =	task.clear_ibuf [dreg:s13], $0xBFFFF;
	_ =	strace $0x90000046  }
0xc1: {  	s29 =	simm.s32 $0x9;
	_ =	strace $0x80000048  }
0xc2: {  	_ =	swait.ge [sflag:s29], $0x1  }
0xc3: {  	[sflag:s29] =	ssyncadd.s32 $0xFFFFFFFF  }
0xc4: {  	_ =	strace $0x90000048  }
0xc5: {  	_ =	sfence  }
0xc6: {  	s30 =	sld [smem:$0x0];
	_ =	sdelay $0x2  }
0xc7: {  	s31 =	sshll.u32 s1, $0xD;
	s1 =	sshrl.u32 s1, $0x2  }
0xc8: {  	s3 =	sand.u32 $0x4000, s31;
	s1 =	sadd.s32 s1, s30  }
0xc9: {  	s0 =	sor.u32 s3, s0;
	s1 =	sshll.u32 s1, $0x11  }
0xca: {  	s0 =	sor.u32 s1, s0  }
0xcb: {  	s0 =	sadd.s32 $0x8F2B, s0  }
0xcc: {  	[sflag:s0] =	ssyncadd.remote.s32 $0x1  }
0xcd: {  	_ =	sfence.sel $0xFFFF  }
0xce: {  	[dreg:$0x0] =	wrdreg $0xFFFFFFFF;
	(pc) =	sbr.abs _section_cstart, $3  }
0xcf: {  	[dreg:$0x1] =	wrdreg $0xFFFFFFFF  }
0xd0: {  	_ =	task.clear_ibuf [dreg:s13], $0x2FFFF;
	_ =	strace $0x9FFFFFFF  }
0xd1: {  	(tm) =	ssettm $0x7FFFFFFF  }
tec
execute0_lowered:
.L_overlay_start_1:
0x0: {  	(tag) =	ssettag $0x1  }
0x1: {  	s0 =	rddreg [dreg:$0x0]  }
0x2: {  	s16 =	rddreg [dreg:$0x1]  }
0x3: {  	s1 =	rddreg [dreg:$0x2]  }
0x4: {  	s17 =	rddreg [dreg:$0x5]  }
0x5: {  	s18 =	rddreg [dreg:$0x7];
	s2 =	stileid.u32  }
0x6: {  	s7 =	simm.s32 $0x0;
	s4 =	srdreg.scid;
	s3 =	smul.u32 $0x600, s2  }
0x7: {  	[smem:$0x7FF] =	sst s7;
	s8 =	smul.u32 $0x1900, s2;
	s5 =	sadd.s32 $0xA000, s0  }
0x8: {  	s4 =	sand.u32 $0x1, s4;
	s6 =	smul.u32 $0x30, s2;
	s10 =	sadd.s32 $0xA200, s0  }
0x9: {  	s19 =	sadd.s32 $0xA400, s0;
	s9 =	smul.u32 $0x180, s2;
	s22 =	sshll.u32 s2, $0x1  }
0xa: {  	p0 =	sne.s32 s2, $0x0;
	s28 =	sadd.s32 $0x100, s16;
	s29 =	sadd.s32 $0x200, s16  }
0xb: {  	_ =	strace $0x80000047;
	[dreg:$0x9] =	wrdreg s5;
	s4 =	ssub.s32 $0x2, s4  }
0xc: {  	s1 =	sadd.s32 s1, s22;
	[dreg:$0xa] =	wrdreg s19;
	s3 =	sadd.s32 s3, s0  }
0xd: {  	s14 =	sshrl.u32 s8, $0x3;
	s15 =	sshrl.u32 s4, $0x1;
	s21 =	sadd.s32 $0x10, s6  }
0xe: {  	s12 =	sadd.s32 $0x20, s6;
	[dreg:$0xc] =	wrdreg s1;
	s25 =	sor.u32 s9, s6  }
0xf: {  	s26 =	sshrl.u32 s6, $0x3;
	s5 =	sadd.s32 s14, s0;
	s0 =	ssub.s32 s4, s15  }
0x10: {  	s11 =	sshll.u32 s21, $0x3;
	s4 =	sand.u32 $0x70, s21;
	s15 =	sshll.u32 s12, $0x3  }
0x11: {  	s12 =	sand.u32 $0x70, s12;
	s1 =	sor.u32 $0x380, s25;
	s22 =	sadd.s32 s17, s26  }
0x12: {  	s20 =	sadd.s32 $0x6E00, s5;
	s13 =	sand.u32 $0x3C00, s11;
	s14 =	sand.u32 $0x3C00, s15  }
0x13: {  	s24 =	sadd.s32 $0xA600, s5;
	[dreg:$0xf] =	wrdreg s1;
	s26 =	smax.u32 s0, $0x1  }
0x14: {  	s1 =	simm.s32 $0x2;
	s5 =	simm.s32 $0xAD00;
	[dreg:$0xb] =	wrdreg s20  }
0x15: {  	v0 =	vlaneseq.u32;
	s13 =	sor.u32 s4, s13;
	s4 =	sor.u32 s11, s4;
	s14 =	sor.u32 s12, s14  }
0x16: {  	v3 =	vimm.f32 $0.0e+00;
	vm14 =	vcmask $0x704;
	vm15 =	vcmask $0xB08;
	s12 =	sor.u32 s15, s12;
	s15 =	sshll.u32 s2, $0x4;
	[dreg:$0xe] =	wrdreg s24  }
.Ltmp0:
0x17: {  	vm0 =	vcmask $0xF0C;
	vm1 =	vcmask $0x1310;
	vm2 =	vcmask $0x1714;
	s11 =	simm.s32 $0x1;
	s23 =	sadd.s32 s18, s15;
	(pc) =	sbr.rel .LBB2_1-.Ltmp0, $4  }
0x18: {  	vm3 =	vcmask $0x1B18;
	vm4 =	vcmask $0x1F1C;
	vm5 =	vcmask $0x2320;
	s18 =	sand.u32 $0x1C70, s25;
	s20 =	sor.u32 $0x380, s4;
	s21 =	sor.u32 $0x380, s12  }
0x19: {  	vm6 =	vcmask $0x2724;
	vm7 =	vcmask $0x2B28;
	v2 =	vmul.u32 $0xFFFFFFFF, v0;
	s24 =	sadd.s32 s10, s15;
	s25 =	sadd.s32 s19, s15;
	s31 =	sadd.s32 $0x3200, s13  }
0x1a: {  	vm8 =	vcmask $0x2F2C;
	vm9 =	vcmask $0x3330;
	vm10 =	vcmask $0x3734;
	s2 =	sadd.s32 $0x3200, s14;
	s4 =	simm.s32 $0x1900;
	[dreg:$0xd] =	wrdreg s23  }
0x1b: {  	vm11 =	vcmask $0x3B38;
	v1 =	vmov s8;
	v2 =	vadd.s32 $0xF, v2;
	s23 =	sadd.s32 $0xE00, s3;
	s30 =	sadd.s32 $0x3200, s18;
	s3 =	simm.s32 $0x0  }
.LBB2_39:
0x1c: {  	s3 =	sadd.s32 $0x1, s3  }
0x1d: {  	p1 =	sne.s32 s3, s26  }
.Ltmp1:
0x1e: {  	_ = 	snop;
	(pc) =	sbr.rel @!p1 .LBB2_40-.Ltmp1, $1  }
0x1f: {  	_ =	sdelay $0x3  }
.LBB2_1:
0x20: {  	s0 =	rddreg [dreg:$0xb]  }
0x21: {  	[tilespmem:s7], [sflag:$0x2] =	stream.linear.gather [hbm4b:s0+s7], $0x1900, $0x38;
	[tilespmem:$0xB080] =	vst v63  }
0x22: {  	_ =	swait.ge [sflag:s1], $0x1900  }
0x23: {  	[sflag:s1] =	ssyncset.done $0x0  }
0x24: {  	s16 =	simm.s32 $0x0;
	[sflag:s1] =	ssyncadd.s32 $0xFFFFE700  }
0x25: {  	v4 =	vld [tilespmem:s16+$0x0];
	_ =	sdelay $0x3  }
0x26: {  	v5 =	vor.u32 s8, v0  }
0x27: {  	(xrf1) =	vsort.dscd.msk.f32 $0xffff, v4, v5;
	_ =	sdelay $0x9  }
0x28: {  	s17 =	simm.s32 $0x10  }
0x29: {  	v4 =	vld [tilespmem:s17+$0x0];
	_ =	sdelay $0x2  }
0x2a: {  	s6 =	sadd.s32 $0x10, s8;
	v5 =	vimm.f32 $-Inf;
	v6, v7, _ =	vpop (xrf1)  }
0x2b: {  	v8 =	vimm.s32 $0x0;
	v9 =	vor.u32 s6, v0;
	vm12 =	vgt.f32 v6, v5  }
0x2c: {  	(xrf1) =	vsort.dscd.msk.f32 $0xffff, v4, v9;
	v4 =	vsel vm12, v6, v5;
	v5 =	vsel vm12, v7, v8  }
0x2d: {  	(xrf1) =	vsort.ascd.msk.f32 $0xffff, v4, v5;
	_ =	sdelay $0x9  }
0x2e: {  	s19 =	simm.s32 $0x20  }
0x2f: {  	s9 =	simm.s32 $0xC0;
	v4 =	vld [tilespmem:s19+$0x0]  }
.LBB2_2:
0x30: {  	p1 =	sne.s32 s9, $0x63C0  }
0x31: {  	v5, v6, _ =	vpop (xrf1)  }
0x32: {  	s6 =	sadd.s32 $0x10, s6;
	v7, v8, _ =	vpop (xrf1)  }
0x33: {  	v9 =	vor.u32 s6, v0;
	vm12 =	vgt.f32 v5, v7  }
0x34: {  	(xrf1) =	vsort.dscd.msk.f32 $0xffff, v4, v9;
	v4 =	vsel vm12, v5, v7;
	v5 =	vsel vm12, v6, v8  }
0x35: {  	(xrf1) =	vsort.ascd.msk.f32 $0xffff, v4, v5;
	_ =	sdelay $0x6  }
.Ltmp2:
0x36: {  	(pc) =	sbr.rel @p1 .LBB2_2-.Ltmp2, $3  }
0x37: {  	_ =	sdelay $0x1  }
0x38: {  	s0 =	sshra.s32 s9, $0x2  }
0x39: {  	s9 =	sadd.s32 $0x40, s9;
	v4 =	vld [tilespmem:s0+$0x0]  }
0x3a: {  	_ = 	snop  }
0x3b: {  	v5, v6, _ =	vpop (xrf1)  }
0x3c: {  	s0 =	sadd.s32 $0x10, s6;
	v7, v8, _ =	vpop (xrf1)  }
0x3d: {  	v9 =	vor.u32 s0, v0;
	vm12 =	vgt.f32 v5, v7  }
0x3e: {  	(xrf1) =	vsort.dscd.msk.f32 $0xffff, v4, v9;
	v4 =	vsel vm12, v5, v7;
	v5 =	vsel vm12, v6, v8  }
0x3f: {  	(xrf1) =	vsort.ascd.msk.f32 $0xffff, v4, v5;
	_ =	sdelay $0xc  }
0x40: {  	v4, v5, _ =	vpop (xrf1)  }
0x41: {  	v6, v7, _ =	vpop (xrf1)  }
0x42: {  	vm12 =	vgt.f32 v4, v6  }
0x43: {  	v4 =	vsel vm12, v4, v6;
	v5 =	vsel vm12, v5, v7  }
0x44: {  	(xrf1) =	vsort.ascd.msk.f32 $0xffff, v4, v5;
	_ =	sdelay $0xd  }
0x45: {  	v4, v5, _ =	vpop (xrf1)  }
0x46: {  	[tilespmem:$0xAD00] =	vst v4  }
0x47: {  	s12 =	rddreg [dreg:$0xd];
	[tilespmem:$0xAD80] =	vst v5  }
0x48: {  	[hbm4b:s12+s7] =	stream.linear.scatter [tilespmem:s5], [sflag:$0x2], $0x80, $0x38;
	[tilespmem:$0xB080] =	vst v63  }
0x49: {  	_ =	swait.ge [sflag:s1], $0x80  }
0x4a: {  	[sflag:s1] =	ssyncset.done $0x0  }
0x4b: {  	s15 =	simm.s32 $0xAD80;
	[sflag:s1] =	ssyncadd.s32 $0xFFFFFF80  }
0x4c: {  	[hbm4b:s24+s7] =	stream.linear.scatter [tilespmem:s15], [sflag:$0x2], $0x80, $0x38;
	[tilespmem:$0xB080] =	vst v63  }
0x4d: {  	_ =	swait.ge [sflag:s1], $0x80  }
0x4e: {  	[sflag:s1] =	ssyncset.done $0x0  }
0x4f: {  	[sflag:s1] =	ssyncadd.s32 $0xFFFFFF80  }
0x50: {  	[bflag:$0x0] =	sbarrier.arrive $0xFFFF  }
0x51: {  	s17 =	simm.s32 $0x9D00;
	s16 =	rddreg [dreg:$0x7]  }
0x52: {  	[tilespmem:s17], [sflag:$0x2] =	stream.linear.gather [hbm4b:s16+s7], $0x800, $0x38;
	[tilespmem:$0xB080] =	vst v63  }
0x53: {  	_ =	swait.ge [sflag:s1], $0x800  }
0x54: {  	[sflag:s1] =	ssyncset.done $0x0  }
0x55: {  	s19 =	simm.s32 $0xA500;
	[sflag:s1] =	ssyncadd.s32 $0xFFFFF800  }
0x56: {  	[tilespmem:s19], [sflag:$0x2] =	stream.linear.gather [hbm4b:s10+s7], $0x800, $0x38;
	[tilespmem:$0xB080] =	vst v63  }
0x57: {  	_ =	swait.ge [sflag:s1], $0x800  }
0x58: {  	[sflag:s1] =	ssyncset.done $0x0  }
0x59: {  	[sflag:s1] =	ssyncadd.s32 $0xFFFFF800  }
0x5a: {  	v4 =	vld [tilespmem:$0x9D00]  }
0x5b: {  	v5 =	vld [tilespmem:$0xA500];
	_ =	sdelay $0x4  }
0x5c: {  	(xrf1) =	vsort.dscd.msk.f32 $0xffff, v4, v5;
	_ =	sdelay $0xc  }
0x5d: {  	v7 =	vld [tilespmem:$0xA580]  }
0x5e: {  	v4 =	vld [tilespmem:$0x9D80];
	v5, v6, _ =	vpop (xrf1)  }
0x5f: {  	vm12 =	vlt.f32 v5, $-Inf;
	vm13 =	vgt.f32 v5, $-Inf  }
0x60: {  	vm12 =	vmor vm13, vm12  }
0x61: {  	v5 =	vnsel vm12, $0xFF800000, v5;
	v6 =	vnsel vm12, $0x0, v6  }
0x62: {  	(xrf1) =	vsort.ascd.msk.f32 $0xffff, v5, v6  }
0x63: {  	(xrf1) =	vsort.dscd.msk.f32 $0xffff, v4, v7;
	_ =	sdelay $0xb  }
0x64: {  	v4 =	vld [tilespmem:$0x9E00]  }
0x65: {  	v7 =	vld [tilespmem:$0xA600];
	v5, v6, _ =	vpop (xrf1)  }
0x66: {  	v8, v9, _ =	vpop (xrf1)  }
0x67: {  	vm12 =	vgt.f32 v8, v5  }
0x68: {  	v5 =	vsel vm12, v8, v5;
	v6 =	vsel vm12, v9, v6  }
0x69: {  	(xrf1) =	vsort.ascd.msk.f32 $0xffff, v5, v6  }
0x6a: {  	(xrf1) =	vsort.dscd.msk.f32 $0xffff, v4, v7;
	_ =	sdelay $0xb  }
0x6b: {  	v4 =	vld [tilespmem:$0x9E80]  }
0x6c: {  	v7 =	vld [tilespmem:$0xA680];
	v5, v6, _ =	vpop (xrf1)  }
0x6d: {  	v8, v9, _ =	vpop (xrf1)  }
0x6e: {  	vm12 =	vgt.f32 v8, v5  }
0x6f: {  	v5 =	vsel vm12, v8, v5;
	v6 =	vsel vm12, v9, v6  }
0x70: {  	(xrf1) =	vsort.ascd.msk.f32 $0xffff, v5, v6  }
0x71: {  	(xrf1) =	vsort.dscd.msk.f32 $0xffff, v4, v7;
	_ =	sdelay $0xb  }
0x72: {  	v4 =	vld [tilespmem:$0x9F00]  }
0x73: {  	v7 =	vld [tilespmem:$0xA700];
	v5, v6, _ =	vpop (xrf1)  }
0x74: {  	v8, v9, _ =	vpop (xrf1)  }
0x75: {  	vm12 =	vgt.f32 v8, v5  }
0x76: {  	v5 =	vsel vm12, v8, v5;
	v6 =	vsel vm12, v9, v6  }
0x77: {  	(xrf1) =	vsort.ascd.msk.f32 $0xffff, v5, v6  }
0x78: {  	(xrf1) =	vsort.dscd.msk.f32 $0xffff, v4, v7;
	_ =	sdelay $0xb  }
0x79: {  	v4 =	vld [tilespmem:$0x9F80]  }
0x7a: {  	v7 =	vld [tilespmem:$0xA780];
	v5, v6, _ =	vpop (xrf1)  }
0x7b: {  	v8, v9, _ =	vpop (xrf1)  }
0x7c: {  	vm12 =	vgt.f32 v8, v5  }
0x7d: {  	v5 =	vsel vm12, v8, v5;
	v6 =	vsel vm12, v9, v6  }
0x7e: {  	(xrf1) =	vsort.ascd.msk.f32 $0xffff, v5, v6  }
0x7f: {  	(xrf1) =	vsort.dscd.msk.f32 $0xffff, v4, v7;
	_ =	sdelay $0xb  }
0x80: {  	v4 =	vld [tilespmem:$0xA000]  }
0x81: {  	v7 =	vld [tilespmem:$0xA800];
	v5, v6, _ =	vpop (xrf1)  }
0x82: {  	v8, v9, _ =	vpop (xrf1)  }
0x83: {  	vm12 =	vgt.f32 v8, v5  }
0x84: {  	v5 =	vsel vm12, v8, v5;
	v6 =	vsel vm12, v9, v6  }
0x85: {  	(xrf1) =	vsort.ascd.msk.f32 $0xffff, v5, v6  }
0x86: {  	(xrf1) =	vsort.dscd.msk.f32 $0xffff, v4, v7;
	_ =	sdelay $0xb  }
0x87: {  	v4 =	vld [tilespmem:$0xA080]  }
0x88: {  	v7 =	vld [tilespmem:$0xA880];
	v5, v6, _ =	vpop (xrf1)  }
0x89: {  	v8, v9, _ =	vpop (xrf1)  }
0x8a: {  	vm12 =	vgt.f32 v8, v5  }
0x8b: {  	v5 =	vsel vm12, v8, v5;
	v6 =	vsel vm12, v9, v6  }
0x8c: {  	(xrf1) =	vsort.ascd.msk.f32 $0xffff, v5, v6  }
0x8d: {  	(xrf1) =	vsort.dscd.msk.f32 $0xffff, v4, v7;
	_ =	sdelay $0xb  }
0x8e: {  	v4 =	vld [tilespmem:$0xA100]  }
0x8f: {  	v7 =	vld [tilespmem:$0xA900];
	v5, v6, _ =	vpop (xrf1)  }
0x90: {  	v8, v9, _ =	vpop (xrf1)  }
0x91: {  	vm12 =	vgt.f32 v8, v5  }
0x92: {  	v5 =	vsel vm12, v8, v5;
	v6 =	vsel vm12, v9, v6  }
0x93: {  	(xrf1) =	vsort.ascd.msk.f32 $0xffff, v5, v6  }
0x94: {  	(xrf1) =	vsort.dscd.msk.f32 $0xffff, v4, v7;
	_ =	sdelay $0xb  }
0x95: {  	v4 =	vld [tilespmem:$0xA180]  }
0x96: {  	v7 =	vld [tilespmem:$0xA980];
	v5, v6, _ =	vpop (xrf1)  }
0x97: {  	v8, v9, _ =	vpop (xrf1)  }
0x98: {  	vm12 =	vgt.f32 v8, v5  }
0x99: {  	v5 =	vsel vm12, v8, v5;
	v6 =	vsel vm12, v9, v6  }
0x9a: {  	(xrf1) =	vsort.ascd.msk.f32 $0xffff, v5, v6  }
0x9b: {  	(xrf1) =	vsort.dscd.msk.f32 $0xffff, v4, v7;
	_ =	sdelay $0xb  }
0x9c: {  	v4 =	vld [tilespmem:$0xA200]  }
0x9d: {  	v7 =	vld [tilespmem:$0xAA00];
	v5, v6, _ =	vpop (xrf1)  }
0x9e: {  	v8, v9, _ =	vpop (xrf1)  }
0x9f: {  	vm12 =	vgt.f32 v8, v5  }
0xa0: {  	v5 =	vsel vm12, v8, v5;
	v6 =	vsel vm12, v9, v6  }
0xa1: {  	(xrf1) =	vsort.ascd.msk.f32 $0xffff, v5, v6  }
0xa2: {  	(xrf1) =	vsort.dscd.msk.f32 $0xffff, v4, v7;
	_ =	sdelay $0xb  }
0xa3: {  	v4 =	vld [tilespmem:$0xA280]  }
0xa4: {  	v7 =	vld [tilespmem:$0xAA80];
	v5, v6, _ =	vpop (xrf1)  }
0xa5: {  	v8, v9, _ =	vpop (xrf1)  }
0xa6: {  	vm12 =	vgt.f32 v8, v5  }
0xa7: {  	v5 =	vsel vm12, v8, v5;
	v6 =	vsel vm12, v9, v6  }
0xa8: {  	(xrf1) =	vsort.ascd.msk.f32 $0xffff, v5, v6  }
0xa9: {  	(xrf1) =	vsort.dscd.msk.f32 $0xffff, v4, v7;
	_ =	sdelay $0xb  }
0xaa: {  	v4 =	vld [tilespmem:$0xA300]  }
0xab: {  	v7 =	vld [tilespmem:$0xAB00];
	v5, v6, _ =	vpop (xrf1)  }
0xac: {  	v8, v9, _ =	vpop (xrf1)  }
0xad: {  	vm12 =	vgt.f32 v8, v5  }
0xae: {  	v5 =	vsel vm12, v8, v5;
	v6 =	vsel vm12, v9, v6  }
0xaf: {  	(xrf1) =	vsort.ascd.msk.f32 $0xffff, v5, v6  }
0xb0: {  	(xrf1) =	vsort.dscd.msk.f32 $0xffff, v4, v7;
	_ =	sdelay $0xb  }
0xb1: {  	v4 =	vld [tilespmem:$0xA380]  }
0xb2: {  	v7 =	vld [tilespmem:$0xAB80];
	v5, v6, _ =	vpop (xrf1)  }
0xb3: {  	v8, v9, _ =	vpop (xrf1)  }
0xb4: {  	vm12 =	vgt.f32 v8, v5  }
0xb5: {  	v5 =	vsel vm12, v8, v5;
	v6 =	vsel vm12, v9, v6  }
0xb6: {  	(xrf1) =	vsort.ascd.msk.f32 $0xffff, v5, v6  }
0xb7: {  	(xrf1) =	vsort.dscd.msk.f32 $0xffff, v4, v7;
	_ =	sdelay $0xb  }
0xb8: {  	v4 =	vld [tilespmem:$0xA400]  }
0xb9: {  	v7 =	vld [tilespmem:$0xAC00];
	v5, v6, _ =	vpop (xrf1)  }
0xba: {  	v8, v9, _ =	vpop (xrf1)  }
0xbb: {  	vm12 =	vgt.f32 v8, v5  }
0xbc: {  	v5 =	vsel vm12, v8, v5;
	v6 =	vsel vm12, v9, v6  }
0xbd: {  	(xrf1) =	vsort.ascd.msk.f32 $0xffff, v5, v6  }
0xbe: {  	(xrf1) =	vsort.dscd.msk.f32 $0xffff, v4, v7;
	_ =	sdelay $0xb  }
0xbf: {  	v4 =	vld [tilespmem:$0xA480]  }
0xc0: {  	v7 =	vld [tilespmem:$0xAC80];
	v5, v6, _ =	vpop (xrf1)  }
0xc1: {  	v8, v9, _ =	vpop (xrf1)  }
0xc2: {  	vm12 =	vgt.f32 v8, v5  }
0xc3: {  	v5 =	vsel vm12, v8, v5;
	v6 =	vsel vm12, v9, v6  }
0xc4: {  	(xrf1) =	vsort.ascd.msk.f32 $0xffff, v5, v6  }
0xc5: {  	(xrf1) =	vsort.dscd.msk.f32 $0xffff, v4, v7;
	_ =	sdelay $0xc  }
0xc6: {  	v4, v5, _ =	vpop (xrf1)  }
0xc7: {  	v6, v7, _ =	vpop (xrf1)  }
0xc8: {  	vm12 =	vgt.f32 v6, v4  }
0xc9: {  	v4 =	vsel vm12, v6, v4;
	v5 =	vsel vm12, v7, v5  }
0xca: {  	(xrf1) =	vsort.ascd.msk.f32 $0xffff, v4, v5;
	_ =	sdelay $0xd  }
0xcb: {  	v4, v5, _ =	vpop (xrf1)  }
0xcc: {  	v4 =	vperm.xlane v4, v2;
	_ =	sdelay $0x1  }
0xcd: {  	(xrf0) =	vmax.scan.msk.f32 $0xffff, v4;
	_ =	sdelay $0x5  }
0xce: {  	v6, _, _ =	vpop (xrf0)  }
0xcf: {  	v6 =	vbroadcast v6, $0xF;
	_ =	sdelay $0x1  }
0xd0: {  	v4 =	vsub.f32 v4, v6;
	_ =	sdelay $0x1  }
0xd1: {  	v4 =	vmul.f32 $1.442695020e+00, v4;
	_ =	sdelay $0x1  }
0xd2: {  	(erf) = vpow2.f32 v4;
	_ =	sdelay $0x8  }
0xd3: {  	v6 =	vpop (erf)  }
0xd4: {  	(xrf2) =	vadd.scan.msk.f32 $0xffff, v6;
	_ =	sdelay $0x9  }
0xd5: {  	v4, _, _ =	vpop (xrf2)  }
0xd6: {  	v4 =	vbroadcast v4, $0xF;
	_ =	sdelay $0x1  }
0xd7: {  	(erf) = vrcp.f32 v4;
	_ =	sdelay $0x4  }
0xd8: {  	v4 =	vperm.xlane v5, v2;
	_ =	sdelay $0x1  }
0xd9: {  	s6 =	simm.s32 @!p0 $0xAD80;
	s0 =	simm.s32 @!p0 $0x0;
	s9 =	rddreg [dreg:$0x4];
	[tilespmem:$0xAD80] =	vst v4  }
0xda: {  	[hbm4b:s9+s0] =	stream.linear.scatter @!p0 [tilespmem:s6], [sflag:$0x2], $0x80, $0x38;
	[tilespmem:$0xB080] =	vst v63  }
0xdb: {  	s0 =	simm.s32 @!p0 $0x2;
	v5 =	vpop (erf)  }
0xdc: {  	_ =	swait.ge @!p0 [sflag:s0], $0x80  }
0xdd: {  	[sflag:s0] =	ssyncset.done @!p0 $0x0  }
0xde: {  	s6 =	simm.s32 $0x0;
	v10 =	vmul.f32 v5, v6;
	[sflag:s0] =	ssyncadd.s32 @!p0 $0xFFFFFF80;
	s0 =	simm.s32 $0x40  }
.LBB2_4:
0xdf: {  	p1 =	sne.s32 s0, $0x63C0;
	[tilespmem:s6+$0x1900] =	vst v3;
	s6 =	smov.u32 s0;
	s0 =	sadd.s32 $0x40, s0  }
.Ltmp3:
0xe0: {  	(pc) =	sbr.rel @p1 .LBB2_4-.Ltmp3, $2  }
0xe1: {  	_ =	sdelay $0x2  }
0xe2: {  	s6 =	sshra.s32 s6, $0x2  }
0xe3: {  	v4 =	vsub.s32 v4, v1  }
0xe4: {  	vm12 =	vlt.u32 v4, $0x1900  }
0xe5: {  	v4 =	vnsel vm12, $0x0, v4;
	_ =	sdelay $0x3  }
0xe6: {  	[tilespmem:s6+$0x1900] =	vst v3  }
0xe7: {  	s6 =	simm.s32 $0x0;
	s0 =	rddreg [dreg:$0xe];
	[tilespmem:v4+s4+$0x0] =	vst.idx.msk vm12, v10  }
0xe8: {  	[hbm4b:s0+s6] =	stream.linear.scatter [tilespmem:s4], [sflag:$0x2], $0x1900, $0x38;
	[tilespmem:$0xB080] =	vst v63  }
0xe9: {  	_ =	swait.ge [sflag:s1], $0x1900  }
0xea: {  	[sflag:s1] =	ssyncset.done $0x0  }
0xeb: {  	[sflag:s1] =	ssyncadd.s32 $0xFFFFE700  }
0xec: {  	v4 =	vld [tilespmem:$0xAD80];
	_ =	sdelay $0x4  }
0xed: {  	v5 =	vshrl.u32 v4, $0x3  }
0xee: {  	v5 =	vmul.u32 $0x30, v5  }
0xef: {  	v4 =	vand.u32 $0x7, v4  }
0xf0: {  	v6 =	vshrl.u32 v0, $0x3;
	v4 =	vor.u32 v4, v5;
	v5 =	vand.u32 $0x7, v0  }
0xf1: {  	v6 =	vmul.u32 $0x8, v6;
	v5 =	vperm.xlane v4, v5;
	_ =	sdelay $0x1  }
0xf2: {  	v5 =	vadd.s32 v6, v5;
	_ =	sdelay $0x2  }
0xf3: {  	v7 =	vor.u32 $0x8, v0  }
0xf4: {  	s9 =	simm.s32 $0x3200;
	vm12 =	vmmov $0xffff;
	s17 =	rddreg [dreg:$0x1];
	v4 =	vperm.xlane v4, v7  }
0xf5: {  	[tilespmem:s9], [sflag:$0x1] =	stream.indirect_vreg.gather [hbm4b:s17+s6], $0x80, v5, vm12, $0xb8;
	[tilespmem:$0xB080] =	vst v63  }
0xf6: {  	s19 =	simm.s32 $0x3A00;
	v4 =	vadd.s32 v6, v4  }
0xf7: {  	[tilespmem:s19], [sflag:$0x1] =	stream.indirect_vreg.gather [hbm4b:s28+s6], $0x80, v5, vm12, $0xb8;
	[tilespmem:$0xB080] =	vst v63  }
0xf8: {  	s12 =	simm.s32 $0x4200  }
0xf9: {  	[tilespmem:s12], [sflag:$0x1] =	stream.indirect_vreg.gather [hbm4b:s29+s6], $0x80, v5, vm12, $0xb8;
	[tilespmem:$0xB080] =	vst v63  }
0xfa: {  	s15 =	simm.s32 $0x4A00  }
0xfb: {  	[tilespmem:s15], [sflag:$0x1] =	stream.indirect_vreg.gather [hbm4b:s17+s6], $0x80, v4, vm12, $0xb8;
	[tilespmem:$0xB080] =	vst v63  }
0xfc: {  	s16 =	simm.s32 $0x5200  }
0xfd: {  	[tilespmem:s16], [sflag:$0x1] =	stream.indirect_vreg.gather [hbm4b:s28+s6], $0x80, v4, vm12, $0xb8;
	[tilespmem:$0xB080] =	vst v63  }
0xfe: {  	s17 =	simm.s32 $0x5A00  }
0xff: {  	[tilespmem:s17], [sflag:$0x1] =	stream.indirect_vreg.gather [hbm4b:s29+s6], $0x80, v4, vm12, $0xb8;
	vm12 =	vmmov $0x1;
	[tilespmem:$0xB080] =	vst v63  }
0x100: {  	_ =	swait.ge [sflag:s11], $0x3000;
	v4 =	vnsel vm12, $0x0, v10  }
0x101: {  	vm13 =	vcmask $0x308;
	(xrf2) =	vadd.scan.msk.f32 $0xffff, v4  }
0x102: {  	v4 =	vsel vm13, $0x0, v10  }
0x103: {  	vm13 =	vcmask $0x70C;
	(xrf2) =	vadd.scan.msk.f32 $0xffff, v4  }
0x104: {  	v4 =	vsel vm13, $0x0, v10  }
0x105: {  	vm13 =	vcmask $0xB10;
	(xrf2) =	vadd.scan.msk.f32 $0xffff, v4  }
0x106: {  	v4 =	vsel vm13, $0x0, v10  }
0x107: {  	[sflag:s11] =	ssyncset.done $0x0;
	vm13 =	vcmask $0xF14;
	(xrf2) =	vadd.scan.msk.f32 $0xffff, v4  }
0x108: {  	[sflag:s11] =	ssyncadd.s32 $0xFFFFD000;
	v4 =	vsel vm13, $0x0, v10  }
0x109: {  	v5 =	vld [tilespmem:s18+$0x3200];
	vm13 =	vcmask $0x1318;
	(xrf2) =	vadd.scan.msk.f32 $0xffff, v4  }
0x10a: {  	v4 =	vsel vm13, $0x0, v10  }
0x10b: {  	v7 =	vld [tilespmem:s30+$0x80];
	vm13 =	vcmask $0x171C;
	v6, _, _ =	vpop (xrf2);
	(xrf2) =	vadd.scan.msk.f32 $0xffff, v4  }
0x10c: {  	v8 =	vsel vm13, $0x0, v10;
	vm13 =	vcmask $0x1B20;
	v4 =	vbroadcast v6, $0xF  }
0x10d: {  	v9 =	vsel vm13, $0x0, v10;
	v6, _, _ =	vpop (xrf2);
	(xrf2) =	vadd.scan.msk.f32 $0xffff, v8;
	v8 =	vld [tilespmem:s30+$0x100]  }
0x10e: {  	vm13 =	vcmask $0x1F24;
	v11 =	vmul.f32 v5, v4;
	v5 =	vbroadcast v6, $0xF  }
0x10f: {  	v12 =	vld [tilespmem:s30+$0x180];
	v39 =	vsel vm13, $0x0, v10;
	vm13 =	vcmask $0x2328;
	v6, _, _ =	vpop (xrf2);
	(xrf2) =	vadd.scan.msk.f32 $0xffff, v9  }
0x110: {  	v6 =	vbroadcast v6, $0xF;
	v11 =	vadd.f32 $0.0e+00, v11;
	v7 =	vmul.f32 v7, v5  }
0x111: {  	v14 =	vld [tilespmem:s30+$0x200];
	v40 =	vsel vm13, $0x0, v10;
	vm13 =	vcmask $0x272C;
	v13, _, _ =	vpop (xrf2);
	(xrf2) =	vadd.scan.msk.f32 $0xffff, v39  }
0x112: {  	v8 =	vmul.f32 v8, v6;
	v11 =	vadd.f32 v7, v11;
	v7 =	vbroadcast v13, $0xF  }
0x113: {  	v15 =	vld [tilespmem:s30+$0x280];
	v42 =	vsel vm13, $0x0, v10;
	vm13 =	vcmask $0x2B30;
	v41, _, _ =	vpop (xrf2);
	(xrf2) =	vadd.scan.msk.f32 $0xffff, v40  }
0x114: {  	v11 =	vadd.f32 v8, v11;
	v12 =	vmul.f32 v12, v7;
	v8 =	vbroadcast v41, $0xF  }
0x115: {  	v17 =	vld [tilespmem:s30+$0x300];
	v16 =	vsel vm13, $0x0, v10;
	vm13 =	vcmask $0x2F34;
	v43, _, _ =	vpop (xrf2);
	(xrf2) =	vadd.scan.msk.f32 $0xffff, v42  }
0x116: {  	s19 =	rddreg [dreg:$0xf];
	v11 =	vadd.f32 v12, v11;
	v44 =	vmul.f32 v14, v8;
	v9 =	vbroadcast v43, $0xF  }
0x117: {  	v47 =	vld [tilespmem:s19+$0x3200];
	v46 =	vsel vm13, $0x0, v10;
	vm13 =	vcmask $0x3338;
	v45, _, _ =	vpop (xrf2);
	(xrf2) =	vadd.scan.msk.f32 $0xffff, v16  }
0x118: {  	v13 =	vbroadcast v45, $0xF;
	v11 =	vadd.f32 v44, v11;
	v48 =	vmul.f32 v15, v9  }
0x119: {  	v18 =	vld [tilespmem:s18+$0x4A00];
	v50 =	vsel vm13, $0x0, v10;
	vm13 =	vcmask $0x373C;
	v49, _, _ =	vpop (xrf2);
	(xrf2) =	vadd.scan.msk.f32 $0xffff, v46  }
0x11a: {  	v51 =	vmul.f32 v17, v13;
	v15 =	vbroadcast v49, $0xF;
	v11 =	vadd.f32 v48, v11  }
0x11b: {  	v19 =	vld [tilespmem:s18+$0x4A80];
	v53 =	vsel vm13, $0x0, v10;
	vm13 =	vmmov $0x7fff;
	v52, _, _ =	vpop (xrf2);
	(xrf2) =	vadd.scan.msk.f32 $0xffff, v50  }
0x11c: {  	v16 =	vbroadcast v52, $0xF;
	v54 =	vmul.f32 v47, v15;
	v11 =	vadd.f32 v51, v11  }
0x11d: {  	v57 =	vld [tilespmem:s18+$0x4B00];
	v56 =	vsel vm13, $0x0, v10;
	v55, _, _ =	vpop (xrf2);
	(xrf2) =	vadd.scan.msk.f32 $0xffff, v53  }
0x11e: {  	v17 =	vbroadcast v55, $0xF;
	v58 =	vmul.f32 v18, v16;
	v11 =	vadd.f32 v54, v11  }
0x11f: {  	v60 =	vld [tilespmem:s18+$0x4B80];
	v59, _, _ =	vpop (xrf2);
	(xrf2) =	vadd.scan.msk.f32 $0xffff, v56  }
0x120: {  	v61 =	vmul.f32 v19, v17;
	v11 =	vadd.f32 v58, v11;
	v18 =	vbroadcast v59, $0xF  }
0x121: {  	v20 =	vld [tilespmem:s18+$0x4C00];
	v62, _, _ =	vpop (xrf2)  }
0x122: {  	v14 =	vbroadcast v62, $0xF;
	v11 =	vadd.f32 v61, v11;
	v63 =	vmul.f32 v57, v18  }
0x123: {  	v21 =	vld [tilespmem:s18+$0x4C80];
	v24, _, _ =	vpop (xrf2)  }
0x124: {  	v10 =	vmul.f32 v60, v14;
	v12 =	vbroadcast v24, $0xF;
	v11 =	vadd.f32 v63, v11  }
0x125: {  	v22 =	vld [tilespmem:s18+$0x4D00];
	v25, _, _ =	vpop (xrf2)  }
0x126: {  	v19 =	vbroadcast v25, $0xF;
	v26 =	vmul.f32 v20, v12;
	v10 =	vadd.f32 v10, v11  }
0x127: {  	v23 =	vld [tilespmem:s18+$0x4D80];
	v27, _, _ =	vpop (xrf2)  }
0x128: {  	v20 =	vbroadcast v27, $0xF;
	v28 =	vmul.f32 v21, v19;
	v10 =	vadd.f32 v26, v10  }
0x129: {  	v29, _, _ =	vpop (xrf2)  }
0x12a: {  	v30 =	vmul.f32 v22, v20;
	v10 =	vadd.f32 v28, v10;
	v21 =	vbroadcast v29, $0xF;
	_ =	sdelay $0x1  }
0x12b: {  	v10 =	vadd.f32 v30, v10;
	v31 =	vmul.f32 v23, v21;
	_ =	sdelay $0x1  }
0x12c: {  	v10 =	vadd.f32 v31, v10;
	_ =	sdelay $0x1  }
0x12d: {  	[tilespmem:$0xAE00] =	vst v10  }
0x12e: {  	v10 =	vld [tilespmem:s13+$0x3200];
	_ =	sdelay $0x1  }
0x12f: {  	v32 =	vld [tilespmem:s31+$0x80];
	_ =	sdelay $0x1  }
0x130: {  	v33 =	vld [tilespmem:s31+$0x100]  }
0x131: {  	v10 =	vmul.f32 v10, v4  }
0x132: {  	v34 =	vld [tilespmem:s31+$0x180]  }
0x133: {  	v11 =	vmul.f32 v32, v5;
	v10 =	vadd.f32 $0.0e+00, v10  }
0x134: {  	v24 =	vld [tilespmem:s31+$0x200]  }
0x135: {  	v35 =	vmul.f32 v33, v6;
	v10 =	vadd.f32 v11, v10  }
0x136: {  	v36 =	vld [tilespmem:s31+$0x280]  }
0x137: {  	v37 =	vmul.f32 v34, v7;
	v10 =	vadd.f32 v35, v10  }
0x138: {  	v38 =	vld [tilespmem:s31+$0x300]  }
0x139: {  	v39 =	vmul.f32 v24, v8;
	v10 =	vadd.f32 v37, v10  }
0x13a: {  	v40 =	vld [tilespmem:s20+$0x3200]  }
0x13b: {  	v41 =	vmul.f32 v36, v9;
	v10 =	vadd.f32 v39, v10  }
0x13c: {  	v42 =	vld [tilespmem:s13+$0x4A00]  }
0x13d: {  	v43 =	vmul.f32 v38, v13;
	v10 =	vadd.f32 v41, v10  }
0x13e: {  	v44 =	vld [tilespmem:s13+$0x4A80]  }
0x13f: {  	v45 =	vmul.f32 v40, v15;
	v10 =	vadd.f32 v43, v10  }
0x140: {  	v46 =	vld [tilespmem:s13+$0x4B00]  }
0x141: {  	v47 =	vmul.f32 v42, v16;
	v10 =	vadd.f32 v45, v10  }
0x142: {  	v48 =	vld [tilespmem:s13+$0x4B80]  }
0x143: {  	v49 =	vmul.f32 v44, v17;
	v10 =	vadd.f32 v47, v10  }
0x144: {  	v50 =	vld [tilespmem:s13+$0x4C00]  }
0x145: {  	v51 =	vmul.f32 v46, v18;
	v10 =	vadd.f32 v49, v10  }
0x146: {  	v52 =	vld [tilespmem:s13+$0x4C80]  }
0x147: {  	v53 =	vmul.f32 v48, v14;
	v10 =	vadd.f32 v51, v10  }
0x148: {  	v54 =	vld [tilespmem:s13+$0x4D00]  }
0x149: {  	v55 =	vmul.f32 v50, v12;
	v10 =	vadd.f32 v53, v10  }
0x14a: {  	v56 =	vld [tilespmem:s13+$0x4D80]  }
0x14b: {  	v57 =	vmul.f32 v52, v19;
	v10 =	vadd.f32 v55, v10;
	_ =	sdelay $0x1  }
0x14c: {  	v58 =	vmul.f32 v54, v20;
	v10 =	vadd.f32 v57, v10;
	_ =	sdelay $0x1  }
0x14d: {  	v59 =	vmul.f32 v56, v21;
	v10 =	vadd.f32 v58, v10;
	_ =	sdelay $0x1  }
0x14e: {  	v10 =	vadd.f32 v59, v10;
	_ =	sdelay $0x1  }
0x14f: {  	[tilespmem:$0xAE10] =	vst v10  }
0x150: {  	v10 =	vld [tilespmem:s14+$0x3200];
	_ =	sdelay $0x1  }
0x151: {  	v60 =	vld [tilespmem:s2+$0x80];
	_ =	sdelay $0x1  }
0x152: {  	v61 =	vld [tilespmem:s2+$0x100]  }
0x153: {  	v4 =	vmul.f32 v10, v4  }
0x154: {  	v62 =	vld [tilespmem:s2+$0x180]  }
0x155: {  	v5 =	vmul.f32 v60, v5;
	v4 =	vadd.f32 $0.0e+00, v4  }
0x156: {  	v63 =	vld [tilespmem:s2+$0x200]  }
0x157: {  	v4 =	vadd.f32 v5, v4;
	v5 =	vmul.f32 v61, v6  }
0x158: {  	v6 =	vld [tilespmem:s2+$0x280]  }
0x159: {  	v4 =	vadd.f32 v5, v4;
	v5 =	vmul.f32 v62, v7  }
0x15a: {  	v7 =	vld [tilespmem:s2+$0x300]  }
0x15b: {  	v4 =	vadd.f32 v5, v4;
	v5 =	vmul.f32 v63, v8  }
0x15c: {  	v8 =	vld [tilespmem:s21+$0x3200]  }
0x15d: {  	v4 =	vadd.f32 v5, v4;
	v5 =	vmul.f32 v6, v9  }
0x15e: {  	v6 =	vld [tilespmem:s14+$0x4A00]  }
0x15f: {  	v4 =	vadd.f32 v5, v4;
	v5 =	vmul.f32 v7, v13  }
0x160: {  	v7 =	vld [tilespmem:s14+$0x4A80]  }
0x161: {  	v4 =	vadd.f32 v5, v4;
	v5 =	vmul.f32 v8, v15  }
0x162: {  	v8 =	vld [tilespmem:s14+$0x4B00]  }
0x163: {  	v4 =	vadd.f32 v5, v4;
	v5 =	vmul.f32 v6, v16  }
0x164: {  	v6 =	vld [tilespmem:s14+$0x4B80]  }
0x165: {  	v4 =	vadd.f32 v5, v4;
	v5 =	vmul.f32 v7, v17  }
0x166: {  	v7 =	vld [tilespmem:s14+$0x4C00]  }
0x167: {  	v4 =	vadd.f32 v5, v4;
	v5 =	vmul.f32 v8, v18  }
0x168: {  	v8 =	vld [tilespmem:s14+$0x4C80]  }
0x169: {  	v4 =	vadd.f32 v5, v4;
	v5 =	vmul.f32 v6, v14  }
0x16a: {  	v6 =	vld [tilespmem:s14+$0x4D00]  }
0x16b: {  	v4 =	vadd.f32 v5, v4;
	v5 =	vmul.f32 v7, v12  }
0x16c: {  	v7 =	vld [tilespmem:s14+$0x4D80]  }
0x16d: {  	v4 =	vadd.f32 v5, v4;
	v5 =	vmul.f32 v8, v19;
	_ =	sdelay $0x1  }
0x16e: {  	v4 =	vadd.f32 v5, v4;
	v5 =	vmul.f32 v6, v20;
	_ =	sdelay $0x1  }
0x16f: {  	v4 =	vadd.f32 v5, v4;
	v5 =	vmul.f32 v7, v21;
	_ =	sdelay $0x1  }
0x170: {  	v4 =	vadd.f32 v5, v4;
	_ =	sdelay $0x1  }
0x171: {  	s9 =	simm.s32 $0xAE00;
	[tilespmem:$0xAE20] =	vst v4  }
0x172: {  	[hbm4b:s22+s6] =	stream.linear.scatter [tilespmem:s9], [sflag:$0x2], $0x30, $0x38;
	[tilespmem:$0xB080] =	vst v63  }
0x173: {  	_ =	swait.ge [sflag:s1], $0x30  }
0x174: {  	[sflag:s1] =	ssyncset.done $0x0  }
0x175: {  	[sflag:s1] =	ssyncadd.s32 $0xFFFFFFD0  }
0x176: {  	[bflag:$0x0] =	sbarrier.arrive $0xFFFF  }
0x177: {  	s9 =	simm.s32 $0x9200;
	s12 =	rddreg [dreg:$0x5]  }
0x178: {  	[tilespmem:s9], [sflag:$0x2] =	stream.linear.gather [hbm4b:s12+s6], $0x300, $0x38;
	[tilespmem:$0xB080] =	vst v63  }
0x179: {  	_ =	swait.ge [sflag:s1], $0x300  }
0x17a: {  	[sflag:s1] =	ssyncset.done $0x0  }
0x17b: {  	s15 =	simm.s32 $0x6200;
	[sflag:s1] =	ssyncadd.s32 $0xFFFFFD00  }
0x17c: {  	[tilespmem:s15], [sflag:$0x2] =	stream.linear.gather [hbm4b:s23+s6], $0x3000, $0x38;
	[tilespmem:$0xB080] =	vst v63  }
0x17d: {  	_ =	swait.ge [sflag:s1], $0x3000  }
0x17e: {  	[sflag:s1] =	ssyncset.done $0x0  }
0x17f: {  	s12 =	simm.s32 $0xAF80;
	s16 =	rddreg [dreg:$0xc];
	[sflag:s1] =	ssyncadd.s32 $0xFFFFD000  }
0x180: {  	[tilespmem:s12], [sflag:$0x2] =	stream.linear.gather [hbm4b:s16+s6], $0x10, $0x38;
	[tilespmem:$0xB080] =	vst v63  }
0x181: {  	_ =	swait.ge [sflag:s1], $0x10  }
0x182: {  	[sflag:s1] =	ssyncset.done $0x0  }
0x183: {  	s17 =	sand.u32 $0x70, s6;
	s19 =	sand.u32 $0x1C00, s6;
	[sflag:s1] =	ssyncadd.s32 $0xFFFFFFF0  }
0x184: {  	s0 =	sor.u32 s17, s19;
	v4 =	vld [tilespmem:s9+$0x0]  }
0x185: {  	v6 =	vld [tilespmem:s0+$0x6200]  }
0x186: {  	v7 =	vimm.f32 $0.0e+00;
	v5 =	vimm.f32 $0.0e+00;
	s15 =	simm.s32 $0x0;
	s12 =	simm.s32 $0x10;
	s16 =	simm.s32 $0x9200  }
.LBB2_6:
0x187: {  	s17 =	sand.u32 $0x70, s12;
	p1 =	sne.s32 s12, $0x2F0  }
.Ltmp4:
0x188: {  	s15 =	sadd.s32 $0x80, s15;
	s16 =	sadd.s32 $0x10, s16;
	(pc) =	sbr.rel @p1 .LBB2_6-.Ltmp4, $4  }
0x189: {  	s12 =	sadd.s32 $0x10, s12;
	s19 =	sand.u32 $0x1C00, s15  }
0x18a: {  	s17 =	sor.u32 s17, s19;
	v8 =	vmul.f32 v6, v4;
	v4 =	vld [tilespmem:s16+$0x0]  }
0x18b: {  	v6 =	vld [tilespmem:s17+$0x6200]  }
0x18c: {  	v7 =	vadd.f32 v8, v7  }
0x18d: {  	_ =	sdelay $0x2  }
0x18e: {  	v4 =	vmul.f32 v6, v4  }
0x18f: {  	v6 =	vld [tilespmem:s9+$0x0]  }
0x190: {  	v4 =	vadd.f32 v4, v7;
	v7 =	vld [tilespmem:s0+$0x6280]  }
0x191: {  	s12 =	simm.s32 $0x10  }
.LBB2_8:
0x192: {  	s0 =	sand.u32 $0x70, s12;
	p1 =	sne.s32 s12, $0x2F0  }
.Ltmp5:
0x193: {  	s6 =	sadd.s32 $0x80, s6;
	s9 =	sadd.s32 $0x10, s9;
	(pc) =	sbr.rel @p1 .LBB2_8-.Ltmp5, $4  }
0x194: {  	s12 =	sadd.s32 $0x10, s12;
	s15 =	sand.u32 $0x1C00, s6  }
0x195: {  	s0 =	sor.u32 s0, s15;
	v8 =	vmul.f32 v7, v6;
	v6 =	vld [tilespmem:s9+$0x0]  }
0x196: {  	v7 =	vld [tilespmem:s0+$0x6280]  }
0x197: {  	v5 =	vadd.f32 v8, v5  }
0x198: {  	_ = 	snop  }
0x199: {  	s6 =	simm.s32 $0x0  }
0x19a: {  	s9 =	simm.s32 $0x9200;
	s0 =	sand.u32 $0x70, s6;
	s12 =	sand.u32 $0x1C00, s6  }
0x19b: {  	s0 =	sor.u32 s0, s12;
	v7 =	vmul.f32 v7, v6;
	v6 =	vld [tilespmem:s9+$0x0]  }
0x19c: {  	v8 =	vld [tilespmem:s0+$0x6300]  }
0x19d: {  	s15 =	simm.s32 $0x0;
	s16 =	simm.s32 $0x9200;
	v9 =	vimm.f32 $0.0e+00;
	s12 =	simm.s32 $0x10;
	v5 =	vadd.f32 v7, v5;
	v7 =	vimm.f32 $0.0e+00  }
.LBB2_10:
0x19e: {  	s17 =	sand.u32 $0x70, s12;
	p1 =	sne.s32 s12, $0x2F0  }
.Ltmp6:
0x19f: {  	s15 =	sadd.s32 $0x80, s15;
	s16 =	sadd.s32 $0x10, s16;
	(pc) =	sbr.rel @p1 .LBB2_10-.Ltmp6, $4  }
0x1a0: {  	s12 =	sadd.s32 $0x10, s12;
	s19 =	sand.u32 $0x1C00, s15  }
0x1a1: {  	s17 =	sor.u32 s17, s19;
	v10 =	vmul.f32 v8, v6;
	v6 =	vld [tilespmem:s16+$0x0]  }
0x1a2: {  	v8 =	vld [tilespmem:s17+$0x6300]  }
0x1a3: {  	v9 =	vadd.f32 v10, v9  }
0x1a4: {  	_ =	sdelay $0x2  }
0x1a5: {  	v6 =	vmul.f32 v8, v6  }
0x1a6: {  	v8 =	vld [tilespmem:s9+$0x0]  }
0x1a7: {  	v6 =	vadd.f32 v6, v9;
	v9 =	vld [tilespmem:s0+$0x6380]  }
0x1a8: {  	s12 =	simm.s32 $0x10  }
.LBB2_12:
0x1a9: {  	s0 =	sand.u32 $0x70, s12;
	p1 =	sne.s32 s12, $0x2F0  }
.Ltmp7:
0x1aa: {  	s6 =	sadd.s32 $0x80, s6;
	s9 =	sadd.s32 $0x10, s9;
	(pc) =	sbr.rel @p1 .LBB2_12-.Ltmp7, $4  }
0x1ab: {  	s12 =	sadd.s32 $0x10, s12;
	s15 =	sand.u32 $0x1C00, s6  }
0x1ac: {  	s0 =	sor.u32 s0, s15;
	v10 =	vmul.f32 v9, v8;
	v8 =	vld [tilespmem:s9+$0x0]  }
0x1ad: {  	v9 =	vld [tilespmem:s0+$0x6380]  }
0x1ae: {  	v7 =	vadd.f32 v10, v7  }
0x1af: {  	_ = 	snop  }
0x1b0: {  	s6 =	simm.s32 $0x0  }
0x1b1: {  	s9 =	simm.s32 $0x9200;
	s0 =	sand.u32 $0x70, s6;
	s12 =	sand.u32 $0x1C00, s6  }
0x1b2: {  	s0 =	sor.u32 s0, s12;
	v9 =	vmul.f32 v9, v8;
	v8 =	vld [tilespmem:s9+$0x0]  }
0x1b3: {  	v10 =	vld [tilespmem:s0+$0x6400]  }
0x1b4: {  	s15 =	simm.s32 $0x0;
	s16 =	simm.s32 $0x9200;
	v11 =	vimm.f32 $0.0e+00;
	s12 =	simm.s32 $0x10;
	v7 =	vadd.f32 v9, v7;
	v9 =	vimm.f32 $0.0e+00  }
.LBB2_14:
0x1b5: {  	s17 =	sand.u32 $0x70, s12;
	p1 =	sne.s32 s12, $0x2F0  }
.Ltmp8:
0x1b6: {  	s15 =	sadd.s32 $0x80, s15;
	s16 =	sadd.s32 $0x10, s16;
	(pc) =	sbr.rel @p1 .LBB2_14-.Ltmp8, $4  }
0x1b7: {  	s12 =	sadd.s32 $0x10, s12;
	s19 =	sand.u32 $0x1C00, s15  }
0x1b8: {  	s17 =	sor.u32 s17, s19;
	v12 =	vmul.f32 v10, v8;
	v8 =	vld [tilespmem:s16+$0x0]  }
0x1b9: {  	v10 =	vld [tilespmem:s17+$0x6400]  }
0x1ba: {  	v11 =	vadd.f32 v12, v11  }
0x1bb: {  	_ =	sdelay $0x2  }
0x1bc: {  	v8 =	vmul.f32 v10, v8  }
0x1bd: {  	v10 =	vld [tilespmem:s9+$0x0]  }
0x1be: {  	v8 =	vadd.f32 v8, v11;
	v11 =	vld [tilespmem:s0+$0x6480]  }
0x1bf: {  	s12 =	simm.s32 $0x10  }
.LBB2_16:
0x1c0: {  	s0 =	sand.u32 $0x70, s12;
	p1 =	sne.s32 s12, $0x2F0  }
.Ltmp9:
0x1c1: {  	s6 =	sadd.s32 $0x80, s6;
	s9 =	sadd.s32 $0x10, s9;
	(pc) =	sbr.rel @p1 .LBB2_16-.Ltmp9, $4  }
0x1c2: {  	s12 =	sadd.s32 $0x10, s12;
	s15 =	sand.u32 $0x1C00, s6  }
0x1c3: {  	s0 =	sor.u32 s0, s15;
	v12 =	vmul.f32 v11, v10;
	v10 =	vld [tilespmem:s9+$0x0]  }
0x1c4: {  	v11 =	vld [tilespmem:s0+$0x6480]  }
0x1c5: {  	v9 =	vadd.f32 v12, v9  }
0x1c6: {  	_ = 	snop  }
0x1c7: {  	s6 =	simm.s32 $0x0  }
0x1c8: {  	s9 =	simm.s32 $0x9200;
	s0 =	sand.u32 $0x70, s6;
	s12 =	sand.u32 $0x1C00, s6  }
0x1c9: {  	s12 =	sor.u32 s0, s12;
	v11 =	vmul.f32 v11, v10;
	v10 =	vld [tilespmem:s9+$0x0]  }
0x1ca: {  	v12 =	vld [tilespmem:s12+$0x6500]  }
0x1cb: {  	s15 =	simm.s32 $0x9200;
	v13 =	vimm.f32 $0.0e+00;
	s0 =	simm.s32 $0x10;
	s12 =	simm.s32 $0x0;
	v9 =	vadd.f32 v11, v9;
	v11 =	vimm.f32 $0.0e+00  }
.LBB2_18:
0x1cc: {  	s16 =	sand.u32 $0x70, s0;
	p1 =	sne.s32 s0, $0x2F0  }
.Ltmp10:
0x1cd: {  	s12 =	sadd.s32 $0x80, s12;
	s15 =	sadd.s32 $0x10, s15;
	(pc) =	sbr.rel @p1 .LBB2_18-.Ltmp10, $4  }
0x1ce: {  	s0 =	sadd.s32 $0x10, s0;
	s17 =	sand.u32 $0x1C00, s12  }
0x1cf: {  	s16 =	sor.u32 s16, s17;
	v14 =	vmul.f32 v12, v10;
	v10 =	vld [tilespmem:s15+$0x0]  }
0x1d0: {  	v12 =	vld [tilespmem:s16+$0x6500]  }
0x1d1: {  	v13 =	vadd.f32 v14, v13  }
0x1d2: {  	_ =	sdelay $0x2  }
0x1d3: {  	s0 =	sor.u32 s6, s6;
	v10 =	vmul.f32 v12, v10  }
0x1d4: {  	s6 =	sor.u32 $0x380, s0;
	v12 =	vld [tilespmem:s9+$0x0]  }
0x1d5: {  	v10 =	vadd.f32 v10, v13;
	v13 =	vld [tilespmem:s6+$0x6200];
	_ =	sdelay $0x2  }
0x1d6: {  	s0 =	simm.s32 $0x10;
	s9 =	simm.s32 $0x9210;
	s6 =	simm.s32 $0x80  }
.LBB2_20:
0x1d7: {  	s12 =	sor.u32 s6, s0;
	p1 =	sne.s32 s0, $0x2F0;
	s0 =	sadd.s32 $0x10, s0  }
.Ltmp11:
0x1d8: {  	s12 =	sor.u32 $0x380, s12;
	v14 =	vmul.f32 v13, v12;
	v12 =	vld [tilespmem:s9+$0x0];
	(pc) =	sbr.rel @p1 .LBB2_20-.Ltmp11, $3  }
0x1d9: {  	v13 =	vld [tilespmem:s12+$0x6200]  }
0x1da: {  	v11 =	vadd.f32 v14, v11;
	_ =	sdelay $0x1  }
0x1db: {  	s6 =	sadd.s32 $0x80, s6;
	s9 =	sadd.s32 $0x10, s9  }
0x1dc: {  	s6 =	simm.s32 $0x0  }
0x1dd: {  	s9 =	simm.s32 $0x9200;
	s0 =	sand.u32 $0x70, s6;
	s12 =	sand.u32 $0x1C00, s6  }
0x1de: {  	v13 =	vmul.f32 v13, v12;
	v12 =	vld [tilespmem:s9+$0x0];
	s0 =	sor.u32 s0, s12  }
0x1df: {  	v14 =	vld [tilespmem:s0+$0x7A00]  }
0x1e0: {  	s15 =	simm.s32 $0x0;
	s16 =	simm.s32 $0x9200;
	v15 =	vimm.f32 $0.0e+00;
	s12 =	simm.s32 $0x10;
	v11 =	vadd.f32 v13, v11;
	v13 =	vimm.f32 $0.0e+00  }
.LBB2_22:
0x1e1: {  	s17 =	sand.u32 $0x70, s12;
	p1 =	sne.s32 s12, $0x2F0  }
.Ltmp12:
0x1e2: {  	s15 =	sadd.s32 $0x80, s15;
	s16 =	sadd.s32 $0x10, s16;
	(pc) =	sbr.rel @p1 .LBB2_22-.Ltmp12, $4  }
0x1e3: {  	s12 =	sadd.s32 $0x10, s12;
	s19 =	sand.u32 $0x1C00, s15  }
0x1e4: {  	s17 =	sor.u32 s17, s19;
	v16 =	vmul.f32 v14, v12;
	v12 =	vld [tilespmem:s16+$0x0]  }
0x1e5: {  	v14 =	vld [tilespmem:s17+$0x7A00]  }
0x1e6: {  	v15 =	vadd.f32 v16, v15  }
0x1e7: {  	_ =	sdelay $0x2  }
0x1e8: {  	v12 =	vmul.f32 v14, v12  }
0x1e9: {  	v14 =	vld [tilespmem:s9+$0x0]  }
0x1ea: {  	v12 =	vadd.f32 v12, v15;
	v15 =	vld [tilespmem:s0+$0x7A80]  }
0x1eb: {  	s12 =	simm.s32 $0x10  }
.LBB2_24:
0x1ec: {  	s0 =	sand.u32 $0x70, s12;
	p1 =	sne.s32 s12, $0x2F0  }
.Ltmp13:
0x1ed: {  	s6 =	sadd.s32 $0x80, s6;
	s9 =	sadd.s32 $0x10, s9;
	(pc) =	sbr.rel @p1 .LBB2_24-.Ltmp13, $4  }
0x1ee: {  	s12 =	sadd.s32 $0x10, s12;
	s15 =	sand.u32 $0x1C00, s6  }
0x1ef: {  	s0 =	sor.u32 s0, s15;
	v16 =	vmul.f32 v15, v14;
	v14 =	vld [tilespmem:s9+$0x0]  }
0x1f0: {  	v15 =	vld [tilespmem:s0+$0x7A80]  }
0x1f1: {  	v13 =	vadd.f32 v16, v13  }
0x1f2: {  	_ = 	snop  }
0x1f3: {  	s6 =	simm.s32 $0x0  }
0x1f4: {  	s9 =	simm.s32 $0x9200;
	s0 =	sand.u32 $0x70, s6;
	s12 =	sand.u32 $0x1C00, s6  }
0x1f5: {  	s0 =	sor.u32 s0, s12;
	v15 =	vmul.f32 v15, v14;
	v14 =	vld [tilespmem:s9+$0x0]  }
0x1f6: {  	v16 =	vld [tilespmem:s0+$0x7B00]  }
0x1f7: {  	s15 =	simm.s32 $0x0;
	s16 =	simm.s32 $0x9200;
	v17 =	vimm.f32 $0.0e+00;
	s12 =	simm.s32 $0x10;
	v13 =	vadd.f32 v15, v13;
	v15 =	vimm.f32 $0.0e+00  }
.LBB2_26:
0x1f8: {  	s17 =	sand.u32 $0x70, s12;
	p1 =	sne.s32 s12, $0x2F0  }
.Ltmp14:
0x1f9: {  	s15 =	sadd.s32 $0x80, s15;
	s16 =	sadd.s32 $0x10, s16;
	(pc) =	sbr.rel @p1 .LBB2_26-.Ltmp14, $4  }
0x1fa: {  	s12 =	sadd.s32 $0x10, s12;
	s19 =	sand.u32 $0x1C00, s15  }
0x1fb: {  	s17 =	sor.u32 s17, s19;
	v18 =	vmul.f32 v16, v14;
	v14 =	vld [tilespmem:s16+$0x0]  }
0x1fc: {  	v16 =	vld [tilespmem:s17+$0x7B00]  }
0x1fd: {  	v17 =	vadd.f32 v18, v17  }
0x1fe: {  	_ =	sdelay $0x2  }
0x1ff: {  	v14 =	vmul.f32 v16, v14  }
0x200: {  	v16 =	vld [tilespmem:s9+$0x0]  }
0x201: {  	v14 =	vadd.f32 v14, v17;
	v17 =	vld [tilespmem:s0+$0x7B80]  }
0x202: {  	s12 =	simm.s32 $0x10  }
.LBB2_28:
0x203: {  	s0 =	sand.u32 $0x70, s12;
	p1 =	sne.s32 s12, $0x2F0  }
.Ltmp15:
0x204: {  	s6 =	sadd.s32 $0x80, s6;
	s9 =	sadd.s32 $0x10, s9;
	(pc) =	sbr.rel @p1 .LBB2_28-.Ltmp15, $4  }
0x205: {  	s12 =	sadd.s32 $0x10, s12;
	s15 =	sand.u32 $0x1C00, s6  }
0x206: {  	s0 =	sor.u32 s0, s15;
	v18 =	vmul.f32 v17, v16;
	v16 =	vld [tilespmem:s9+$0x0]  }
0x207: {  	v17 =	vld [tilespmem:s0+$0x7B80]  }
0x208: {  	v15 =	vadd.f32 v18, v15  }
0x209: {  	_ = 	snop  }
0x20a: {  	s6 =	simm.s32 $0x0  }
0x20b: {  	s9 =	simm.s32 $0x9200;
	s0 =	sand.u32 $0x70, s6;
	s12 =	sand.u32 $0x1C00, s6  }
0x20c: {  	s0 =	sor.u32 s0, s12;
	v17 =	vmul.f32 v17, v16;
	v16 =	vld [tilespmem:s9+$0x0]  }
0x20d: {  	v18 =	vld [tilespmem:s0+$0x7C00]  }
0x20e: {  	s15 =	simm.s32 $0x0;
	s16 =	simm.s32 $0x9200;
	v19 =	vimm.f32 $0.0e+00;
	s12 =	simm.s32 $0x10;
	v15 =	vadd.f32 v17, v15;
	v17 =	vimm.f32 $0.0e+00  }
.LBB2_30:
0x20f: {  	s17 =	sand.u32 $0x70, s12;
	p1 =	sne.s32 s12, $0x2F0  }
.Ltmp16:
0x210: {  	s15 =	sadd.s32 $0x80, s15;
	s16 =	sadd.s32 $0x10, s16;
	(pc) =	sbr.rel @p1 .LBB2_30-.Ltmp16, $4  }
0x211: {  	s12 =	sadd.s32 $0x10, s12;
	s19 =	sand.u32 $0x1C00, s15  }
0x212: {  	s17 =	sor.u32 s17, s19;
	v20 =	vmul.f32 v18, v16;
	v16 =	vld [tilespmem:s16+$0x0]  }
0x213: {  	v18 =	vld [tilespmem:s17+$0x7C00]  }
0x214: {  	v19 =	vadd.f32 v20, v19  }
0x215: {  	_ =	sdelay $0x2  }
0x216: {  	v16 =	vmul.f32 v18, v16  }
0x217: {  	v18 =	vld [tilespmem:s9+$0x0]  }
0x218: {  	v16 =	vadd.f32 v16, v19;
	v19 =	vld [tilespmem:s0+$0x7C80]  }
0x219: {  	s12 =	simm.s32 $0x10  }
.LBB2_32:
0x21a: {  	s0 =	sand.u32 $0x70, s12;
	p1 =	sne.s32 s12, $0x2F0  }
.Ltmp17:
0x21b: {  	s6 =	sadd.s32 $0x80, s6;
	s9 =	sadd.s32 $0x10, s9;
	(pc) =	sbr.rel @p1 .LBB2_32-.Ltmp17, $4  }
0x21c: {  	s12 =	sadd.s32 $0x10, s12;
	s15 =	sand.u32 $0x1C00, s6  }
0x21d: {  	s0 =	sor.u32 s0, s15;
	v20 =	vmul.f32 v19, v18;
	v18 =	vld [tilespmem:s9+$0x0]  }
0x21e: {  	v19 =	vld [tilespmem:s0+$0x7C80]  }
0x21f: {  	v17 =	vadd.f32 v20, v17  }
0x220: {  	_ = 	snop  }
0x221: {  	s6 =	simm.s32 $0x0  }
0x222: {  	s9 =	simm.s32 $0x9200;
	s0 =	sand.u32 $0x70, s6;
	s12 =	sand.u32 $0x1C00, s6  }
0x223: {  	s0 =	sor.u32 s0, s12;
	v18 =	vmul.f32 v19, v18;
	v19 =	vld [tilespmem:s9+$0x0]  }
0x224: {  	v20 =	vld [tilespmem:s0+$0x7D00]  }
0x225: {  	s15 =	simm.s32 $0x0;
	s16 =	simm.s32 $0x9200;
	v21 =	vimm.f32 $0.0e+00;
	s12 =	simm.s32 $0x10;
	v18 =	vadd.f32 v18, v17;
	v17 =	vimm.f32 $0.0e+00  }
.LBB2_34:
0x226: {  	s17 =	sand.u32 $0x70, s12;
	p1 =	sne.s32 s12, $0x2F0  }
.Ltmp18:
0x227: {  	s15 =	sadd.s32 $0x80, s15;
	s16 =	sadd.s32 $0x10, s16;
	(pc) =	sbr.rel @p1 .LBB2_34-.Ltmp18, $4  }
0x228: {  	s12 =	sadd.s32 $0x10, s12;
	s19 =	sand.u32 $0x1C00, s15  }
0x229: {  	s17 =	sor.u32 s17, s19;
	v22 =	vmul.f32 v20, v19;
	v19 =	vld [tilespmem:s16+$0x0]  }
0x22a: {  	v20 =	vld [tilespmem:s17+$0x7D00]  }
0x22b: {  	v21 =	vadd.f32 v22, v21  }
0x22c: {  	_ =	sdelay $0x2  }
0x22d: {  	v19 =	vmul.f32 v20, v19  }
0x22e: {  	v20 =	vld [tilespmem:s9+$0x0]  }
0x22f: {  	v19 =	vadd.f32 v19, v21;
	v21 =	vld [tilespmem:s0+$0x7D80]  }
0x230: {  	s12 =	simm.s32 $0x10  }
.LBB2_36:
0x231: {  	s0 =	sand.u32 $0x70, s12;
	p1 =	sne.s32 s12, $0x2F0  }
.Ltmp19:
0x232: {  	s6 =	sadd.s32 $0x80, s6;
	s9 =	sadd.s32 $0x10, s9;
	(pc) =	sbr.rel @p1 .LBB2_36-.Ltmp19, $4  }
0x233: {  	s12 =	sadd.s32 $0x10, s12;
	s15 =	sand.u32 $0x1C00, s6  }
0x234: {  	s0 =	sor.u32 s0, s15;
	v22 =	vmul.f32 v21, v20;
	v20 =	vld [tilespmem:s9+$0x0]  }
0x235: {  	v21 =	vld [tilespmem:s0+$0x7D80]  }
0x236: {  	v17 =	vadd.f32 v22, v17  }
0x237: {  	(xrf2) =	vadd.scan.msk.f32 $0xffff, v4  }
0x238: {  	(xrf2) =	vadd.scan.msk.f32 $0xffff, v5;
	_ =	sdelay $0x4  }
0x239: {  	(xrf2) =	vadd.scan.msk.f32 $0xffff, v6  }
0x23a: {  	(xrf2) =	vadd.scan.msk.f32 $0xffff, v7;
	_ =	sdelay $0x2  }
0x23b: {  	v4, _, _ =	vpop (xrf2)  }
0x23c: {  	v5, _, _ =	vpop (xrf2)  }
0x23d: {  	(xrf2) =	vadd.scan.msk.f32 $0xffff, v8;
	v4 =	vbroadcast v4, $0xF;
	v5 =	vbroadcast v5, $0xF  }
0x23e: {  	(xrf2) =	vadd.scan.msk.f32 $0xffff, v9  }
0x23f: {  	v4 =	vnsel vm12, $0x0, v4;
	v5 =	vnsel vm14, $0x0, v5  }
0x240: {  	v4 =	vadd.f32 $0.0e+00, v4  }
0x241: {  	v6, _, _ =	vpop (xrf2)  }
0x242: {  	v4 =	vadd.f32 v5, v4;
	v5, _, _ =	vpop (xrf2)  }
0x243: {  	(xrf2) =	vadd.scan.msk.f32 $0xffff, v10;
	v6 =	vbroadcast v6, $0xF;
	v5 =	vbroadcast v5, $0xF  }
0x244: {  	(xrf2) =	vadd.scan.msk.f32 $0xffff, v11  }
0x245: {  	v6 =	vnsel vm15, $0x0, v6;
	v5 =	vnsel vm0, $0x0, v5  }
0x246: {  	v4 =	vadd.f32 v6, v4  }
0x247: {  	v51, _, _ =	vpop (xrf2)  }
0x248: {  	v4 =	vadd.f32 v5, v4;
	v5, _, _ =	vpop (xrf2)  }
0x249: {  	(xrf2) =	vadd.scan.msk.f32 $0xffff, v12;
	v6 =	vbroadcast v51, $0xF;
	v5 =	vbroadcast v5, $0xF  }
0x24a: {  	(xrf2) =	vadd.scan.msk.f32 $0xffff, v13  }
0x24b: {  	v6 =	vnsel vm1, $0x0, v6;
	v5 =	vnsel vm2, $0x0, v5  }
0x24c: {  	v4 =	vadd.f32 v6, v4  }
0x24d: {  	v52, _, _ =	vpop (xrf2)  }
0x24e: {  	(xrf2) =	vadd.scan.msk.f32 $0xffff, v14;
	v4 =	vadd.f32 v5, v4;
	v5, _, _ =	vpop (xrf2)  }
0x24f: {  	v6 =	vbroadcast v52, $0xF;
	v5 =	vbroadcast v5, $0xF  }
0x250: {  	(xrf2) =	vadd.scan.msk.f32 $0xffff, v15  }
0x251: {  	v6 =	vnsel vm3, $0x0, v6;
	v5 =	vnsel vm4, $0x0, v5  }
0x252: {  	(xrf2) =	vadd.scan.msk.f32 $0xffff, v16;
	v4 =	vadd.f32 v6, v4  }
0x253: {  	v53, _, _ =	vpop (xrf2)  }
0x254: {  	(xrf2) =	vadd.scan.msk.f32 $0xffff, v18;
	v4 =	vadd.f32 v5, v4;
	v5, _, _ =	vpop (xrf2)  }
0x255: {  	v6 =	vbroadcast v53, $0xF;
	(xrf2) =	vadd.scan.msk.f32 $0xffff, v19;
	v5 =	vbroadcast v5, $0xF;
	_ =	sdelay $0x1  }
0x256: {  	v54 =	vmul.f32 v21, v20;
	v6 =	vnsel vm5, $0x0, v6;
	v5 =	vnsel vm6, $0x0, v5  }
0x257: {  	v4 =	vadd.f32 v6, v4;
	v55, _, _ =	vpop (xrf2)  }
0x258: {  	v7 =	vadd.f32 v54, v17;
	v56 =	vbroadcast v55, $0xF  }
0x259: {  	v4 =	vadd.f32 v5, v4;
	v5, _, _ =	vpop (xrf2)  }
0x25a: {  	(xrf2) =	vadd.scan.msk.f32 $0xffff, v7;
	v6 =	vnsel vm7, $0x0, v56;
	v5 =	vbroadcast v5, $0xF  }
0x25b: {  	v4 =	vadd.f32 v6, v4;
	v57, _, _ =	vpop (xrf2)  }
0x25c: {  	v58 =	vbroadcast v57, $0xF;
	v5 =	vnsel vm8, $0x0, v5  }
0x25d: {  	v59, _, _ =	vpop (xrf2);
	v4 =	vadd.f32 v5, v4  }
0x25e: {  	v60 =	vbroadcast v59, $0xF;
	v5 =	vnsel vm9, $0x0, v58;
	v61, _, _ =	vpop (xrf2)  }
0x25f: {  	v62 =	vbroadcast v61, $0xF;
	v4 =	vadd.f32 v5, v4  }
0x260: {  	v5 =	vnsel vm10, $0x0, v60  }
0x261: {  	v4 =	vadd.f32 v5, v4;
	v5 =	vnsel vm11, $0x0, v62;
	_ =	sdelay $0x1  }
0x262: {  	v63 =	vld [tilespmem:$0xAF80]  }
0x263: {  	v4 =	vadd.f32 v5, v4;
	v5, _, _ =	vpop (xrf2)  }
0x264: {  	v5 =	vsel vm13, $0x0, v5  }
0x265: {  	v4 =	vadd.f32 v5, v4;
	_ =	sdelay $0x1  }
0x266: {  	v4 =	vadd.f32 v63, v4;
	_ =	sdelay $0x1  }
0x267: {  	v4 =	vmax.f32 v4, $0.0e+00  }
0x268: {  	[tilespmem:$0xAD00] =	vst v4  }
0x269: {  	[hbm4b:s25+s7] =	stream.linear.scatter [tilespmem:s5], [sflag:$0x2], $0x80, $0x38;
	[tilespmem:$0xB080] =	vst v63  }
.Ltmp20:
0x26a: {  	_ =	swait.ge [sflag:s1], $0x80;
	(pc) =	sbr.rel @p0 .LBB2_39-.Ltmp20, $3  }
0x26b: {  	[sflag:s1] =	ssyncset.done $0x0  }
0x26c: {  	[sflag:s1] =	ssyncadd.s32 $0xFFFFFF80  }
0x26d: {  	[bflag:$0x0] =	sbarrier.arrive $0xFFFF;
	_ =	sdelay $0x1  }
0x26e: {  	s0 =	rddreg [dreg:$0xa];
	s6 =	simm.s32 $0x9500  }
0x26f: {  	[tilespmem:s6], [sflag:$0x2] =	stream.linear.gather [hbm4b:s0+s7], $0x800, $0x38;
	[tilespmem:$0xB080] =	vst v63  }
0x270: {  	_ =	swait.ge [sflag:s1], $0x800  }
0x271: {  	[sflag:s1] =	ssyncset.done $0x0  }
0x272: {  	[sflag:s1] =	ssyncadd.s32 $0xFFFFF800  }
0x273: {  	s15 =	simm.s32 $0xAE80;
	s12 =	rddreg [dreg:$0x3]  }
0x274: {  	[tilespmem:s15], [sflag:$0x2] =	stream.linear.gather [hbm4b:s12+s7], $0x100, $0x38;
	[tilespmem:$0xB080] =	vst v63  }
0x275: {  	_ =	swait.ge [sflag:s1], $0x100  }
0x276: {  	[sflag:s1] =	ssyncset.done $0x0  }
0x277: {  	s17 =	simm.s32 $0xB000;
	s16 =	rddreg [dreg:$0x9];
	[sflag:s1] =	ssyncadd.s32 $0xFFFFFF00  }
0x278: {  	[tilespmem:s17], [sflag:$0x2] =	stream.linear.gather [hbm4b:s16+s7], $0x80, $0x38;
	[tilespmem:$0xB080] =	vst v63  }
0x279: {  	_ =	swait.ge [sflag:s1], $0x80  }
0x27a: {  	[sflag:s1] =	ssyncset.done $0x0  }
0x27b: {  	[sflag:s1] =	ssyncadd.s32 $0xFFFFFF80  }
0x27c: {  	v4 =	vld [tilespmem:$0x9500]  }
0x27d: {  	v5 =	vld [tilespmem:$0xAE80]  }
0x27e: {  	v6 =	vld [tilespmem:$0x9580]  }
0x27f: {  	v7 =	vld [tilespmem:$0xAE90]  }
0x280: {  	v8 =	vld [tilespmem:$0x9600]  }
0x281: {  	v9 =	vld [tilespmem:$0xAEA0]  }
0x282: {  	v10 =	vld [tilespmem:$0xAEB0];
	v4 =	vmul.f32 v5, v4  }
0x283: {  	v5 =	vld [tilespmem:$0x9680]  }
0x284: {  	v40 =	vld [tilespmem:$0x9700];
	v6 =	vmul.f32 v7, v6;
	v4 =	vadd.f32 $0.0e+00, v4  }
0x285: {  	v11 =	vld [tilespmem:$0xAEC0]  }
0x286: {  	v42 =	vld [tilespmem:$0x9780];
	v41 =	vmul.f32 v9, v8;
	v4 =	vadd.f32 v6, v4  }
0x287: {  	v43 =	vld [tilespmem:$0xAED0]  }
0x288: {  	v44 =	vld [tilespmem:$0x9800];
	v5 =	vmul.f32 v10, v5;
	v4 =	vadd.f32 v41, v4  }
0x289: {  	v45 =	vld [tilespmem:$0xAEE0]  }
0x28a: {  	v46 =	vld [tilespmem:$0x9880];
	v4 =	vadd.f32 v5, v4;
	v5 =	vmul.f32 v11, v40  }
0x28b: {  	v47 =	vld [tilespmem:$0xAEF0]  }
0x28c: {  	v48 =	vld [tilespmem:$0x9900];
	v4 =	vadd.f32 v5, v4;
	v5 =	vmul.f32 v43, v42  }
0x28d: {  	v49 =	vld [tilespmem:$0xAF00]  }
0x28e: {  	v50 =	vld [tilespmem:$0x9980];
	v4 =	vadd.f32 v5, v4;
	v5 =	vmul.f32 v45, v44  }
0x28f: {  	v51 =	vld [tilespmem:$0xAF10]  }
0x290: {  	v52 =	vld [tilespmem:$0x9A00];
	v4 =	vadd.f32 v5, v4;
	v5 =	vmul.f32 v47, v46  }
0x291: {  	v53 =	vld [tilespmem:$0xAF20]  }
0x292: {  	v54 =	vld [tilespmem:$0x9A80];
	v4 =	vadd.f32 v5, v4;
	v5 =	vmul.f32 v49, v48  }
0x293: {  	v55 =	vld [tilespmem:$0xAF30]  }
0x294: {  	v56 =	vld [tilespmem:$0x9B00];
	v4 =	vadd.f32 v5, v4;
	v5 =	vmul.f32 v51, v50  }
0x295: {  	v57 =	vld [tilespmem:$0xAF40]  }
0x296: {  	v58 =	vld [tilespmem:$0x9B80];
	v4 =	vadd.f32 v5, v4;
	v5 =	vmul.f32 v53, v52  }
0x297: {  	v59 =	vld [tilespmem:$0xAF50]  }
0x298: {  	v60 =	vld [tilespmem:$0x9C00];
	v4 =	vadd.f32 v5, v4;
	v5 =	vmul.f32 v55, v54  }
0x299: {  	v61 =	vld [tilespmem:$0xAF60]  }
0x29a: {  	v62 =	vld [tilespmem:$0x9C80];
	v4 =	vadd.f32 v5, v4;
	v5 =	vmul.f32 v57, v56  }
0x29b: {  	v63 =	vld [tilespmem:$0xAF70]  }
0x29c: {  	v4 =	vadd.f32 v5, v4;
	v5 =	vmul.f32 v59, v58;
	_ =	sdelay $0x1  }
0x29d: {  	v4 =	vadd.f32 v5, v4;
	v5 =	vmul.f32 v61, v60;
	_ =	sdelay $0x1  }
0x29e: {  	v4 =	vadd.f32 v5, v4;
	v5 =	vmul.f32 v63, v62;
	_ =	sdelay $0x1  }
0x29f: {  	v4 =	vadd.f32 v5, v4;
	_ =	sdelay $0x1  }
0x2a0: {  	(xrf2) =	vadd.scan.msk.f32 $0xffff, v4;
	_ =	sdelay $0x7  }
0x2a1: {  	v4 =	vld [tilespmem:$0xB000];
	_ =	sdelay $0x1  }
0x2a2: {  	v5, _, _ =	vpop (xrf2)  }
0x2a3: {  	v5 =	vbroadcast v5, $0xF;
	_ =	sdelay $0x1  }
0x2a4: {  	v4 =	vadd.f32 v5, v4;
	_ =	sdelay $0x1  }
.Ltmp21:
0x2a5: {  	s19 =	rddreg [dreg:$0x6];
	[tilespmem:$0xAD00] =	vst v4;
	(pc) =	sbr.rel .LBB2_39-.Ltmp21, $4  }
0x2a6: {  	[hbm4b:s19+s7] =	stream.linear.scatter [tilespmem:s5], [sflag:$0x2], $0x80, $0x38;
	[tilespmem:$0xB080] =	vst v63  }
0x2a7: {  	_ =	swait.ge [sflag:s1], $0x80  }
0x2a8: {  	[sflag:s1] =	ssyncset.done $0x0  }
0x2a9: {  	[sflag:s1] =	ssyncadd.s32 $0xFFFFFF80  }
.LBB2_40:
0x2aa: {  	_ =	sfence.sel $0x180000  }
0x2ab: {  	[bflag:$0x0] =	sbarrier.arrive $0xFFFF  }
0x2ac: {  	_ =	strace $0x90000047  }
0x2ad: {  	[bflag:$0x2] =	sbarrier.arrive $0xFFFF  }
0x2ae: {  	s0 =	rddreg [dreg:$0x8]  }
0x2af: {  	s0 =	sadd.s32 @!p0 $0x100000, s0  }
0x2b0: {  	[sflag:s0] =	ssyncadd.tile.s32 @!p0 $0x1;
	_ =	shalt  }
.Lfunc_end2:
_tile_overlayer_lowered:
.L_overlay_start_2:
0x2b1: {  	(tag) =	ssettag $0x2  }
0x2b2: {  	s0 =	rddreg [dreg:$0x0];
	s2 =	stileid.u32  }
0x2b3: {  	s1 =	rddreg [dreg:$0x1];
	p0 =	sne.s32 s2, $0x0  }
0x2b4: {  	s3 =	rddreg [dreg:$0x2];
	[bflag:$0x3] =	sbarrier.arrive $0xFFFF;
	s2 =	simm.s32 @!p0 $0x1C02  }
0x2b5: {  	[timem:s3], [sflag:s2] =	dma.local @!p0 [hbm:s0], s1  }
0x2b6: {  	s0 =	simm.s32 @!p0 $0x2  }
0x2b7: {  	_ =	swait.ge @!p0 [sflag:s0], s1  }
0x2b8: {  	s1 =	ssub.s32 @!p0 $0x0, s1;
	[sflag:s0] =	ssyncset.done @!p0 $0x0  }
0x2b9: {  	[sflag:s0] =	ssyncadd.s32 @!p0 s1  }
0x2ba: {  	[bflag:$0x3] =	sbarrier.arrive $0xFFFF  }
0x2bb: {  	_ =	shalt  }

</sc_bundles>
